<compile_context>
chip_gen: v7x
topology: tpu7x:2x2x1
jax: 0.10.2.dev20260603
libtpu: 0.0.44.dev20260713+nightly
codegen_flags: <defaults>
</compile_context>

<pallas_src>
import jax
import jax.numpy as jnp
from jax import lax
from jax.experimental import pallas as pl
from jax.experimental.pallas import tpu as pltpu
from jax.experimental.pallas import tpu_sc as plsc

N = 10000
DEG = 32
DIM = 3
F = 128

NW = 32
NPW = 320
NPAD = NW * NPW
EPW = NPW * DEG
EPAD = NW * EPW
L = 16

NB = 2
EB = NB * DEG
NBATCH = NPW // NB


def _splat_i32(v):
    return jnp.full((L,), v, dtype=jnp.int32)


def _wgt_body(xs_h, ys_h, zs_h, idx_h, adj_h, prm_h, wout_h,
              xs, ys, zs, idxv, adjv, prmv):
    cid = lax.axis_index("c")
    sid = lax.axis_index("s")
    w = sid * 2 + cid
    node_base = w * NPW

    pltpu.sync_copy(xs_h, xs)
    pltpu.sync_copy(ys_h, ys)
    pltpu.sync_copy(zs_h, zs)
    pltpu.sync_copy(idx_h.at[w], idxv)
    pltpu.sync_copy(adj_h.at[w], adjv)
    pltpu.sync_copy(prm_h, prmv)

    def p(i):
        return prmv[i, :]

    wu = [[p(d * 3 + r) for r in range(3)] for d in range(3)]
    bu = [p(9 + r) for r in range(3)]
    mu = [p(12 + r) for r in range(3)]
    half = jnp.full((L,), -0.5, dtype=jnp.float32)
    csig = [half / p(15 + r) for r in range(3)]

    lane = lax.iota(jnp.int32, L)
    one = jnp.full((L,), 1.0, dtype=jnp.float32)
    two = jnp.full((L,), 2.0, dtype=jnp.float32)

    def wbody(t, carry):
        el = t * L + lane
        i = node_base + lax.shift_right_logical(el, 5)
        j = idxv[pl.ds(t * L, L)]
        xi = plsc.load_gather(xs, [i])
        yi = plsc.load_gather(ys, [i])
        zi = plsc.load_gather(zs, [i])
        xj = plsc.load_gather(xs, [j])
        yj = plsc.load_gather(ys, [j])
        zj = plsc.load_gather(zs, [j])
        ux = xj - xi
        uy = yj - yi
        uz = zj - zi
        q = jnp.zeros((L,), dtype=jnp.float32)
        for r in range(3):
            a = ux * wu[0][r] + uy * wu[1][r] + uz * wu[2][r] + bu[r]
            e2 = jnp.exp(a + a)
            tr = one - two / (e2 + one)
            d = tr - mu[r]
            q = q + d * d * csig[r]
        adjv[pl.ds(t * L, L)] = jnp.exp(q) * adjv[pl.ds(t * L, L)]
        return carry

    lax.fori_loop(0, EPW // L, wbody, 0)
    pltpu.sync_copy(adjv, wout_h.at[w])


_wgt_call = pl.kernel(
    _wgt_body,
    mesh=plsc.VectorSubcoreMesh(core_axis_name="c", subcore_axis_name="s"),
    compiler_params=pltpu.CompilerParams(needs_layout_passes=False),
    out_type=jax.ShapeDtypeStruct((NW, EPW), jnp.float32),
    scratch_types=[
        pltpu.VMEM((NPAD,), jnp.float32),
        pltpu.VMEM((NPAD,), jnp.float32),
        pltpu.VMEM((NPAD,), jnp.float32),
        pltpu.VMEM((EPW,), jnp.int32),
        pltpu.VMEM((EPW,), jnp.float32),
        pltpu.VMEM((24, L), jnp.float32),
    ],
)


def _agg_body(idx_h, w_h, g_h, b2_h, out_h,
              idxv, wvv, rows, outv, b2v, gsh, sem0, sem1):
    cid = lax.axis_index("c")
    sid = lax.axis_index("s")
    w = sid * 2 + cid
    node_base = w * NPW

    pltpu.sync_copy(idx_h.at[w], idxv)
    pltpu.sync_copy(w_h.at[w], wvv)
    pltpu.sync_copy(b2_h, b2v)

    gchunk = NPAD // 16
    pltpu.sync_copy(g_h.at[pl.ds(sid * gchunk, gchunk)],
                    gsh.at[pl.ds(sid * gchunk, gchunk)])
    plsc.subcore_barrier()

    sems = (sem0, sem1)
    pltpu.async_copy(gsh.at[idxv.at[0]], rows.at[0], sem0)
    pltpu.async_copy(gsh.at[idxv.at[1]], rows.at[1], sem1)

    b2r = [b2v[pl.ds(c * L, L)] for c in range(F // L)]

    def abody(m, carry):
        for sub in range(2):
            b = 2 * m + sub
            ebase = b * EB
            buf = rows.at[sub]
            pltpu.make_async_copy(gsh.at[idxv.at[b]], buf, sems[sub]).wait()
            for n in range(NB):
                rbase = n * DEG

                def ebody(kk, acc, _rbase=rbase, _ebase=ebase):
                    out = list(acc)
                    for u in range(4):
                        le = kk * 4 + u
                        wb = plsc.load_gather(
                            wvv, [_splat_i32(_ebase + _rbase + le)])
                        for c in range(F // L):
                            out[c] = out[c] + wb * rows[
                                sub, _rbase + le, pl.ds(c * L, L)]
                    return tuple(out)

                acc = lax.fori_loop(0, DEG // 4, ebody, tuple(b2r))
                for c in range(F // L):
                    outv[sub * NB + n, pl.ds(c * L, L)] = acc[c]

            @pl.when(b + 2 < NBATCH)
            def _():
                pltpu.async_copy(gsh.at[idxv.at[b + 2]], buf, sems[sub])

        pltpu.sync_copy(
            outv, out_h.at[pl.ds(node_base + m * 2 * NB, 2 * NB)])
        return carry

    lax.fori_loop(0, NBATCH // 2, abody, 0)


_agg_call = pl.kernel(
    _agg_body,
    mesh=plsc.VectorSubcoreMesh(core_axis_name="c", subcore_axis_name="s"),
    compiler_params=pltpu.CompilerParams(needs_layout_passes=False),
    out_type=jax.ShapeDtypeStruct((NPAD, F), jnp.float32),
    scratch_types=[
        pltpu.VMEM((NBATCH, EB), jnp.int32),
        pltpu.VMEM((EPW,), jnp.float32),
        pltpu.VMEM((2, EB, F), jnp.float32),
        pltpu.VMEM((2 * NB, F), jnp.float32),
        pltpu.VMEM((F,), jnp.float32),
        pltpu.VMEM_SHARED((NPAD, F), jnp.float32),
        pltpu.SemaphoreType.DMA,
        pltpu.SemaphoreType.DMA,
    ],
)


def _mm_body(x_ref, w_ref, o_ref):
    o_ref[...] = jnp.dot(x_ref[...], w_ref[...],
                         preferred_element_type=jnp.float32)


_mm_call = pl.pallas_call(
    _mm_body,
    grid=(NPAD // F,),
    in_specs=[
        pl.BlockSpec((F, F), lambda i: (i, 0)),
        pl.BlockSpec((F, F), lambda i: (0, 0)),
    ],
    out_specs=pl.BlockSpec((F, F), lambda i: (i, 0)),
    out_shape=jax.ShapeDtypeStruct((NPAD, F), jnp.float32),
)


def kernel(features, adj_data, adj_indices, adj_indptr, W_u, b_u, mu, sigma,
           W2, b2):
    del adj_indptr
    coords = features[:, :DIM]
    feat_pad = jnp.pad(features[:, DIM:], ((0, NPAD - N), (0, 0)))
    g = _mm_call(feat_pad, W2)

    xs = jnp.pad(coords[:, 0], (0, NPAD - N))
    ys = jnp.pad(coords[:, 1], (0, NPAD - N))
    zs = jnp.pad(coords[:, 2], (0, NPAD - N))
    idx_flat = jnp.pad(adj_indices, (0, EPAD - N * DEG)).reshape(NW, EPW)
    idx_b = idx_flat.reshape(NW, NBATCH, EB)
    adj = jnp.pad(adj_data, (0, EPAD - N * DEG)).reshape(NW, EPW)
    prm = jnp.concatenate([
        jnp.ravel(W_u), jnp.ravel(b_u), jnp.ravel(mu), jnp.ravel(sigma),
        jnp.zeros((6,), dtype=jnp.float32),
    ])
    prm = jnp.tile(prm[:, None], (1, L))

    wgt = _wgt_call(xs, ys, zs, idx_flat, adj, prm)
    out = _agg_call(idx_b, wgt, g, b2)
    return jnp.column_stack((coords, out[:N]))

# --- scband reference (transcript-rebuilt; emitter-appended) ---
"""Pipeline reference for scband-mo-net-layer-17841294147949 (READ-ONLY COPY).

The authoritative reference and input builder live on the scoring server;
editing this copy changes nothing except your own understanding.
"""

import jax, jax.numpy as jnp
import numpy as np

N = 10000
DEG = 32
E = N * DEG
DIM = 3
R = 3
CH = 128
F_IN = 128


def setup_inputs(seed: int = 0) -> dict:
    key = jax.random.key(seed)
    ks = jax.random.split(key, 8)
    features = jax.random.normal(ks[0], (N, DIM + F_IN), dtype=jnp.float32)
    adj_indices = jax.random.randint(ks[1], (E,), 0, N, dtype=jnp.int32)
    adj_indptr = jnp.arange(N + 1, dtype=jnp.int32) * DEG
    adj_data = jax.random.uniform(ks[2], (E,), dtype=jnp.float32)
    # learned params (flax Dense(r), mu, sigma, Dense(channels))
    W_u = jax.random.normal(ks[3], (DIM, R), dtype=jnp.float32) / np.sqrt(DIM)
    b_u = jnp.zeros((R,), dtype=jnp.float32)
    mu = jax.random.normal(ks[4], (R, 1), dtype=jnp.float32) / np.sqrt(R)
    sigma = jnp.squeeze(jnp.abs(jax.random.normal(ks[5], (R, 1), dtype=jnp.float32) / np.sqrt(R))) + 0.05
    W2 = jax.random.normal(ks[6], (F_IN, CH), dtype=jnp.float32) / np.sqrt(F_IN)
    b2 = jnp.zeros((CH,), dtype=jnp.float32)
    return {
        "features": features,
        "adj_data": adj_data,
        "adj_indices": adj_indices,
        "adj_indptr": adj_indptr,
        "W_u": W_u,
        "b_u": b_u,
        "mu": mu,
        "sigma": sigma,
        "W2": W2,
        "b2": b2,
    }


def reference(features, adj_data, adj_indices, adj_indptr, W_u, b_u, mu, sigma, W2, b2):
    node_coords = features[:, :DIM]
    deg = adj_indptr[1:] - adj_indptr[:-1]
    row_ids = jnp.repeat(jnp.arange(N), deg, total_repeat_length=E)
    # monet_xi: source-node coords repeated per row degree (matches the scan in the original)
    monet_xi = node_coords[row_ids]
    monet_xj = node_coords[adj_indices]
    monet_u = monet_xj - monet_xi
    monet_u = jnp.expand_dims(jnp.tanh(monet_u @ W_u + b_u), axis=-1)  # [E, R, 1]

    def _get_weight_i(u_j):
        return jnp.exp(-0.5 * ((u_j - mu).T @ jnp.diag(1.0 / sigma) @ (u_j - mu)))

    weights = jnp.squeeze(jax.vmap(_get_weight_i)(monet_u))  # [E]
    # aggregate: CSR spmm (adjacency.data * weights) @ features[:, DIM:]
    feat = features[:, DIM:]
    vals = (adj_data * weights)[:, None] * feat[adj_indices]
    out = jax.ops.segment_sum(vals, row_ids, num_segments=N)
    out = out @ W2 + b2
    return jnp.column_stack((node_coords, out))

if __name__ == "__main__":
    import jax
    _d = setup_inputs()
    print(jax.jit(kernel)(*tuple(_d.values())))

</pallas_src>

<mosaic_0001>
#map = affine_map<(d0, d1) -> (0)>
#map1 = affine_map<(d0, d1) -> (0, 0)>
module attributes {stable_mosaic.version = 14 : i64} {
  func.func @_wgt_body(%arg0: i32, %arg1: i32, %arg2: memref<10240xf32, #tpu.memory_space<hbm>>, %arg3: memref<10240xf32, #tpu.memory_space<hbm>>, %arg4: memref<10240xf32, #tpu.memory_space<hbm>>, %arg5: memref<32x10240xi32, #tpu.memory_space<hbm>>, %arg6: memref<32x10240xf32, #tpu.memory_space<hbm>>, %arg7: memref<24x16xf32, #tpu.memory_space<hbm>>, %arg8: memref<32x10240xf32, #tpu.memory_space<hbm>>, %arg9: memref<10240xf32, #tpu.memory_space<vmem>>, %arg10: memref<10240xf32, #tpu.memory_space<vmem>>, %arg11: memref<10240xf32, #tpu.memory_space<vmem>>, %arg12: memref<10240xi32, #tpu.memory_space<vmem>>, %arg13: memref<10240xf32, #tpu.memory_space<vmem>>, %arg14: memref<24x16xf32, #tpu.memory_space<vmem>>) attributes {dimension_semantics = [#tpu.dimension_semantics<core_parallel>, #tpu.dimension_semantics<subcore_parallel>], iteration_bounds = array<i64: 2, 16>, scalar_prefetch = 0 : i64, scratch_operands = 6 : i64, tpu.core_type = #tpu.core_type<sc_vector_subcore>, window_params = [{transform_indices = #map}, {transform_indices = #map}, {transform_indices = #map}, {transform_indices = #map1}, {transform_indices = #map1}, {transform_indices = #map1}, {transform_indices = #map1}]} {
    %mul3A = arith.constant 2 : i32
    %mul3A_0 = arith.muli %arg1, %mul3A : i32
    %add3A = arith.addi %mul3A_0, %arg0 : i32
    %mul3A_1 = arith.constant 320 : i32
    %mul3A_2 = arith.muli %add3A, %mul3A_1 : i32
    "tpu.region"() ({
      %run_scoped3A = tpu.sem_alloc : memref<!tpu.dma_semaphore, #tpu.memory_space<semaphore_mem>>
      tpu.enqueue_dma source(%arg2 : memref<10240xf32, #tpu.memory_space<hbm>>) target(%arg9 : memref<10240xf32, #tpu.memory_space<vmem>>) target_semaphore(%run_scoped3A : memref<!tpu.dma_semaphore, #tpu.memory_space<semaphore_mem>>)
      tpu.wait_dma2 semaphore(%run_scoped3A : memref<!tpu.dma_semaphore, #tpu.memory_space<semaphore_mem>>) src(%arg2 : memref<10240xf32, #tpu.memory_space<hbm>>) dst(%arg9 : memref<10240xf32, #tpu.memory_space<vmem>>)
      tpu.yield
    }) : () -> ()
    "tpu.region"() ({
      %run_scoped3A = tpu.sem_alloc : memref<!tpu.dma_semaphore, #tpu.memory_space<semaphore_mem>>
      tpu.enqueue_dma source(%arg3 : memref<10240xf32, #tpu.memory_space<hbm>>) target(%arg10 : memref<10240xf32, #tpu.memory_space<vmem>>) target_semaphore(%run_scoped3A : memref<!tpu.dma_semaphore, #tpu.memory_space<semaphore_mem>>)
      tpu.wait_dma2 semaphore(%run_scoped3A : memref<!tpu.dma_semaphore, #tpu.memory_space<semaphore_mem>>) src(%arg3 : memref<10240xf32, #tpu.memory_space<hbm>>) dst(%arg10 : memref<10240xf32, #tpu.memory_space<vmem>>)
      tpu.yield
    }) : () -> ()
    "tpu.region"() ({
      %run_scoped3A = tpu.sem_alloc : memref<!tpu.dma_semaphore, #tpu.memory_space<semaphore_mem>>
      tpu.enqueue_dma source(%arg4 : memref<10240xf32, #tpu.memory_space<hbm>>) target(%arg11 : memref<10240xf32, #tpu.memory_space<vmem>>) target_semaphore(%run_scoped3A : memref<!tpu.dma_semaphore, #tpu.memory_space<semaphore_mem>>)
      tpu.wait_dma2 semaphore(%run_scoped3A : memref<!tpu.dma_semaphore, #tpu.memory_space<semaphore_mem>>) src(%arg4 : memref<10240xf32, #tpu.memory_space<hbm>>) dst(%arg11 : memref<10240xf32, #tpu.memory_space<vmem>>)
      tpu.yield
    }) : () -> ()
    "tpu.region"() ({
      %run_scoped3A = tpu.sem_alloc : memref<!tpu.dma_semaphore, #tpu.memory_space<semaphore_mem>>
      %dma_start3A = arith.constant 0 : i32
      %dma_start3A_86 = tpu.memref_slice %arg5[%add3A, %dma_start3A] : memref<32x10240xi32, #tpu.memory_space<hbm>> -> memref<1x10240xi32, #tpu.memory_space<hbm>>
      %dma_start3A_87 = tpu.memref_squeeze %dma_start3A_86 : memref<1x10240xi32, #tpu.memory_space<hbm>> -> memref<10240xi32, #tpu.memory_space<hbm>>
      %dma_start3A_88 = arith.constant 0 : i32
      %dma_start3A_89 = tpu.memref_slice %arg5[%add3A, %dma_start3A_88] : memref<32x10240xi32, #tpu.memory_space<hbm>> -> memref<1x10240xi32, #tpu.memory_space<hbm>>
      %dma_start3A_90 = tpu.memref_squeeze %dma_start3A_89 : memref<1x10240xi32, #tpu.memory_space<hbm>> -> memref<10240xi32, #tpu.memory_space<hbm>>
      tpu.enqueue_dma source(%dma_start3A_90 : memref<10240xi32, #tpu.memory_space<hbm>>) target(%arg12 : memref<10240xi32, #tpu.memory_space<vmem>>) target_semaphore(%run_scoped3A : memref<!tpu.dma_semaphore, #tpu.memory_space<semaphore_mem>>)
      %dma_wait3A = arith.constant 0 : i32
      %dma_wait3A_91 = tpu.memref_slice %arg5[%add3A, %dma_wait3A] : memref<32x10240xi32, #tpu.memory_space<hbm>> -> memref<1x10240xi32, #tpu.memory_space<hbm>>
      %dma_wait3A_92 = tpu.memref_squeeze %dma_wait3A_91 : memref<1x10240xi32, #tpu.memory_space<hbm>> -> memref<10240xi32, #tpu.memory_space<hbm>>
      %dma_wait3A_93 = arith.constant 0 : i32
      %dma_wait3A_94 = tpu.memref_slice %arg5[%add3A, %dma_wait3A_93] : memref<32x10240xi32, #tpu.memory_space<hbm>> -> memref<1x10240xi32, #tpu.memory_space<hbm>>
      %dma_wait3A_95 = tpu.memref_squeeze %dma_wait3A_94 : memref<1x10240xi32, #tpu.memory_space<hbm>> -> memref<10240xi32, #tpu.memory_space<hbm>>
      tpu.wait_dma2 semaphore(%run_scoped3A : memref<!tpu.dma_semaphore, #tpu.memory_space<semaphore_mem>>) src(%dma_wait3A_95 : memref<10240xi32, #tpu.memory_space<hbm>>) dst(%arg12 : memref<10240xi32, #tpu.memory_space<vmem>>)
      tpu.yield
    }) : () -> ()
    "tpu.region"() ({
      %run_scoped3A = tpu.sem_alloc : memref<!tpu.dma_semaphore, #tpu.memory_space<semaphore_mem>>
      %dma_start3A = arith.constant 0 : i32
      %dma_start3A_86 = tpu.memref_slice %arg6[%add3A, %dma_start3A] : memref<32x10240xf32, #tpu.memory_space<hbm>> -> memref<1x10240xf32, #tpu.memory_space<hbm>>
      %dma_start3A_87 = tpu.memref_squeeze %dma_start3A_86 : memref<1x10240xf32, #tpu.memory_space<hbm>> -> memref<10240xf32, #tpu.memory_space<hbm>>
      %dma_start3A_88 = arith.constant 0 : i32
      %dma_start3A_89 = tpu.memref_slice %arg6[%add3A, %dma_start3A_88] : memref<32x10240xf32, #tpu.memory_space<hbm>> -> memref<1x10240xf32, #tpu.memory_space<hbm>>
      %dma_start3A_90 = tpu.memref_squeeze %dma_start3A_89 : memref<1x10240xf32, #tpu.memory_space<hbm>> -> memref<10240xf32, #tpu.memory_space<hbm>>
      tpu.enqueue_dma source(%dma_start3A_90 : memref<10240xf32, #tpu.memory_space<hbm>>) target(%arg13 : memref<10240xf32, #tpu.memory_space<vmem>>) target_semaphore(%run_scoped3A : memref<!tpu.dma_semaphore, #tpu.memory_space<semaphore_mem>>)
      %dma_wait3A = arith.constant 0 : i32
      %dma_wait3A_91 = tpu.memref_slice %arg6[%add3A, %dma_wait3A] : memref<32x10240xf32, #tpu.memory_space<hbm>> -> memref<1x10240xf32, #tpu.memory_space<hbm>>
      %dma_wait3A_92 = tpu.memref_squeeze %dma_wait3A_91 : memref<1x10240xf32, #tpu.memory_space<hbm>> -> memref<10240xf32, #tpu.memory_space<hbm>>
      %dma_wait3A_93 = arith.constant 0 : i32
      %dma_wait3A_94 = tpu.memref_slice %arg6[%add3A, %dma_wait3A_93] : memref<32x10240xf32, #tpu.memory_space<hbm>> -> memref<1x10240xf32, #tpu.memory_space<hbm>>
      %dma_wait3A_95 = tpu.memref_squeeze %dma_wait3A_94 : memref<1x10240xf32, #tpu.memory_space<hbm>> -> memref<10240xf32, #tpu.memory_space<hbm>>
      tpu.wait_dma2 semaphore(%run_scoped3A : memref<!tpu.dma_semaphore, #tpu.memory_space<semaphore_mem>>) src(%dma_wait3A_95 : memref<10240xf32, #tpu.memory_space<hbm>>) dst(%arg13 : memref<10240xf32, #tpu.memory_space<vmem>>)
      tpu.yield
    }) : () -> ()
    "tpu.region"() ({
      %run_scoped3A = tpu.sem_alloc : memref<!tpu.dma_semaphore, #tpu.memory_space<semaphore_mem>>
      tpu.enqueue_dma source(%arg7 : memref<24x16xf32, #tpu.memory_space<hbm>>) target(%arg14 : memref<24x16xf32, #tpu.memory_space<vmem>>) target_semaphore(%run_scoped3A : memref<!tpu.dma_semaphore, #tpu.memory_space<semaphore_mem>>)
      tpu.wait_dma2 semaphore(%run_scoped3A : memref<!tpu.dma_semaphore, #tpu.memory_space<semaphore_mem>>) src(%arg7 : memref<24x16xf32, #tpu.memory_space<hbm>>) dst(%arg14 : memref<24x16xf32, #tpu.memory_space<vmem>>)
      tpu.yield
    }) : () -> ()
    %get3A = arith.constant 0 : i32
    %get3A_3 = arith.index_cast %get3A : i32 to index
    %get3A_4 = arith.constant 0 : index
    %get3A_5 = tpu.vector_load %arg14[%get3A_3, %get3A_4] {strides = array<i32>} : memref<24x16xf32, #tpu.memory_space<vmem>>, vector<16xf32>,
    %get3A_6 = arith.constant 1 : i32
    %get3A_7 = arith.index_cast %get3A_6 : i32 to index
    %get3A_8 = arith.constant 0 : index
    %get3A_9 = tpu.vector_load %arg14[%get3A_7, %get3A_8] {strides = array<i32>} : memref<24x16xf32, #tpu.memory_space<vmem>>, vector<16xf32>,
    %get3A_10 = arith.constant 2 : i32
    %get3A_11 = arith.index_cast %get3A_10 : i32 to index
    %get3A_12 = arith.constant 0 : index
    %get3A_13 = tpu.vector_load %arg14[%get3A_11, %get3A_12] {strides = array<i32>} : memref<24x16xf32, #tpu.memory_space<vmem>>, vector<16xf32>,
    %get3A_14 = arith.constant 3 : i32
    %get3A_15 = arith.index_cast %get3A_14 : i32 to index
    %get3A_16 = arith.constant 0 : index
    %get3A_17 = tpu.vector_load %arg14[%get3A_15, %get3A_16] {strides = array<i32>} : memref<24x16xf32, #tpu.memory_space<vmem>>, vector<16xf32>,
    %get3A_18 = arith.constant 4 : i32
    %get3A_19 = arith.index_cast %get3A_18 : i32 to index
    %get3A_20 = arith.constant 0 : index
    %get3A_21 = tpu.vector_load %arg14[%get3A_19, %get3A_20] {strides = array<i32>} : memref<24x16xf32, #tpu.memory_space<vmem>>, vector<16xf32>,
    %get3A_22 = arith.constant 5 : i32
    %get3A_23 = arith.index_cast %get3A_22 : i32 to index
    %get3A_24 = arith.constant 0 : index
    %get3A_25 = tpu.vector_load %arg14[%get3A_23, %get3A_24] {strides = array<i32>} : memref<24x16xf32, #tpu.memory_space<vmem>>, vector<16xf32>,
    %get3A_26 = arith.constant 6 : i32
    %get3A_27 = arith.index_cast %get3A_26 : i32 to index
    %get3A_28 = arith.constant 0 : index
    %get3A_29 = tpu.vector_load %arg14[%get3A_27, %get3A_28] {strides = array<i32>} : memref<24x16xf32, #tpu.memory_space<vmem>>, vector<16xf32>,
    %get3A_30 = arith.constant 7 : i32
    %get3A_31 = arith.index_cast %get3A_30 : i32 to index
    %get3A_32 = arith.constant 0 : index
    %get3A_33 = tpu.vector_load %arg14[%get3A_31, %get3A_32] {strides = array<i32>} : memref<24x16xf32, #tpu.memory_space<vmem>>, vector<16xf32>,
    %get3A_34 = arith.constant 8 : i32
    %get3A_35 = arith.index_cast %get3A_34 : i32 to index
    %get3A_36 = arith.constant 0 : index
    %get3A_37 = tpu.vector_load %arg14[%get3A_35, %get3A_36] {strides = array<i32>} : memref<24x16xf32, #tpu.memory_space<vmem>>, vector<16xf32>,
    %get3A_38 = arith.constant 9 : i32
    %get3A_39 = arith.index_cast %get3A_38 : i32 to index
    %get3A_40 = arith.constant 0 : index
    %get3A_41 = tpu.vector_load %arg14[%get3A_39, %get3A_40] {strides = array<i32>} : memref<24x16xf32, #tpu.memory_space<vmem>>, vector<16xf32>,
    %get3A_42 = arith.constant 10 : i32
    %get3A_43 = arith.index_cast %get3A_42 : i32 to index
    %get3A_44 = arith.constant 0 : index
    %get3A_45 = tpu.vector_load %arg14[%get3A_43, %get3A_44] {strides = array<i32>} : memref<24x16xf32, #tpu.memory_space<vmem>>, vector<16xf32>,
    %get3A_46 = arith.constant 11 : i32
    %get3A_47 = arith.index_cast %get3A_46 : i32 to index
    %get3A_48 = arith.constant 0 : index
    %get3A_49 = tpu.vector_load %arg14[%get3A_47, %get3A_48] {strides = array<i32>} : memref<24x16xf32, #tpu.memory_space<vmem>>, vector<16xf32>,
    %get3A_50 = arith.constant 12 : i32
    %get3A_51 = arith.index_cast %get3A_50 : i32 to index
    %get3A_52 = arith.constant 0 : index
    %get3A_53 = tpu.vector_load %arg14[%get3A_51, %get3A_52] {strides = array<i32>} : memref<24x16xf32, #tpu.memory_space<vmem>>, vector<16xf32>,
    %get3A_54 = arith.constant 13 : i32
    %get3A_55 = arith.index_cast %get3A_54 : i32 to index
    %get3A_56 = arith.constant 0 : index
    %get3A_57 = tpu.vector_load %arg14[%get3A_55, %get3A_56] {strides = array<i32>} : memref<24x16xf32, #tpu.memory_space<vmem>>, vector<16xf32>,
    %get3A_58 = arith.constant 14 : i32
    %get3A_59 = arith.index_cast %get3A_58 : i32 to index
    %get3A_60 = arith.constant 0 : index
    %get3A_61 = tpu.vector_load %arg14[%get3A_59, %get3A_60] {strides = array<i32>} : memref<24x16xf32, #tpu.memory_space<vmem>>, vector<16xf32>,
    %broadcast_in_dim3A = arith.constant -5.000000e-01 : f32
    %broadcast_in_dim3A_62 = vector.broadcast %broadcast_in_dim3A : f32 to vector<16xf32>
    %get3A_63 = arith.constant 15 : i32
    %get3A_64 = arith.index_cast %get3A_63 : i32 to index
    %get3A_65 = arith.constant 0 : index
    %get3A_66 = tpu.vector_load %arg14[%get3A_64, %get3A_65] {strides = array<i32>} : memref<24x16xf32, #tpu.memory_space<vmem>>, vector<16xf32>,
    %div3A = arith.divf %broadcast_in_dim3A_62, %get3A_66 : vector<16xf32>
    %get3A_67 = arith.constant 16 : i32
    %get3A_68 = arith.index_cast %get3A_67 : i32 to index
    %get3A_69 = arith.constant 0 : index
    %get3A_70 = tpu.vector_load %arg14[%get3A_68, %get3A_69] {strides = array<i32>} : memref<24x16xf32, #tpu.memory_space<vmem>>, vector<16xf32>,
    %div3A_71 = arith.divf %broadcast_in_dim3A_62, %get3A_70 : vector<16xf32>
    %get3A_72 = arith.constant 17 : i32
    %get3A_73 = arith.index_cast %get3A_72 : i32 to index
    %get3A_74 = arith.constant 0 : index
    %get3A_75 = tpu.vector_load %arg14[%get3A_73, %get3A_74] {strides = array<i32>} : memref<24x16xf32, #tpu.memory_space<vmem>>, vector<16xf32>,
    %div3A_76 = arith.divf %broadcast_in_dim3A_62, %get3A_75 : vector<16xf32>
    %iota3A = tpu.iota {dimensions = array<i32: 0>} : vector<16xi32>
    %broadcast_in_dim3A_77 = arith.constant 1.000000e+00 : f32
    %broadcast_in_dim3A_78 = vector.broadcast %broadcast_in_dim3A_77 : f32 to vector<16xf32>
    %broadcast_in_dim3A_79 = arith.constant 2.000000e+00 : f32
    %broadcast_in_dim3A_80 = vector.broadcast %broadcast_in_dim3A_79 : f32 to vector<16xf32>
    %scan3A = arith.constant 0 : i32
    %scan3A_81 = arith.constant 0 : i32
    %scan3A_82 = arith.constant 640 : i32
    %scan3A_83 = arith.addi %scan3A_81, %scan3A_82 : i32
    %scan3A_84 = arith.constant 1 : i32
    scf.for %scan3A_86 = %scan3A_81 to %scan3A_83 step %scan3A_84  : i32 {
      %mul3A_87 = arith.constant 16 : i32
      %mul3A_88 = arith.muli %scan3A_86, %mul3A_87 : i32
      %add3A_89 = vector.broadcast %mul3A_88 : i32 to vector<16xi32>
      %add3A_90 = arith.addi %add3A_89, %iota3A : vector<16xi32>
      %shift_right_logical3A = arith.constant 5 : i32
      %shift_right_logical3A_91 = vector.broadcast %shift_right_logical3A : i32 to vector<16xi32>
      %shift_right_logical3A_92 = arith.shrui %add3A_90, %shift_right_logical3A_91 : vector<16xi32>
      %add3A_93 = vector.broadcast %mul3A_2 : i32 to vector<16xi32>
      %add3A_94 = arith.addi %add3A_93, %shift_right_logical3A_92 : vector<16xi32>
      %mul3A_95 = arith.constant 16 : i32
      %mul3A_96 = arith.muli %scan3A_86, %mul3A_95 : i32
      %get3A_97 = arith.index_cast %mul3A_96 : i32 to index
      %get3A_98 = tpu.vector_load %arg12[%get3A_97] {strides = array<i32>} : memref<10240xi32, #tpu.memory_space<vmem>>, vector<16xi32>,
      %gather3A = tpu.vector_load_idx %arg9[%add3A_94] : memref<10240xf32, #tpu.memory_space<vmem>>[vector<16xi32>], vector<16xf32>,
      %gather3A_99 = tpu.vector_load_idx %arg10[%add3A_94] : memref<10240xf32, #tpu.memory_space<vmem>>[vector<16xi32>], vector<16xf32>,
      %gather3A_100 = tpu.vector_load_idx %arg11[%add3A_94] : memref<10240xf32, #tpu.memory_space<vmem>>[vector<16xi32>], vector<16xf32>,
      %gather3A_101 = tpu.vector_load_idx %arg9[%get3A_98] : memref<10240xf32, #tpu.memory_space<vmem>>[vector<16xi32>], vector<16xf32>,
      %gather3A_102 = tpu.vector_load_idx %arg10[%get3A_98] : memref<10240xf32, #tpu.memory_space<vmem>>[vector<16xi32>], vector<16xf32>,
      %gather3A_103 = tpu.vector_load_idx %arg11[%get3A_98] : memref<10240xf32, #tpu.memory_space<vmem>>[vector<16xi32>], vector<16xf32>,
      %sub3A = arith.subf %gather3A_101, %gather3A : vector<16xf32>
      %sub3A_104 = arith.subf %gather3A_102, %gather3A_99 : vector<16xf32>
      %sub3A_105 = arith.subf %gather3A_103, %gather3A_100 : vector<16xf32>
      %broadcast_in_dim3A_106 = arith.constant 0.000000e+00 : f32
      %broadcast_in_dim3A_107 = vector.broadcast %broadcast_in_dim3A_106 : f32 to vector<16xf32>
      %mul3A_108 = arith.mulf %sub3A, %get3A_5 : vector<16xf32>
      %mul3A_109 = arith.mulf %sub3A_104, %get3A_17 : vector<16xf32>
      %add3A_110 = arith.addf %mul3A_108, %mul3A_109 : vector<16xf32>
      %mul3A_111 = arith.mulf %sub3A_105, %get3A_29 : vector<16xf32>
      %add3A_112 = arith.addf %add3A_110, %mul3A_111 : vector<16xf32>
      %add3A_113 = arith.addf %add3A_112, %get3A_41 : vector<16xf32>
      %add3A_114 = arith.addf %add3A_113, %add3A_113 : vector<16xf32>
      %exp3A = math.exp %add3A_114 : vector<16xf32>
      %add3A_115 = arith.addf %exp3A, %broadcast_in_dim3A_78 : vector<16xf32>
      %div3A_116 = arith.divf %broadcast_in_dim3A_80, %add3A_115 : vector<16xf32>
      %sub3A_117 = arith.subf %broadcast_in_dim3A_78, %div3A_116 : vector<16xf32>
      %sub3A_118 = arith.subf %sub3A_117, %get3A_53 : vector<16xf32>
      %mul3A_119 = arith.mulf %sub3A_118, %sub3A_118 : vector<16xf32>
      %mul3A_120 = arith.mulf %mul3A_119, %div3A : vector<16xf32>
      %add3A_121 = arith.addf %broadcast_in_dim3A_107, %mul3A_120 : vector<16xf32>
      %mul3A_122 = arith.mulf %sub3A, %get3A_9 : vector<16xf32>
      %mul3A_123 = arith.mulf %sub3A_104, %get3A_21 : vector<16xf32>
      %add3A_124 = arith.addf %mul3A_122, %mul3A_123 : vector<16xf32>
      %mul3A_125 = arith.mulf %sub3A_105, %get3A_33 : vector<16xf32>
      %add3A_126 = arith.addf %add3A_124, %mul3A_125 : vector<16xf32>
      %add3A_127 = arith.addf %add3A_126, %get3A_45 : vector<16xf32>
      %add3A_128 = arith.addf %add3A_127, %add3A_127 : vector<16xf32>
      %exp3A_129 = math.exp %add3A_128 : vector<16xf32>
      %add3A_130 = arith.addf %exp3A_129, %broadcast_in_dim3A_78 : vector<16xf32>
      %div3A_131 = arith.divf %broadcast_in_dim3A_80, %add3A_130 : vector<16xf32>
      %sub3A_132 = arith.subf %broadcast_in_dim3A_78, %div3A_131 : vector<16xf32>
      %sub3A_133 = arith.subf %sub3A_132, %get3A_57 : vector<16xf32>
      %mul3A_134 = arith.mulf %sub3A_133, %sub3A_133 : vector<16xf32>
      %mul3A_135 = arith.mulf %mul3A_134, %div3A_71 : vector<16xf32>
      %add3A_136 = arith.addf %add3A_121, %mul3A_135 : vector<16xf32>
      %mul3A_137 = arith.mulf %sub3A, %get3A_13 : vector<16xf32>
      %mul3A_138 = arith.mulf %sub3A_104, %get3A_25 : vector<16xf32>
      %add3A_139 = arith.addf %mul3A_137, %mul3A_138 : vector<16xf32>
      %mul3A_140 = arith.mulf %sub3A_105, %get3A_37 : vector<16xf32>
      %add3A_141 = arith.addf %add3A_139, %mul3A_140 : vector<16xf32>
      %add3A_142 = arith.addf %add3A_141, %get3A_49 : vector<16xf32>
      %add3A_143 = arith.addf %add3A_142, %add3A_142 : vector<16xf32>
      %exp3A_144 = math.exp %add3A_143 : vector<16xf32>
      %add3A_145 = arith.addf %exp3A_144, %broadcast_in_dim3A_78 : vector<16xf32>
      %div3A_146 = arith.divf %broadcast_in_dim3A_80, %add3A_145 : vector<16xf32>
      %sub3A_147 = arith.subf %broadcast_in_dim3A_78, %div3A_146 : vector<16xf32>
      %sub3A_148 = arith.subf %sub3A_147, %get3A_61 : vector<16xf32>
      %mul3A_149 = arith.mulf %sub3A_148, %sub3A_148 : vector<16xf32>
      %mul3A_150 = arith.mulf %mul3A_149, %div3A_76 : vector<16xf32>
      %add3A_151 = arith.addf %add3A_136, %mul3A_150 : vector<16xf32>
      %exp3A_152 = math.exp %add3A_151 : vector<16xf32>
      %mul3A_153 = arith.constant 16 : i32
      %mul3A_154 = arith.muli %scan3A_86, %mul3A_153 : i32
      %get3A_155 = arith.index_cast %mul3A_154 : i32 to index
      %get3A_156 = tpu.vector_load %arg13[%get3A_155] {strides = array<i32>} : memref<10240xf32, #tpu.memory_space<vmem>>, vector<16xf32>,
      %mul3A_157 = arith.mulf %exp3A_152, %get3A_156 : vector<16xf32>
      %mul3A_158 = arith.constant 16 : i32
      %mul3A_159 = arith.muli %scan3A_86, %mul3A_158 : i32
      %swap3A = arith.index_cast %mul3A_159 : i32 to index
      %swap3A_160 = tpu.vector_load %arg13[%swap3A] {strides = array<i32>} : memref<10240xf32, #tpu.memory_space<vmem>>, vector<16xf32>,
      tpu.vector_store %arg13[%swap3A], %mul3A_157 {strides = array<i32>} : memref<10240xf32, #tpu.memory_space<vmem>>, vector<16xf32>,
    }
    %scan3A_85 = arith.constant 640 : i32
    "tpu.region"() ({
      %run_scoped3A = tpu.sem_alloc : memref<!tpu.dma_semaphore, #tpu.memory_space<semaphore_mem>>
      %dma_start3A = arith.constant 0 : i32
      %dma_start3A_86 = tpu.memref_slice %arg8[%add3A, %dma_start3A] : memref<32x10240xf32, #tpu.memory_space<hbm>> -> memref<1x10240xf32, #tpu.memory_space<hbm>>
      %dma_start3A_87 = tpu.memref_squeeze %dma_start3A_86 : memref<1x10240xf32, #tpu.memory_space<hbm>> -> memref<10240xf32, #tpu.memory_space<hbm>>
      %dma_start3A_88 = arith.constant 0 : i32
      %dma_start3A_89 = tpu.memref_slice %arg8[%add3A, %dma_start3A_88] : memref<32x10240xf32, #tpu.memory_space<hbm>> -> memref<1x10240xf32, #tpu.memory_space<hbm>>
      %dma_start3A_90 = tpu.memref_squeeze %dma_start3A_89 : memref<1x10240xf32, #tpu.memory_space<hbm>> -> memref<10240xf32, #tpu.memory_space<hbm>>
      tpu.enqueue_dma source(%arg13 : memref<10240xf32, #tpu.memory_space<vmem>>) target(%dma_start3A_90 : memref<10240xf32, #tpu.memory_space<hbm>>) target_semaphore(%run_scoped3A : memref<!tpu.dma_semaphore, #tpu.memory_space<semaphore_mem>>)
      %dma_wait3A = arith.constant 0 : i32
      %dma_wait3A_91 = tpu.memref_slice %arg8[%add3A, %dma_wait3A] : memref<32x10240xf32, #tpu.memory_space<hbm>> -> memref<1x10240xf32, #tpu.memory_space<hbm>>
      %dma_wait3A_92 = tpu.memref_squeeze %dma_wait3A_91 : memref<1x10240xf32, #tpu.memory_space<hbm>> -> memref<10240xf32, #tpu.memory_space<hbm>>
      %dma_wait3A_93 = arith.constant 0 : i32
      %dma_wait3A_94 = tpu.memref_slice %arg8[%add3A, %dma_wait3A_93] : memref<32x10240xf32, #tpu.memory_space<hbm>> -> memref<1x10240xf32, #tpu.memory_space<hbm>>
      %dma_wait3A_95 = tpu.memref_squeeze %dma_wait3A_94 : memref<1x10240xf32, #tpu.memory_space<hbm>> -> memref<10240xf32, #tpu.memory_space<hbm>>
      tpu.wait_dma2 semaphore(%run_scoped3A : memref<!tpu.dma_semaphore, #tpu.memory_space<semaphore_mem>>) src(%arg13 : memref<10240xf32, #tpu.memory_space<vmem>>) dst(%dma_wait3A_95 : memref<10240xf32, #tpu.memory_space<hbm>>)
      tpu.yield
    }) : () -> ()
    return
  }
}

#map = affine_map<(d0, d1) -> (0, 0, 0)>
#map1 = affine_map<(d0, d1) -> (0, 0)>
#map2 = affine_map<(d0, d1) -> (0)>
module attributes {stable_mosaic.version = 14 : i64} {
  func.func @_agg_body(%arg0: i32, %arg1: i32, %arg2: memref<32x160x64xi32, #tpu.memory_space<hbm>>, %arg3: memref<32x10240xf32, #tpu.memory_space<hbm>>, %arg4: memref<10240x128xf32, #tpu.memory_space<hbm>>, %arg5: memref<128xf32, #tpu.memory_space<hbm>>, %arg6: memref<10240x128xf32, #tpu.memory_space<hbm>>, %arg7: memref<160x64xi32, #tpu.memory_space<vmem>>, %arg8: memref<10240xf32, #tpu.memory_space<vmem>>, %arg9: memref<2x64x128xf32, #tpu.memory_space<vmem>>, %arg10: memref<4x128xf32, #tpu.memory_space<vmem>>, %arg11: memref<128xf32, #tpu.memory_space<vmem>>, %arg12: memref<10240x128xf32, #tpu.memory_space<vmem_shared>>, %arg13: memref<!tpu.dma_semaphore, #tpu.memory_space<semaphore_mem>>, %arg14: memref<!tpu.dma_semaphore, #tpu.memory_space<semaphore_mem>>) attributes {dimension_semantics = [#tpu.dimension_semantics<core_parallel>, #tpu.dimension_semantics<subcore_parallel>], iteration_bounds = array<i64: 2, 16>, scalar_prefetch = 0 : i64, scratch_operands = 8 : i64, tpu.core_type = #tpu.core_type<sc_vector_subcore>, window_params = [{transform_indices = #map}, {transform_indices = #map1}, {transform_indices = #map1}, {transform_indices = #map2}, {transform_indices = #map1}]} {
    %mul3A = arith.constant 2 : i32
    %mul3A_0 = arith.muli %arg1, %mul3A : i32
    %add3A = arith.addi %mul3A_0, %arg0 : i32
    %mul3A_1 = arith.constant 320 : i32
    %mul3A_2 = arith.muli %add3A, %mul3A_1 : i32
    "tpu.region"() ({
      %run_scoped3A = tpu.sem_alloc : memref<!tpu.dma_semaphore, #tpu.memory_space<semaphore_mem>>
      %dma_start3A_50 = arith.constant 0 : i32
      %dma_start3A_51 = arith.constant 0 : i32
      %dma_start3A_52 = tpu.memref_slice %arg2[%add3A, %dma_start3A_50, %dma_start3A_51] : memref<32x160x64xi32, #tpu.memory_space<hbm>> -> memref<1x160x64xi32, #tpu.memory_space<hbm>>
      %dma_start3A_53 = tpu.memref_squeeze %dma_start3A_52 : memref<1x160x64xi32, #tpu.memory_space<hbm>> -> memref<160x64xi32, #tpu.memory_space<hbm>>
      %dma_start3A_54 = arith.constant 0 : i32
      %dma_start3A_55 = arith.constant 0 : i32
      %dma_start3A_56 = tpu.memref_slice %arg2[%add3A, %dma_start3A_54, %dma_start3A_55] : memref<32x160x64xi32, #tpu.memory_space<hbm>> -> memref<1x160x64xi32, #tpu.memory_space<hbm>>
      %dma_start3A_57 = tpu.memref_squeeze %dma_start3A_56 : memref<1x160x64xi32, #tpu.memory_space<hbm>> -> memref<160x64xi32, #tpu.memory_space<hbm>>
      tpu.enqueue_dma source(%dma_start3A_57 : memref<160x64xi32, #tpu.memory_space<hbm>>) target(%arg7 : memref<160x64xi32, #tpu.memory_space<vmem>>) target_semaphore(%run_scoped3A : memref<!tpu.dma_semaphore, #tpu.memory_space<semaphore_mem>>)
      %dma_wait3A = arith.constant 0 : i32
      %dma_wait3A_58 = arith.constant 0 : i32
      %dma_wait3A_59 = tpu.memref_slice %arg2[%add3A, %dma_wait3A, %dma_wait3A_58] : memref<32x160x64xi32, #tpu.memory_space<hbm>> -> memref<1x160x64xi32, #tpu.memory_space<hbm>>
      %dma_wait3A_60 = tpu.memref_squeeze %dma_wait3A_59 : memref<1x160x64xi32, #tpu.memory_space<hbm>> -> memref<160x64xi32, #tpu.memory_space<hbm>>
      %dma_wait3A_61 = arith.constant 0 : i32
      %dma_wait3A_62 = arith.constant 0 : i32
      %dma_wait3A_63 = tpu.memref_slice %arg2[%add3A, %dma_wait3A_61, %dma_wait3A_62] : memref<32x160x64xi32, #tpu.memory_space<hbm>> -> memref<1x160x64xi32, #tpu.memory_space<hbm>>
      %dma_wait3A_64 = tpu.memref_squeeze %dma_wait3A_63 : memref<1x160x64xi32, #tpu.memory_space<hbm>> -> memref<160x64xi32, #tpu.memory_space<hbm>>
      tpu.wait_dma2 semaphore(%run_scoped3A : memref<!tpu.dma_semaphore, #tpu.memory_space<semaphore_mem>>) src(%dma_wait3A_64 : memref<160x64xi32, #tpu.memory_space<hbm>>) dst(%arg7 : memref<160x64xi32, #tpu.memory_space<vmem>>)
      tpu.yield
    }) : () -> ()
    "tpu.region"() ({
      %run_scoped3A = tpu.sem_alloc : memref<!tpu.dma_semaphore, #tpu.memory_space<semaphore_mem>>
      %dma_start3A_50 = arith.constant 0 : i32
      %dma_start3A_51 = tpu.memref_slice %arg3[%add3A, %dma_start3A_50] : memref<32x10240xf32, #tpu.memory_space<hbm>> -> memref<1x10240xf32, #tpu.memory_space<hbm>>
      %dma_start3A_52 = tpu.memref_squeeze %dma_start3A_51 : memref<1x10240xf32, #tpu.memory_space<hbm>> -> memref<10240xf32, #tpu.memory_space<hbm>>
      %dma_start3A_53 = arith.constant 0 : i32
      %dma_start3A_54 = tpu.memref_slice %arg3[%add3A, %dma_start3A_53] : memref<32x10240xf32, #tpu.memory_space<hbm>> -> memref<1x10240xf32, #tpu.memory_space<hbm>>
      %dma_start3A_55 = tpu.memref_squeeze %dma_start3A_54 : memref<1x10240xf32, #tpu.memory_space<hbm>> -> memref<10240xf32, #tpu.memory_space<hbm>>
      tpu.enqueue_dma source(%dma_start3A_55 : memref<10240xf32, #tpu.memory_space<hbm>>) target(%arg8 : memref<10240xf32, #tpu.memory_space<vmem>>) target_semaphore(%run_scoped3A : memref<!tpu.dma_semaphore, #tpu.memory_space<semaphore_mem>>)
      %dma_wait3A = arith.constant 0 : i32
      %dma_wait3A_56 = tpu.memref_slice %arg3[%add3A, %dma_wait3A] : memref<32x10240xf32, #tpu.memory_space<hbm>> -> memref<1x10240xf32, #tpu.memory_space<hbm>>
      %dma_wait3A_57 = tpu.memref_squeeze %dma_wait3A_56 : memref<1x10240xf32, #tpu.memory_space<hbm>> -> memref<10240xf32, #tpu.memory_space<hbm>>
      %dma_wait3A_58 = arith.constant 0 : i32
      %dma_wait3A_59 = tpu.memref_slice %arg3[%add3A, %dma_wait3A_58] : memref<32x10240xf32, #tpu.memory_space<hbm>> -> memref<1x10240xf32, #tpu.memory_space<hbm>>
      %dma_wait3A_60 = tpu.memref_squeeze %dma_wait3A_59 : memref<1x10240xf32, #tpu.memory_space<hbm>> -> memref<10240xf32, #tpu.memory_space<hbm>>
      tpu.wait_dma2 semaphore(%run_scoped3A : memref<!tpu.dma_semaphore, #tpu.memory_space<semaphore_mem>>) src(%dma_wait3A_60 : memref<10240xf32, #tpu.memory_space<hbm>>) dst(%arg8 : memref<10240xf32, #tpu.memory_space<vmem>>)
      tpu.yield
    }) : () -> ()
    "tpu.region"() ({
      %run_scoped3A = tpu.sem_alloc : memref<!tpu.dma_semaphore, #tpu.memory_space<semaphore_mem>>
      tpu.enqueue_dma source(%arg5 : memref<128xf32, #tpu.memory_space<hbm>>) target(%arg11 : memref<128xf32, #tpu.memory_space<vmem>>) target_semaphore(%run_scoped3A : memref<!tpu.dma_semaphore, #tpu.memory_space<semaphore_mem>>)
      tpu.wait_dma2 semaphore(%run_scoped3A : memref<!tpu.dma_semaphore, #tpu.memory_space<semaphore_mem>>) src(%arg5 : memref<128xf32, #tpu.memory_space<hbm>>) dst(%arg11 : memref<128xf32, #tpu.memory_space<vmem>>)
      tpu.yield
    }) : () -> ()
    %mul3A_3 = arith.constant 640 : i32
    %mul3A_4 = arith.muli %arg1, %mul3A_3 : i32
    %mul3A_5 = arith.constant 640 : i32
    %mul3A_6 = arith.muli %arg1, %mul3A_5 : i32
    "tpu.region"() ({
      %run_scoped3A = tpu.sem_alloc : memref<!tpu.dma_semaphore, #tpu.memory_space<semaphore_mem>>
      %dma_start3A_50 = arith.constant 0 : i32
      %dma_start3A_51 = tpu.memref_slice %arg12[%mul3A_6, %dma_start3A_50] : memref<10240x128xf32, #tpu.memory_space<vmem_shared>> -> memref<640x128xf32, #tpu.memory_space<vmem_shared>>
      %dma_start3A_52 = arith.constant 0 : i32
      %dma_start3A_53 = tpu.memref_slice %arg4[%mul3A_4, %dma_start3A_52] : memref<10240x128xf32, #tpu.memory_space<hbm>> -> memref<640x128xf32, #tpu.memory_space<hbm>>
      tpu.enqueue_dma source(%dma_start3A_53 : memref<640x128xf32, #tpu.memory_space<hbm>>) target(%dma_start3A_51 : memref<640x128xf32, #tpu.memory_space<vmem_shared>>) target_semaphore(%run_scoped3A : memref<!tpu.dma_semaphore, #tpu.memory_space<semaphore_mem>>)
      %dma_wait3A = arith.constant 0 : i32
      %dma_wait3A_54 = tpu.memref_slice %arg12[%mul3A_6, %dma_wait3A] : memref<10240x128xf32, #tpu.memory_space<vmem_shared>> -> memref<640x128xf32, #tpu.memory_space<vmem_shared>>
      %dma_wait3A_55 = arith.constant 0 : i32
      %dma_wait3A_56 = tpu.memref_slice %arg4[%mul3A_4, %dma_wait3A_55] : memref<10240x128xf32, #tpu.memory_space<hbm>> -> memref<640x128xf32, #tpu.memory_space<hbm>>
      tpu.wait_dma2 semaphore(%run_scoped3A : memref<!tpu.dma_semaphore, #tpu.memory_space<semaphore_mem>>) src(%dma_wait3A_56 : memref<640x128xf32, #tpu.memory_space<hbm>>) dst(%dma_wait3A_54 : memref<640x128xf32, #tpu.memory_space<vmem_shared>>)
      tpu.yield
    }) : () -> ()
    %barrier3A = arith.constant 0 : index
    tpu.barrier barrier_id(%barrier3A)
    %dma_start3A = arith.constant 0 : i32
    %dma_start3A_7 = arith.constant 0 : i32
    %dma_start3A_8 = arith.constant 0 : i32
    %dma_start3A_9 = arith.constant 0 : i32
    %dma_start3A_10 = tpu.memref_slice %arg9[%dma_start3A_7, %dma_start3A_8, %dma_start3A_9] : memref<2x64x128xf32, #tpu.memory_space<vmem>> -> memref<1x64x128xf32, #tpu.memory_space<vmem>>
    %dma_start3A_11 = tpu.memref_squeeze %dma_start3A_10 : memref<1x64x128xf32, #tpu.memory_space<vmem>> -> memref<64x128xf32, #tpu.memory_space<vmem>>
    %dma_start3A_12 = arith.constant 0 : i32
    %dma_start3A_13 = tpu.memref_slice %arg7[%dma_start3A, %dma_start3A_12] : memref<160x64xi32, #tpu.memory_space<vmem>> -> memref<1x64xi32, #tpu.memory_space<vmem>>
    %dma_start3A_14 = tpu.memref_squeeze %dma_start3A_13 : memref<1x64xi32, #tpu.memory_space<vmem>> -> memref<64xi32, #tpu.memory_space<vmem>>
    %dma_start3A_15 = arith.constant 0 : i32
    %dma_start3A_16 = arith.constant 0 : i32
    %dma_start3A_17 = tpu.memref_slice %arg12[%dma_start3A_15, %dma_start3A_16] : memref<10240x128xf32, #tpu.memory_space<vmem_shared>> -> memref<10240x128xf32, #tpu.memory_space<vmem_shared>>
    tpu.enqueue_indirect_dma source(%dma_start3A_17 : memref<10240x128xf32, #tpu.memory_space<vmem_shared>>) target(%dma_start3A_11 : memref<64x128xf32, #tpu.memory_space<vmem>>) offsets(%dma_start3A_14 : memref<64xi32, #tpu.memory_space<vmem>>) semaphore(%arg13 : memref<!tpu.dma_semaphore, #tpu.memory_space<semaphore_mem>>)
    %dma_start3A_18 = arith.constant 1 : i32
    %dma_start3A_19 = arith.constant 1 : i32
    %dma_start3A_20 = arith.constant 0 : i32
    %dma_start3A_21 = arith.constant 0 : i32
    %dma_start3A_22 = tpu.memref_slice %arg9[%dma_start3A_19, %dma_start3A_20, %dma_start3A_21] : memref<2x64x128xf32, #tpu.memory_space<vmem>> -> memref<1x64x128xf32, #tpu.memory_space<vmem>>
    %dma_start3A_23 = tpu.memref_squeeze %dma_start3A_22 : memref<1x64x128xf32, #tpu.memory_space<vmem>> -> memref<64x128xf32, #tpu.memory_space<vmem>>
    %dma_start3A_24 = arith.constant 0 : i32
    %dma_start3A_25 = tpu.memref_slice %arg7[%dma_start3A_18, %dma_start3A_24] : memref<160x64xi32, #tpu.memory_space<vmem>> -> memref<1x64xi32, #tpu.memory_space<vmem>>
    %dma_start3A_26 = tpu.memref_squeeze %dma_start3A_25 : memref<1x64xi32, #tpu.memory_space<vmem>> -> memref<64xi32, #tpu.memory_space<vmem>>
    %dma_start3A_27 = arith.constant 0 : i32
    %dma_start3A_28 = arith.constant 0 : i32
    %dma_start3A_29 = tpu.memref_slice %arg12[%dma_start3A_27, %dma_start3A_28] : memref<10240x128xf32, #tpu.memory_space<vmem_shared>> -> memref<10240x128xf32, #tpu.memory_space<vmem_shared>>
    tpu.enqueue_indirect_dma source(%dma_start3A_29 : memref<10240x128xf32, #tpu.memory_space<vmem_shared>>) target(%dma_start3A_23 : memref<64x128xf32, #tpu.memory_space<vmem>>) offsets(%dma_start3A_26 : memref<64xi32, #tpu.memory_space<vmem>>) semaphore(%arg14 : memref<!tpu.dma_semaphore, #tpu.memory_space<semaphore_mem>>)
    %get3A = arith.constant 0 : index
    %get3A_30 = tpu.vector_load %arg11[%get3A] {strides = array<i32>} : memref<128xf32, #tpu.memory_space<vmem>>, vector<16xf32>,
    %get3A_31 = arith.constant 16 : index
    %get3A_32 = tpu.vector_load %arg11[%get3A_31] {strides = array<i32>} : memref<128xf32, #tpu.memory_space<vmem>>, vector<16xf32>,
    %get3A_33 = arith.constant 32 : index
    %get3A_34 = tpu.vector_load %arg11[%get3A_33] {strides = array<i32>} : memref<128xf32, #tpu.memory_space<vmem>>, vector<16xf32>,
    %get3A_35 = arith.constant 48 : index
    %get3A_36 = tpu.vector_load %arg11[%get3A_35] {strides = array<i32>} : memref<128xf32, #tpu.memory_space<vmem>>, vector<16xf32>,
    %get3A_37 = arith.constant 64 : index
    %get3A_38 = tpu.vector_load %arg11[%get3A_37] {strides = array<i32>} : memref<128xf32, #tpu.memory_space<vmem>>, vector<16xf32>,
    %get3A_39 = arith.constant 80 : index
    %get3A_40 = tpu.vector_load %arg11[%get3A_39] {strides = array<i32>} : memref<128xf32, #tpu.memory_space<vmem>>, vector<16xf32>,
    %get3A_41 = arith.constant 96 : index
    %get3A_42 = tpu.vector_load %arg11[%get3A_41] {strides = array<i32>} : memref<128xf32, #tpu.memory_space<vmem>>, vector<16xf32>,
    %get3A_43 = arith.constant 112 : index
    %get3A_44 = tpu.vector_load %arg11[%get3A_43] {strides = array<i32>} : memref<128xf32, #tpu.memory_space<vmem>>, vector<16xf32>,
    %scan3A = arith.constant 0 : i32
    %scan3A_45 = arith.constant 0 : i32
    %scan3A_46 = arith.constant 80 : i32
    %scan3A_47 = arith.addi %scan3A_45, %scan3A_46 : i32
    %scan3A_48 = arith.constant 1 : i32
    scf.for %scan3A_50 = %scan3A_45 to %scan3A_47 step %scan3A_48  : i32 {
      %mul3A_51 = arith.constant 2 : i32
      %mul3A_52 = arith.muli %mul3A_51, %scan3A_50 : i32
      %add3A_53 = arith.constant 0 : i32
      %add3A_54 = arith.addi %mul3A_52, %add3A_53 : i32
      %mul3A_55 = arith.constant 64 : i32
      %mul3A_56 = arith.muli %add3A_54, %mul3A_55 : i32
      %dma_wait3A = arith.constant 0 : i32
      %dma_wait3A_57 = arith.constant 0 : i32
      %dma_wait3A_58 = arith.constant 0 : i32
      %dma_wait3A_59 = tpu.memref_slice %arg9[%dma_wait3A, %dma_wait3A_57, %dma_wait3A_58] : memref<2x64x128xf32, #tpu.memory_space<vmem>> -> memref<1x64x128xf32, #tpu.memory_space<vmem>>
      %dma_wait3A_60 = tpu.memref_squeeze %dma_wait3A_59 : memref<1x64x128xf32, #tpu.memory_space<vmem>> -> memref<64x128xf32, #tpu.memory_space<vmem>>
      %dma_wait3A_61 = arith.constant 0 : i32
      %dma_wait3A_62 = tpu.memref_slice %arg7[%add3A_54, %dma_wait3A_61] : memref<160x64xi32, #tpu.memory_space<vmem>> -> memref<1x64xi32, #tpu.memory_space<vmem>>
      %dma_wait3A_63 = tpu.memref_squeeze %dma_wait3A_62 : memref<1x64xi32, #tpu.memory_space<vmem>> -> memref<64xi32, #tpu.memory_space<vmem>>
      %dma_wait3A_64 = arith.constant 0 : i32
      %dma_wait3A_65 = arith.constant 0 : i32
      %dma_wait3A_66 = tpu.memref_slice %arg12[%dma_wait3A_64, %dma_wait3A_65] : memref<10240x128xf32, #tpu.memory_space<vmem_shared>> -> memref<10240x128xf32, #tpu.memory_space<vmem_shared>>
      tpu.wait_indirect_dma semaphore(%arg13 : memref<!tpu.dma_semaphore, #tpu.memory_space<semaphore_mem>>) src(%dma_wait3A_66 : memref<10240x128xf32, #tpu.memory_space<vmem_shared>>) dst(%dma_wait3A_60 : memref<64x128xf32, #tpu.memory_space<vmem>>)
      %scan3A_67 = arith.constant 0 : i32
      %scan3A_68 = arith.constant 8 : i32
      %scan3A_69 = arith.addi %scan3A_67, %scan3A_68 : i32
      %scan3A_70 = arith.constant 1 : i32
      %scan3A_71:8 = scf.for %scan3A_253 = %scan3A_67 to %scan3A_69 step %scan3A_70 iter_args(%scan3A_254 = %get3A_30, %scan3A_255 = %get3A_32, %scan3A_256 = %get3A_34, %scan3A_257 = %get3A_36, %scan3A_258 = %get3A_38, %scan3A_259 = %get3A_40, %scan3A_260 = %get3A_42, %scan3A_261 = %get3A_44) -> (vector<16xf32>, vector<16xf32>, vector<16xf32>, vector<16xf32>, vector<16xf32>, vector<16xf32>, vector<16xf32>, vector<16xf32>)  : i32 {
        %mul3A_262 = arith.constant 4 : i32
        %mul3A_263 = arith.muli %scan3A_253, %mul3A_262 : i32
        %add3A_264 = arith.constant 0 : i32
        %add3A_265 = arith.addi %mul3A_263, %add3A_264 : i32
        %add3A_266 = arith.constant 0 : i32
        %add3A_267 = arith.addi %mul3A_56, %add3A_266 : i32
        %add3A_268 = arith.addi %add3A_267, %add3A_265 : i32
        %broadcast_in_dim3A = vector.broadcast %add3A_268 : i32 to vector<16xi32>
        %gather3A = tpu.vector_load_idx %arg8[%broadcast_in_dim3A] : memref<10240xf32, #tpu.memory_space<vmem>>[vector<16xi32>], vector<16xf32>,
        %add3A_269 = arith.constant 0 : i32
        %add3A_270 = arith.addi %add3A_269, %add3A_265 : i32
        %get3A_271 = arith.constant 0 : i32
        %get3A_272 = arith.index_cast %get3A_271 : i32 to index
        %get3A_273 = arith.index_cast %add3A_270 : i32 to index
        %get3A_274 = arith.constant 0 : index
        %get3A_275 = tpu.vector_load %arg9[%get3A_272, %get3A_273, %get3A_274] {strides = array<i32>} : memref<2x64x128xf32, #tpu.memory_space<vmem>>, vector<16xf32>,
        %mul3A_276 = arith.mulf %gather3A, %get3A_275 : vector<16xf32>
        %add3A_277 = arith.addf %scan3A_254, %mul3A_276 : vector<16xf32>
        %add3A_278 = arith.constant 0 : i32
        %add3A_279 = arith.addi %add3A_278, %add3A_265 : i32
        %get3A_280 = arith.constant 0 : i32
        %get3A_281 = arith.index_cast %get3A_280 : i32 to index
        %get3A_282 = arith.index_cast %add3A_279 : i32 to index
        %get3A_283 = arith.constant 16 : index
        %get3A_284 = tpu.vector_load %arg9[%get3A_281, %get3A_282, %get3A_283] {strides = array<i32>} : memref<2x64x128xf32, #tpu.memory_space<vmem>>, vector<16xf32>,
        %mul3A_285 = arith.mulf %gather3A, %get3A_284 : vector<16xf32>
        %add3A_286 = arith.addf %scan3A_255, %mul3A_285 : vector<16xf32>
        %add3A_287 = arith.constant 0 : i32
        %add3A_288 = arith.addi %add3A_287, %add3A_265 : i32
        %get3A_289 = arith.constant 0 : i32
        %get3A_290 = arith.index_cast %get3A_289 : i32 to index
        %get3A_291 = arith.index_cast %add3A_288 : i32 to index
        %get3A_292 = arith.constant 32 : index
        %get3A_293 = tpu.vector_load %arg9[%get3A_290, %get3A_291, %get3A_292] {strides = array<i32>} : memref<2x64x128xf32, #tpu.memory_space<vmem>>, vector<16xf32>,
        %mul3A_294 = arith.mulf %gather3A, %get3A_293 : vector<16xf32>
        %add3A_295 = arith.addf %scan3A_256, %mul3A_294 : vector<16xf32>
        %add3A_296 = arith.constant 0 : i32
        %add3A_297 = arith.addi %add3A_296, %add3A_265 : i32
        %get3A_298 = arith.constant 0 : i32
        %get3A_299 = arith.index_cast %get3A_298 : i32 to index
        %get3A_300 = arith.index_cast %add3A_297 : i32 to index
        %get3A_301 = arith.constant 48 : index
        %get3A_302 = tpu.vector_load %arg9[%get3A_299, %get3A_300, %get3A_301] {strides = array<i32>} : memref<2x64x128xf32, #tpu.memory_space<vmem>>, vector<16xf32>,
        %mul3A_303 = arith.mulf %gather3A, %get3A_302 : vector<16xf32>
        %add3A_304 = arith.addf %scan3A_257, %mul3A_303 : vector<16xf32>
        %add3A_305 = arith.constant 0 : i32
        %add3A_306 = arith.addi %add3A_305, %add3A_265 : i32
        %get3A_307 = arith.constant 0 : i32
        %get3A_308 = arith.index_cast %get3A_307 : i32 to index
        %get3A_309 = arith.index_cast %add3A_306 : i32 to index
        %get3A_310 = arith.constant 64 : index
        %get3A_311 = tpu.vector_load %arg9[%get3A_308, %get3A_309, %get3A_310] {strides = array<i32>} : memref<2x64x128xf32, #tpu.memory_space<vmem>>, vector<16xf32>,
        %mul3A_312 = arith.mulf %gather3A, %get3A_311 : vector<16xf32>
        %add3A_313 = arith.addf %scan3A_258, %mul3A_312 : vector<16xf32>
        %add3A_314 = arith.constant 0 : i32
        %add3A_315 = arith.addi %add3A_314, %add3A_265 : i32
        %get3A_316 = arith.constant 0 : i32
        %get3A_317 = arith.index_cast %get3A_316 : i32 to index
        %get3A_318 = arith.index_cast %add3A_315 : i32 to index
        %get3A_319 = arith.constant 80 : index
        %get3A_320 = tpu.vector_load %arg9[%get3A_317, %get3A_318, %get3A_319] {strides = array<i32>} : memref<2x64x128xf32, #tpu.memory_space<vmem>>, vector<16xf32>,
        %mul3A_321 = arith.mulf %gather3A, %get3A_320 : vector<16xf32>
        %add3A_322 = arith.addf %scan3A_259, %mul3A_321 : vector<16xf32>
        %add3A_323 = arith.constant 0 : i32
        %add3A_324 = arith.addi %add3A_323, %add3A_265 : i32
        %get3A_325 = arith.constant 0 : i32
        %get3A_326 = arith.index_cast %get3A_325 : i32 to index
        %get3A_327 = arith.index_cast %add3A_324 : i32 to index
        %get3A_328 = arith.constant 96 : index
        %get3A_329 = tpu.vector_load %arg9[%get3A_326, %get3A_327, %get3A_328] {strides = array<i32>} : memref<2x64x128xf32, #tpu.memory_space<vmem>>, vector<16xf32>,
        %mul3A_330 = arith.mulf %gather3A, %get3A_329 : vector<16xf32>
        %add3A_331 = arith.addf %scan3A_260, %mul3A_330 : vector<16xf32>
        %add3A_332 = arith.constant 0 : i32
        %add3A_333 = arith.addi %add3A_332, %add3A_265 : i32
        %get3A_334 = arith.constant 0 : i32
        %get3A_335 = arith.index_cast %get3A_334 : i32 to index
        %get3A_336 = arith.index_cast %add3A_333 : i32 to index
        %get3A_337 = arith.constant 112 : index
        %get3A_338 = tpu.vector_load %arg9[%get3A_335, %get3A_336, %get3A_337] {strides = array<i32>} : memref<2x64x128xf32, #tpu.memory_space<vmem>>, vector<16xf32>,
        %mul3A_339 = arith.mulf %gather3A, %get3A_338 : vector<16xf32>
        %add3A_340 = arith.addf %scan3A_261, %mul3A_339 : vector<16xf32>
        %mul3A_341 = arith.constant 4 : i32
        %mul3A_342 = arith.muli %scan3A_253, %mul3A_341 : i32
        %add3A_343 = arith.constant 1 : i32
        %add3A_344 = arith.addi %mul3A_342, %add3A_343 : i32
        %add3A_345 = arith.constant 0 : i32
        %add3A_346 = arith.addi %mul3A_56, %add3A_345 : i32
        %add3A_347 = arith.addi %add3A_346, %add3A_344 : i32
        %broadcast_in_dim3A_348 = vector.broadcast %add3A_347 : i32 to vector<16xi32>
        %gather3A_349 = tpu.vector_load_idx %arg8[%broadcast_in_dim3A_348] : memref<10240xf32, #tpu.memory_space<vmem>>[vector<16xi32>], vector<16xf32>,
        %add3A_350 = arith.constant 0 : i32
        %add3A_351 = arith.addi %add3A_350, %add3A_344 : i32
        %get3A_352 = arith.constant 0 : i32
        %get3A_353 = arith.index_cast %get3A_352 : i32 to index
        %get3A_354 = arith.index_cast %add3A_351 : i32 to index
        %get3A_355 = arith.constant 0 : index
        %get3A_356 = tpu.vector_load %arg9[%get3A_353, %get3A_354, %get3A_355] {strides = array<i32>} : memref<2x64x128xf32, #tpu.memory_space<vmem>>, vector<16xf32>,
        %mul3A_357 = arith.mulf %gather3A_349, %get3A_356 : vector<16xf32>
        %add3A_358 = arith.addf %add3A_277, %mul3A_357 : vector<16xf32>
        %add3A_359 = arith.constant 0 : i32
        %add3A_360 = arith.addi %add3A_359, %add3A_344 : i32
        %get3A_361 = arith.constant 0 : i32
        %get3A_362 = arith.index_cast %get3A_361 : i32 to index
        %get3A_363 = arith.index_cast %add3A_360 : i32 to index
        %get3A_364 = arith.constant 16 : index
        %get3A_365 = tpu.vector_load %arg9[%get3A_362, %get3A_363, %get3A_364] {strides = array<i32>} : memref<2x64x128xf32, #tpu.memory_space<vmem>>, vector<16xf32>,
        %mul3A_366 = arith.mulf %gather3A_349, %get3A_365 : vector<16xf32>
        %add3A_367 = arith.addf %add3A_286, %mul3A_366 : vector<16xf32>
        %add3A_368 = arith.constant 0 : i32
        %add3A_369 = arith.addi %add3A_368, %add3A_344 : i32
        %get3A_370 = arith.constant 0 : i32
        %get3A_371 = arith.index_cast %get3A_370 : i32 to index
        %get3A_372 = arith.index_cast %add3A_369 : i32 to index
        %get3A_373 = arith.constant 32 : index
        %get3A_374 = tpu.vector_load %arg9[%get3A_371, %get3A_372, %get3A_373] {strides = array<i32>} : memref<2x64x128xf32, #tpu.memory_space<vmem>>, vector<16xf32>,
        %mul3A_375 = arith.mulf %gather3A_349, %get3A_374 : vector<16xf32>
        %add3A_376 = arith.addf %add3A_295, %mul3A_375 : vector<16xf32>
        %add3A_377 = arith.constant 0 : i32
        %add3A_378 = arith.addi %add3A_377, %add3A_344 : i32
        %get3A_379 = arith.constant 0 : i32
        %get3A_380 = arith.index_cast %get3A_379 : i32 to index
        %get3A_381 = arith.index_cast %add3A_378 : i32 to index
        %get3A_382 = arith.constant 48 : index
        %get3A_383 = tpu.vector_load %arg9[%get3A_380, %get3A_381, %get3A_382] {strides = array<i32>} : memref<2x64x128xf32, #tpu.memory_space<vmem>>, vector<16xf32>,
        %mul3A_384 = arith.mulf %gather3A_349, %get3A_383 : vector<16xf32>
        %add3A_385 = arith.addf %add3A_304, %mul3A_384 : vector<16xf32>
        %add3A_386 = arith.constant 0 : i32
        %add3A_387 = arith.addi %add3A_386, %add3A_344 : i32
        %get3A_388 = arith.constant 0 : i32
        %get3A_389 = arith.index_cast %get3A_388 : i32 to index
        %get3A_390 = arith.index_cast %add3A_387 : i32 to index
        %get3A_391 = arith.constant 64 : index
        %get3A_392 = tpu.vector_load %arg9[%get3A_389, %get3A_390, %get3A_391] {strides = array<i32>} : memref<2x64x128xf32, #tpu.memory_space<vmem>>, vector<16xf32>,
        %mul3A_393 = arith.mulf %gather3A_349, %get3A_392 : vector<16xf32>
        %add3A_394 = arith.addf %add3A_313, %mul3A_393 : vector<16xf32>
        %add3A_395 = arith.constant 0 : i32
        %add3A_396 = arith.addi %add3A_395, %add3A_344 : i32
        %get3A_397 = arith.constant 0 : i32
        %get3A_398 = arith.index_cast %get3A_397 : i32 to index
        %get3A_399 = arith.index_cast %add3A_396 : i32 to index
        %get3A_400 = arith.constant 80 : index
        %get3A_401 = tpu.vector_load %arg9[%get3A_398, %get3A_399, %get3A_400] {strides = array<i32>} : memref<2x64x128xf32, #tpu.memory_space<vmem>>, vector<16xf32>,
        %mul3A_402 = arith.mulf %gather3A_349, %get3A_401 : vector<16xf32>
        %add3A_403 = arith.addf %add3A_322, %mul3A_402 : vector<16xf32>
        %add3A_404 = arith.constant 0 : i32
        %add3A_405 = arith.addi %add3A_404, %add3A_344 : i32
        %get3A_406 = arith.constant 0 : i32
        %get3A_407 = arith.index_cast %get3A_406 : i32 to index
        %get3A_408 = arith.index_cast %add3A_405 : i32 to index
        %get3A_409 = arith.constant 96 : index
        %get3A_410 = tpu.vector_load %arg9[%get3A_407, %get3A_408, %get3A_409] {strides = array<i32>} : memref<2x64x128xf32, #tpu.memory_space<vmem>>, vector<16xf32>,
        %mul3A_411 = arith.mulf %gather3A_349, %get3A_410 : vector<16xf32>
        %add3A_412 = arith.addf %add3A_331, %mul3A_411 : vector<16xf32>
        %add3A_413 = arith.constant 0 : i32
        %add3A_414 = arith.addi %add3A_413, %add3A_344 : i32
        %get3A_415 = arith.constant 0 : i32
        %get3A_416 = arith.index_cast %get3A_415 : i32 to index
        %get3A_417 = arith.index_cast %add3A_414 : i32 to index
        %get3A_418 = arith.constant 112 : index
        %get3A_419 = tpu.vector_load %arg9[%get3A_416, %get3A_417, %get3A_418] {strides = array<i32>} : memref<2x64x128xf32, #tpu.memory_space<vmem>>, vector<16xf32>,
        %mul3A_420 = arith.mulf %gather3A_349, %get3A_419 : vector<16xf32>
        %add3A_421 = arith.addf %add3A_340, %mul3A_420 : vector<16xf32>
        %mul3A_422 = arith.constant 4 : i32
        %mul3A_423 = arith.muli %scan3A_253, %mul3A_422 : i32
        %add3A_424 = arith.constant 2 : i32
        %add3A_425 = arith.addi %mul3A_423, %add3A_424 : i32
        %add3A_426 = arith.constant 0 : i32
        %add3A_427 = arith.addi %mul3A_56, %add3A_426 : i32
        %add3A_428 = arith.addi %add3A_427, %add3A_425 : i32
        %broadcast_in_dim3A_429 = vector.broadcast %add3A_428 : i32 to vector<16xi32>
        %gather3A_430 = tpu.vector_load_idx %arg8[%broadcast_in_dim3A_429] : memref<10240xf32, #tpu.memory_space<vmem>>[vector<16xi32>], vector<16xf32>,
        %add3A_431 = arith.constant 0 : i32
        %add3A_432 = arith.addi %add3A_431, %add3A_425 : i32
        %get3A_433 = arith.constant 0 : i32
        %get3A_434 = arith.index_cast %get3A_433 : i32 to index
        %get3A_435 = arith.index_cast %add3A_432 : i32 to index
        %get3A_436 = arith.constant 0 : index
        %get3A_437 = tpu.vector_load %arg9[%get3A_434, %get3A_435, %get3A_436] {strides = array<i32>} : memref<2x64x128xf32, #tpu.memory_space<vmem>>, vector<16xf32>,
        %mul3A_438 = arith.mulf %gather3A_430, %get3A_437 : vector<16xf32>
        %add3A_439 = arith.addf %add3A_358, %mul3A_438 : vector<16xf32>
        %add3A_440 = arith.constant 0 : i32
        %add3A_441 = arith.addi %add3A_440, %add3A_425 : i32
        %get3A_442 = arith.constant 0 : i32
        %get3A_443 = arith.index_cast %get3A_442 : i32 to index
        %get3A_444 = arith.index_cast %add3A_441 : i32 to index
        %get3A_445 = arith.constant 16 : index
        %get3A_446 = tpu.vector_load %arg9[%get3A_443, %get3A_444, %get3A_445] {strides = array<i32>} : memref<2x64x128xf32, #tpu.memory_space<vmem>>, vector<16xf32>,
        %mul3A_447 = arith.mulf %gather3A_430, %get3A_446 : vector<16xf32>
        %add3A_448 = arith.addf %add3A_367, %mul3A_447 : vector<16xf32>
        %add3A_449 = arith.constant 0 : i32
        %add3A_450 = arith.addi %add3A_449, %add3A_425 : i32
        %get3A_451 = arith.constant 0 : i32
        %get3A_452 = arith.index_cast %get3A_451 : i32 to index
        %get3A_453 = arith.index_cast %add3A_450 : i32 to index
        %get3A_454 = arith.constant 32 : index
        %get3A_455 = tpu.vector_load %arg9[%get3A_452, %get3A_453, %get3A_454] {strides = array<i32>} : memref<2x64x128xf32, #tpu.memory_space<vmem>>, vector<16xf32>,
        %mul3A_456 = arith.mulf %gather3A_430, %get3A_455 : vector<16xf32>
        %add3A_457 = arith.addf %add3A_376, %mul3A_456 : vector<16xf32>
        %add3A_458 = arith.constant 0 : i32
        %add3A_459 = arith.addi %add3A_458, %add3A_425 : i32
        %get3A_460 = arith.constant 0 : i32
        %get3A_461 = arith.index_cast %get3A_460 : i32 to index
        %get3A_462 = arith.index_cast %add3A_459 : i32 to index
        %get3A_463 = arith.constant 48 : index
        %get3A_464 = tpu.vector_load %arg9[%get3A_461, %get3A_462, %get3A_463] {strides = array<i32>} : memref<2x64x128xf32, #tpu.memory_space<vmem>>, vector<16xf32>,
        %mul3A_465 = arith.mulf %gather3A_430, %get3A_464 : vector<16xf32>
        %add3A_466 = arith.addf %add3A_385, %mul3A_465 : vector<16xf32>
        %add3A_467 = arith.constant 0 : i32
        %add3A_468 = arith.addi %add3A_467, %add3A_425 : i32
        %get3A_469 = arith.constant 0 : i32
        %get3A_470 = arith.index_cast %get3A_469 : i32 to index
        %get3A_471 = arith.index_cast %add3A_468 : i32 to index
        %get3A_472 = arith.constant 64 : index
        %get3A_473 = tpu.vector_load %arg9[%get3A_470, %get3A_471, %get3A_472] {strides = array<i32>} : memref<2x64x128xf32, #tpu.memory_space<vmem>>, vector<16xf32>,
        %mul3A_474 = arith.mulf %gather3A_430, %get3A_473 : vector<16xf32>
        %add3A_475 = arith.addf %add3A_394, %mul3A_474 : vector<16xf32>
        %add3A_476 = arith.constant 0 : i32
        %add3A_477 = arith.addi %add3A_476, %add3A_425 : i32
        %get3A_478 = arith.constant 0 : i32
        %get3A_479 = arith.index_cast %get3A_478 : i32 to index
        %get3A_480 = arith.index_cast %add3A_477 : i32 to index
        %get3A_481 = arith.constant 80 : index
        %get3A_482 = tpu.vector_load %arg9[%get3A_479, %get3A_480, %get3A_481] {strides = array<i32>} : memref<2x64x128xf32, #tpu.memory_space<vmem>>, vector<16xf32>,
        %mul3A_483 = arith.mulf %gather3A_430, %get3A_482 : vector<16xf32>
        %add3A_484 = arith.addf %add3A_403, %mul3A_483 : vector<16xf32>
        %add3A_485 = arith.constant 0 : i32
        %add3A_486 = arith.addi %add3A_485, %add3A_425 : i32
        %get3A_487 = arith.constant 0 : i32
        %get3A_488 = arith.index_cast %get3A_487 : i32 to index
        %get3A_489 = arith.index_cast %add3A_486 : i32 to index
        %get3A_490 = arith.constant 96 : index
        %get3A_491 = tpu.vector_load %arg9[%get3A_488, %get3A_489, %get3A_490] {strides = array<i32>} : memref<2x64x128xf32, #tpu.memory_space<vmem>>, vector<16xf32>,
        %mul3A_492 = arith.mulf %gather3A_430, %get3A_491 : vector<16xf32>
        %add3A_493 = arith.addf %add3A_412, %mul3A_492 : vector<16xf32>
        %add3A_494 = arith.constant 0 : i32
        %add3A_495 = arith.addi %add3A_494, %add3A_425 : i32
        %get3A_496 = arith.constant 0 : i32
        %get3A_497 = arith.index_cast %get3A_496 : i32 to index
        %get3A_498 = arith.index_cast %add3A_495 : i32 to index
        %get3A_499 = arith.constant 112 : index
        %get3A_500 = tpu.vector_load %arg9[%get3A_497, %get3A_498, %get3A_499] {strides = array<i32>} : memref<2x64x128xf32, #tpu.memory_space<vmem>>, vector<16xf32>,
        %mul3A_501 = arith.mulf %gather3A_430, %get3A_500 : vector<16xf32>
        %add3A_502 = arith.addf %add3A_421, %mul3A_501 : vector<16xf32>
        %mul3A_503 = arith.constant 4 : i32
        %mul3A_504 = arith.muli %scan3A_253, %mul3A_503 : i32
        %add3A_505 = arith.constant 3 : i32
        %add3A_506 = arith.addi %mul3A_504, %add3A_505 : i32
        %add3A_507 = arith.constant 0 : i32
        %add3A_508 = arith.addi %mul3A_56, %add3A_507 : i32
        %add3A_509 = arith.addi %add3A_508, %add3A_506 : i32
        %broadcast_in_dim3A_510 = vector.broadcast %add3A_509 : i32 to vector<16xi32>
        %gather3A_511 = tpu.vector_load_idx %arg8[%broadcast_in_dim3A_510] : memref<10240xf32, #tpu.memory_space<vmem>>[vector<16xi32>], vector<16xf32>,
        %add3A_512 = arith.constant 0 : i32
        %add3A_513 = arith.addi %add3A_512, %add3A_506 : i32
        %get3A_514 = arith.constant 0 : i32
        %get3A_515 = arith.index_cast %get3A_514 : i32 to index
        %get3A_516 = arith.index_cast %add3A_513 : i32 to index
        %get3A_517 = arith.constant 0 : index
        %get3A_518 = tpu.vector_load %arg9[%get3A_515, %get3A_516, %get3A_517] {strides = array<i32>} : memref<2x64x128xf32, #tpu.memory_space<vmem>>, vector<16xf32>,
        %mul3A_519 = arith.mulf %gather3A_511, %get3A_518 : vector<16xf32>
        %add3A_520 = arith.addf %add3A_439, %mul3A_519 : vector<16xf32>
        %add3A_521 = arith.constant 0 : i32
        %add3A_522 = arith.addi %add3A_521, %add3A_506 : i32
        %get3A_523 = arith.constant 0 : i32
        %get3A_524 = arith.index_cast %get3A_523 : i32 to index
        %get3A_525 = arith.index_cast %add3A_522 : i32 to index
        %get3A_526 = arith.constant 16 : index
        %get3A_527 = tpu.vector_load %arg9[%get3A_524, %get3A_525, %get3A_526] {strides = array<i32>} : memref<2x64x128xf32, #tpu.memory_space<vmem>>, vector<16xf32>,
        %mul3A_528 = arith.mulf %gather3A_511, %get3A_527 : vector<16xf32>
        %add3A_529 = arith.addf %add3A_448, %mul3A_528 : vector<16xf32>
        %add3A_530 = arith.constant 0 : i32
        %add3A_531 = arith.addi %add3A_530, %add3A_506 : i32
        %get3A_532 = arith.constant 0 : i32
        %get3A_533 = arith.index_cast %get3A_532 : i32 to index
        %get3A_534 = arith.index_cast %add3A_531 : i32 to index
        %get3A_535 = arith.constant 32 : index
        %get3A_536 = tpu.vector_load %arg9[%get3A_533, %get3A_534, %get3A_535] {strides = array<i32>} : memref<2x64x128xf32, #tpu.memory_space<vmem>>, vector<16xf32>,
        %mul3A_537 = arith.mulf %gather3A_511, %get3A_536 : vector<16xf32>
        %add3A_538 = arith.addf %add3A_457, %mul3A_537 : vector<16xf32>
        %add3A_539 = arith.constant 0 : i32
        %add3A_540 = arith.addi %add3A_539, %add3A_506 : i32
        %get3A_541 = arith.constant 0 : i32
        %get3A_542 = arith.index_cast %get3A_541 : i32 to index
        %get3A_543 = arith.index_cast %add3A_540 : i32 to index
        %get3A_544 = arith.constant 48 : index
        %get3A_545 = tpu.vector_load %arg9[%get3A_542, %get3A_543, %get3A_544] {strides = array<i32>} : memref<2x64x128xf32, #tpu.memory_space<vmem>>, vector<16xf32>,
        %mul3A_546 = arith.mulf %gather3A_511, %get3A_545 : vector<16xf32>
        %add3A_547 = arith.addf %add3A_466, %mul3A_546 : vector<16xf32>
        %add3A_548 = arith.constant 0 : i32
        %add3A_549 = arith.addi %add3A_548, %add3A_506 : i32
        %get3A_550 = arith.constant 0 : i32
        %get3A_551 = arith.index_cast %get3A_550 : i32 to index
        %get3A_552 = arith.index_cast %add3A_549 : i32 to index
        %get3A_553 = arith.constant 64 : index
        %get3A_554 = tpu.vector_load %arg9[%get3A_551, %get3A_552, %get3A_553] {strides = array<i32>} : memref<2x64x128xf32, #tpu.memory_space<vmem>>, vector<16xf32>,
        %mul3A_555 = arith.mulf %gather3A_511, %get3A_554 : vector<16xf32>
        %add3A_556 = arith.addf %add3A_475, %mul3A_555 : vector<16xf32>
        %add3A_557 = arith.constant 0 : i32
        %add3A_558 = arith.addi %add3A_557, %add3A_506 : i32
        %get3A_559 = arith.constant 0 : i32
        %get3A_560 = arith.index_cast %get3A_559 : i32 to index
        %get3A_561 = arith.index_cast %add3A_558 : i32 to index
        %get3A_562 = arith.constant 80 : index
        %get3A_563 = tpu.vector_load %arg9[%get3A_560, %get3A_561, %get3A_562] {strides = array<i32>} : memref<2x64x128xf32, #tpu.memory_space<vmem>>, vector<16xf32>,
        %mul3A_564 = arith.mulf %gather3A_511, %get3A_563 : vector<16xf32>
        %add3A_565 = arith.addf %add3A_484, %mul3A_564 : vector<16xf32>
        %add3A_566 = arith.constant 0 : i32
        %add3A_567 = arith.addi %add3A_566, %add3A_506 : i32
        %get3A_568 = arith.constant 0 : i32
        %get3A_569 = arith.index_cast %get3A_568 : i32 to index
        %get3A_570 = arith.index_cast %add3A_567 : i32 to index
        %get3A_571 = arith.constant 96 : index
        %get3A_572 = tpu.vector_load %arg9[%get3A_569, %get3A_570, %get3A_571] {strides = array<i32>} : memref<2x64x128xf32, #tpu.memory_space<vmem>>, vector<16xf32>,
        %mul3A_573 = arith.mulf %gather3A_511, %get3A_572 : vector<16xf32>
        %add3A_574 = arith.addf %add3A_493, %mul3A_573 : vector<16xf32>
        %add3A_575 = arith.constant 0 : i32
        %add3A_576 = arith.addi %add3A_575, %add3A_506 : i32
        %get3A_577 = arith.constant 0 : i32
        %get3A_578 = arith.index_cast %get3A_577 : i32 to index
        %get3A_579 = arith.index_cast %add3A_576 : i32 to index
        %get3A_580 = arith.constant 112 : index
        %get3A_581 = tpu.vector_load %arg9[%get3A_578, %get3A_579, %get3A_580] {strides = array<i32>} : memref<2x64x128xf32, #tpu.memory_space<vmem>>, vector<16xf32>,
        %mul3A_582 = arith.mulf %gather3A_511, %get3A_581 : vector<16xf32>
        %add3A_583 = arith.addf %add3A_502, %mul3A_582 : vector<16xf32>
        scf.yield %add3A_520, %add3A_529, %add3A_538, %add3A_547, %add3A_556, %add3A_565, %add3A_574, %add3A_583 : vector<16xf32>, vector<16xf32>, vector<16xf32>, vector<16xf32>, vector<16xf32>, vector<16xf32>, vector<16xf32>, vector<16xf32>
      }
      %scan3A_72 = arith.constant 8 : i32
      %swap3A = arith.constant 0 : i32
      %swap3A_73 = arith.index_cast %swap3A : i32 to index
      %swap3A_74 = arith.constant 0 : index
      %swap3A_75 = tpu.vector_load %arg10[%swap3A_73, %swap3A_74] {strides = array<i32>} : memref<4x128xf32, #tpu.memory_space<vmem>>, vector<16xf32>,
      tpu.vector_store %arg10[%swap3A_73, %swap3A_74], %scan3A_71#0 {strides = array<i32>} : memref<4x128xf32, #tpu.memory_space<vmem>>, vector<16xf32>,
      %swap3A_76 = arith.constant 0 : i32
      %swap3A_77 = arith.index_cast %swap3A_76 : i32 to index
      %swap3A_78 = arith.constant 16 : index
      %swap3A_79 = tpu.vector_load %arg10[%swap3A_77, %swap3A_78] {strides = array<i32>} : memref<4x128xf32, #tpu.memory_space<vmem>>, vector<16xf32>,
      tpu.vector_store %arg10[%swap3A_77, %swap3A_78], %scan3A_71#1 {strides = array<i32>} : memref<4x128xf32, #tpu.memory_space<vmem>>, vector<16xf32>,
      %swap3A_80 = arith.constant 0 : i32
      %swap3A_81 = arith.index_cast %swap3A_80 : i32 to index
      %swap3A_82 = arith.constant 32 : index
      %swap3A_83 = tpu.vector_load %arg10[%swap3A_81, %swap3A_82] {strides = array<i32>} : memref<4x128xf32, #tpu.memory_space<vmem>>, vector<16xf32>,
      tpu.vector_store %arg10[%swap3A_81, %swap3A_82], %scan3A_71#2 {strides = array<i32>} : memref<4x128xf32, #tpu.memory_space<vmem>>, vector<16xf32>,
      %swap3A_84 = arith.constant 0 : i32
      %swap3A_85 = arith.index_cast %swap3A_84 : i32 to index
      %swap3A_86 = arith.constant 48 : index
      %swap3A_87 = tpu.vector_load %arg10[%swap3A_85, %swap3A_86] {strides = array<i32>} : memref<4x128xf32, #tpu.memory_space<vmem>>, vector<16xf32>,
      tpu.vector_store %arg10[%swap3A_85, %swap3A_86], %scan3A_71#3 {strides = array<i32>} : memref<4x128xf32, #tpu.memory_space<vmem>>, vector<16xf32>,
      %swap3A_88 = arith.constant 0 : i32
      %swap3A_89 = arith.index_cast %swap3A_88 : i32 to index
      %swap3A_90 = arith.constant 64 : index
      %swap3A_91 = tpu.vector_load %arg10[%swap3A_89, %swap3A_90] {strides = array<i32>} : memref<4x128xf32, #tpu.memory_space<vmem>>, vector<16xf32>,
      tpu.vector_store %arg10[%swap3A_89, %swap3A_90], %scan3A_71#4 {strides = array<i32>} : memref<4x128xf32, #tpu.memory_space<vmem>>, vector<16xf32>,
      %swap3A_92 = arith.constant 0 : i32
      %swap3A_93 = arith.index_cast %swap3A_92 : i32 to index
      %swap3A_94 = arith.constant 80 : index
      %swap3A_95 = tpu.vector_load %arg10[%swap3A_93, %swap3A_94] {strides = array<i32>} : memref<4x128xf32, #tpu.memory_space<vmem>>, vector<16xf32>,
      tpu.vector_store %arg10[%swap3A_93, %swap3A_94], %scan3A_71#5 {strides = array<i32>} : memref<4x128xf32, #tpu.memory_space<vmem>>, vector<16xf32>,
      %swap3A_96 = arith.constant 0 : i32
      %swap3A_97 = arith.index_cast %swap3A_96 : i32 to index
      %swap3A_98 = arith.constant 96 : index
      %swap3A_99 = tpu.vector_load %arg10[%swap3A_97, %swap3A_98] {strides = array<i32>} : memref<4x128xf32, #tpu.memory_space<vmem>>, vector<16xf32>,
      tpu.vector_store %arg10[%swap3A_97, %swap3A_98], %scan3A_71#6 {strides = array<i32>} : memref<4x128xf32, #tpu.memory_space<vmem>>, vector<16xf32>,
      %swap3A_100 = arith.constant 0 : i32
      %swap3A_101 = arith.index_cast %swap3A_100 : i32 to index
      %swap3A_102 = arith.constant 112 : index
      %swap3A_103 = tpu.vector_load %arg10[%swap3A_101, %swap3A_102] {strides = array<i32>} : memref<4x128xf32, #tpu.memory_space<vmem>>, vector<16xf32>,
      tpu.vector_store %arg10[%swap3A_101, %swap3A_102], %scan3A_71#7 {strides = array<i32>} : memref<4x128xf32, #tpu.memory_space<vmem>>, vector<16xf32>,
      %scan3A_104 = arith.constant 0 : i32
      %scan3A_105 = arith.constant 8 : i32
      %scan3A_106 = arith.addi %scan3A_104, %scan3A_105 : i32
      %scan3A_107 = arith.constant 1 : i32
      %scan3A_108:8 = scf.for %scan3A_253 = %scan3A_104 to %scan3A_106 step %scan3A_107 iter_args(%scan3A_254 = %get3A_30, %scan3A_255 = %get3A_32, %scan3A_256 = %get3A_34, %scan3A_257 = %get3A_36, %scan3A_258 = %get3A_38, %scan3A_259 = %get3A_40, %scan3A_260 = %get3A_42, %scan3A_261 = %get3A_44) -> (vector<16xf32>, vector<16xf32>, vector<16xf32>, vector<16xf32>, vector<16xf32>, vector<16xf32>, vector<16xf32>, vector<16xf32>)  : i32 {
        %mul3A_262 = arith.constant 4 : i32
        %mul3A_263 = arith.muli %scan3A_253, %mul3A_262 : i32
        %add3A_264 = arith.constant 0 : i32
        %add3A_265 = arith.addi %mul3A_263, %add3A_264 : i32
        %add3A_266 = arith.constant 32 : i32
        %add3A_267 = arith.addi %mul3A_56, %add3A_266 : i32
        %add3A_268 = arith.addi %add3A_267, %add3A_265 : i32
        %broadcast_in_dim3A = vector.broadcast %add3A_268 : i32 to vector<16xi32>
        %gather3A = tpu.vector_load_idx %arg8[%broadcast_in_dim3A] : memref<10240xf32, #tpu.memory_space<vmem>>[vector<16xi32>], vector<16xf32>,
        %add3A_269 = arith.constant 32 : i32
        %add3A_270 = arith.addi %add3A_269, %add3A_265 : i32
        %get3A_271 = arith.constant 0 : i32
        %get3A_272 = arith.index_cast %get3A_271 : i32 to index
        %get3A_273 = arith.index_cast %add3A_270 : i32 to index
        %get3A_274 = arith.constant 0 : index
        %get3A_275 = tpu.vector_load %arg9[%get3A_272, %get3A_273, %get3A_274] {strides = array<i32>} : memref<2x64x128xf32, #tpu.memory_space<vmem>>, vector<16xf32>,
        %mul3A_276 = arith.mulf %gather3A, %get3A_275 : vector<16xf32>
        %add3A_277 = arith.addf %scan3A_254, %mul3A_276 : vector<16xf32>
        %add3A_278 = arith.constant 32 : i32
        %add3A_279 = arith.addi %add3A_278, %add3A_265 : i32
        %get3A_280 = arith.constant 0 : i32
        %get3A_281 = arith.index_cast %get3A_280 : i32 to index
        %get3A_282 = arith.index_cast %add3A_279 : i32 to index
        %get3A_283 = arith.constant 16 : index
        %get3A_284 = tpu.vector_load %arg9[%get3A_281, %get3A_282, %get3A_283] {strides = array<i32>} : memref<2x64x128xf32, #tpu.memory_space<vmem>>, vector<16xf32>,
        %mul3A_285 = arith.mulf %gather3A, %get3A_284 : vector<16xf32>
        %add3A_286 = arith.addf %scan3A_255, %mul3A_285 : vector<16xf32>
        %add3A_287 = arith.constant 32 : i32
        %add3A_288 = arith.addi %add3A_287, %add3A_265 : i32
        %get3A_289 = arith.constant 0 : i32
        %get3A_290 = arith.index_cast %get3A_289 : i32 to index
        %get3A_291 = arith.index_cast %add3A_288 : i32 to index
        %get3A_292 = arith.constant 32 : index
        %get3A_293 = tpu.vector_load %arg9[%get3A_290, %get3A_291, %get3A_292] {strides = array<i32>} : memref<2x64x128xf32, #tpu.memory_space<vmem>>, vector<16xf32>,
        %mul3A_294 = arith.mulf %gather3A, %get3A_293 : vector<16xf32>
        %add3A_295 = arith.addf %scan3A_256, %mul3A_294 : vector<16xf32>
        %add3A_296 = arith.constant 32 : i32
        %add3A_297 = arith.addi %add3A_296, %add3A_265 : i32
        %get3A_298 = arith.constant 0 : i32
        %get3A_299 = arith.index_cast %get3A_298 : i32 to index
        %get3A_300 = arith.index_cast %add3A_297 : i32 to index
        %get3A_301 = arith.constant 48 : index
        %get3A_302 = tpu.vector_load %arg9[%get3A_299, %get3A_300, %get3A_301] {strides = array<i32>} : memref<2x64x128xf32, #tpu.memory_space<vmem>>, vector<16xf32>,
        %mul3A_303 = arith.mulf %gather3A, %get3A_302 : vector<16xf32>
        %add3A_304 = arith.addf %scan3A_257, %mul3A_303 : vector<16xf32>
        %add3A_305 = arith.constant 32 : i32
        %add3A_306 = arith.addi %add3A_305, %add3A_265 : i32
        %get3A_307 = arith.constant 0 : i32
        %get3A_308 = arith.index_cast %get3A_307 : i32 to index
        %get3A_309 = arith.index_cast %add3A_306 : i32 to index
        %get3A_310 = arith.constant 64 : index
        %get3A_311 = tpu.vector_load %arg9[%get3A_308, %get3A_309, %get3A_310] {strides = array<i32>} : memref<2x64x128xf32, #tpu.memory_space<vmem>>, vector<16xf32>,
        %mul3A_312 = arith.mulf %gather3A, %get3A_311 : vector<16xf32>
        %add3A_313 = arith.addf %scan3A_258, %mul3A_312 : vector<16xf32>
        %add3A_314 = arith.constant 32 : i32
        %add3A_315 = arith.addi %add3A_314, %add3A_265 : i32
        %get3A_316 = arith.constant 0 : i32
        %get3A_317 = arith.index_cast %get3A_316 : i32 to index
        %get3A_318 = arith.index_cast %add3A_315 : i32 to index
        %get3A_319 = arith.constant 80 : index
        %get3A_320 = tpu.vector_load %arg9[%get3A_317, %get3A_318, %get3A_319] {strides = array<i32>} : memref<2x64x128xf32, #tpu.memory_space<vmem>>, vector<16xf32>,
        %mul3A_321 = arith.mulf %gather3A, %get3A_320 : vector<16xf32>
        %add3A_322 = arith.addf %scan3A_259, %mul3A_321 : vector<16xf32>
        %add3A_323 = arith.constant 32 : i32
        %add3A_324 = arith.addi %add3A_323, %add3A_265 : i32
        %get3A_325 = arith.constant 0 : i32
        %get3A_326 = arith.index_cast %get3A_325 : i32 to index
        %get3A_327 = arith.index_cast %add3A_324 : i32 to index
        %get3A_328 = arith.constant 96 : index
        %get3A_329 = tpu.vector_load %arg9[%get3A_326, %get3A_327, %get3A_328] {strides = array<i32>} : memref<2x64x128xf32, #tpu.memory_space<vmem>>, vector<16xf32>,
        %mul3A_330 = arith.mulf %gather3A, %get3A_329 : vector<16xf32>
        %add3A_331 = arith.addf %scan3A_260, %mul3A_330 : vector<16xf32>
        %add3A_332 = arith.constant 32 : i32
        %add3A_333 = arith.addi %add3A_332, %add3A_265 : i32
        %get3A_334 = arith.constant 0 : i32
        %get3A_335 = arith.index_cast %get3A_334 : i32 to index
        %get3A_336 = arith.index_cast %add3A_333 : i32 to index
        %get3A_337 = arith.constant 112 : index
        %get3A_338 = tpu.vector_load %arg9[%get3A_335, %get3A_336, %get3A_337] {strides = array<i32>} : memref<2x64x128xf32, #tpu.memory_space<vmem>>, vector<16xf32>,
        %mul3A_339 = arith.mulf %gather3A, %get3A_338 : vector<16xf32>
        %add3A_340 = arith.addf %scan3A_261, %mul3A_339 : vector<16xf32>
        %mul3A_341 = arith.constant 4 : i32
        %mul3A_342 = arith.muli %scan3A_253, %mul3A_341 : i32
        %add3A_343 = arith.constant 1 : i32
        %add3A_344 = arith.addi %mul3A_342, %add3A_343 : i32
        %add3A_345 = arith.constant 32 : i32
        %add3A_346 = arith.addi %mul3A_56, %add3A_345 : i32
        %add3A_347 = arith.addi %add3A_346, %add3A_344 : i32
        %broadcast_in_dim3A_348 = vector.broadcast %add3A_347 : i32 to vector<16xi32>
        %gather3A_349 = tpu.vector_load_idx %arg8[%broadcast_in_dim3A_348] : memref<10240xf32, #tpu.memory_space<vmem>>[vector<16xi32>], vector<16xf32>,
        %add3A_350 = arith.constant 32 : i32
        %add3A_351 = arith.addi %add3A_350, %add3A_344 : i32
        %get3A_352 = arith.constant 0 : i32
        %get3A_353 = arith.index_cast %get3A_352 : i32 to index
        %get3A_354 = arith.index_cast %add3A_351 : i32 to index
        %get3A_355 = arith.constant 0 : index
        %get3A_356 = tpu.vector_load %arg9[%get3A_353, %get3A_354, %get3A_355] {strides = array<i32>} : memref<2x64x128xf32, #tpu.memory_space<vmem>>, vector<16xf32>,
        %mul3A_357 = arith.mulf %gather3A_349, %get3A_356 : vector<16xf32>
        %add3A_358 = arith.addf %add3A_277, %mul3A_357 : vector<16xf32>
        %add3A_359 = arith.constant 32 : i32
        %add3A_360 = arith.addi %add3A_359, %add3A_344 : i32
        %get3A_361 = arith.constant 0 : i32
        %get3A_362 = arith.index_cast %get3A_361 : i32 to index
        %get3A_363 = arith.index_cast %add3A_360 : i32 to index
        %get3A_364 = arith.constant 16 : index
        %get3A_365 = tpu.vector_load %arg9[%get3A_362, %get3A_363, %get3A_364] {strides = array<i32>} : memref<2x64x128xf32, #tpu.memory_space<vmem>>, vector<16xf32>,
        %mul3A_366 = arith.mulf %gather3A_349, %get3A_365 : vector<16xf32>
        %add3A_367 = arith.addf %add3A_286, %mul3A_366 : vector<16xf32>
        %add3A_368 = arith.constant 32 : i32
        %add3A_369 = arith.addi %add3A_368, %add3A_344 : i32
        %get3A_370 = arith.constant 0 : i32
        %get3A_371 = arith.index_cast %get3A_370 : i32 to index
        %get3A_372 = arith.index_cast %add3A_369 : i32 to index
        %get3A_373 = arith.constant 32 : index
        %get3A_374 = tpu.vector_load %arg9[%get3A_371, %get3A_372, %get3A_373] {strides = array<i32>} : memref<2x64x128xf32, #tpu.memory_space<vmem>>, vector<16xf32>,
        %mul3A_375 = arith.mulf %gather3A_349, %get3A_374 : vector<16xf32>
        %add3A_376 = arith.addf %add3A_295, %mul3A_375 : vector<16xf32>
        %add3A_377 = arith.constant 32 : i32
        %add3A_378 = arith.addi %add3A_377, %add3A_344 : i32
        %get3A_379 = arith.constant 0 : i32
        %get3A_380 = arith.index_cast %get3A_379 : i32 to index
        %get3A_381 = arith.index_cast %add3A_378 : i32 to index
        %get3A_382 = arith.constant 48 : index
        %get3A_383 = tpu.vector_load %arg9[%get3A_380, %get3A_381, %get3A_382] {strides = array<i32>} : memref<2x64x128xf32, #tpu.memory_space<vmem>>, vector<16xf32>,
        %mul3A_384 = arith.mulf %gather3A_349, %get3A_383 : vector<16xf32>
        %add3A_385 = arith.addf %add3A_304, %mul3A_384 : vector<16xf32>
        %add3A_386 = arith.constant 32 : i32
        %add3A_387 = arith.addi %add3A_386, %add3A_344 : i32
        %get3A_388 = arith.constant 0 : i32
        %get3A_389 = arith.index_cast %get3A_388 : i32 to index
        %get3A_390 = arith.index_cast %add3A_387 : i32 to index
        %get3A_391 = arith.constant 64 : index
        %get3A_392 = tpu.vector_load %arg9[%get3A_389, %get3A_390, %get3A_391] {strides = array<i32>} : memref<2x64x128xf32, #tpu.memory_space<vmem>>, vector<16xf32>,
        %mul3A_393 = arith.mulf %gather3A_349, %get3A_392 : vector<16xf32>
        %add3A_394 = arith.addf %add3A_313, %mul3A_393 : vector<16xf32>
        %add3A_395 = arith.constant 32 : i32
        %add3A_396 = arith.addi %add3A_395, %add3A_344 : i32
        %get3A_397 = arith.constant 0 : i32
        %get3A_398 = arith.index_cast %get3A_397 : i32 to index
        %get3A_399 = arith.index_cast %add3A_396 : i32 to index
        %get3A_400 = arith.constant 80 : index
        %get3A_401 = tpu.vector_load %arg9[%get3A_398, %get3A_399, %get3A_400] {strides = array<i32>} : memref<2x64x128xf32, #tpu.memory_space<vmem>>, vector<16xf32>,
        %mul3A_402 = arith.mulf %gather3A_349, %get3A_401 : vector<16xf32>
        %add3A_403 = arith.addf %add3A_322, %mul3A_402 : vector<16xf32>
        %add3A_404 = arith.constant 32 : i32
        %add3A_405 = arith.addi %add3A_404, %add3A_344 : i32
        %get3A_406 = arith.constant 0 : i32
        %get3A_407 = arith.index_cast %get3A_406 : i32 to index
        %get3A_408 = arith.index_cast %add3A_405 : i32 to index
        %get3A_409 = arith.constant 96 : index
        %get3A_410 = tpu.vector_load %arg9[%get3A_407, %get3A_408, %get3A_409] {strides = array<i32>} : memref<2x64x128xf32, #tpu.memory_space<vmem>>, vector<16xf32>,
        %mul3A_411 = arith.mulf %gather3A_349, %get3A_410 : vector<16xf32>
        %add3A_412 = arith.addf %add3A_331, %mul3A_411 : vector<16xf32>
        %add3A_413 = arith.constant 32 : i32
        %add3A_414 = arith.addi %add3A_413, %add3A_344 : i32
        %get3A_415 = arith.constant 0 : i32
        %get3A_416 = arith.index_cast %get3A_415 : i32 to index
        %get3A_417 = arith.index_cast %add3A_414 : i32 to index
        %get3A_418 = arith.constant 112 : index
        %get3A_419 = tpu.vector_load %arg9[%get3A_416, %get3A_417, %get3A_418] {strides = array<i32>} : memref<2x64x128xf32, #tpu.memory_space<vmem>>, vector<16xf32>,
        %mul3A_420 = arith.mulf %gather3A_349, %get3A_419 : vector<16xf32>
        %add3A_421 = arith.addf %add3A_340, %mul3A_420 : vector<16xf32>
        %mul3A_422 = arith.constant 4 : i32
        %mul3A_423 = arith.muli %scan3A_253, %mul3A_422 : i32
        %add3A_424 = arith.constant 2 : i32
        %add3A_425 = arith.addi %mul3A_423, %add3A_424 : i32
        %add3A_426 = arith.constant 32 : i32
        %add3A_427 = arith.addi %mul3A_56, %add3A_426 : i32
        %add3A_428 = arith.addi %add3A_427, %add3A_425 : i32
        %broadcast_in_dim3A_429 = vector.broadcast %add3A_428 : i32 to vector<16xi32>
        %gather3A_430 = tpu.vector_load_idx %arg8[%broadcast_in_dim3A_429] : memref<10240xf32, #tpu.memory_space<vmem>>[vector<16xi32>], vector<16xf32>,
        %add3A_431 = arith.constant 32 : i32
        %add3A_432 = arith.addi %add3A_431, %add3A_425 : i32
        %get3A_433 = arith.constant 0 : i32
        %get3A_434 = arith.index_cast %get3A_433 : i32 to index
        %get3A_435 = arith.index_cast %add3A_432 : i32 to index
        %get3A_436 = arith.constant 0 : index
        %get3A_437 = tpu.vector_load %arg9[%get3A_434, %get3A_435, %get3A_436] {strides = array<i32>} : memref<2x64x128xf32, #tpu.memory_space<vmem>>, vector<16xf32>,
        %mul3A_438 = arith.mulf %gather3A_430, %get3A_437 : vector<16xf32>
        %add3A_439 = arith.addf %add3A_358, %mul3A_438 : vector<16xf32>
        %add3A_440 = arith.constant 32 : i32
        %add3A_441 = arith.addi %add3A_440, %add3A_425 : i32
        %get3A_442 = arith.constant 0 : i32
        %get3A_443 = arith.index_cast %get3A_442 : i32 to index
        %get3A_444 = arith.index_cast %add3A_441 : i32 to index
        %get3A_445 = arith.constant 16 : index
        %get3A_446 = tpu.vector_load %arg9[%get3A_443, %get3A_444, %get3A_445] {strides = array<i32>} : memref<2x64x128xf32, #tpu.memory_space<vmem>>, vector<16xf32>,
        %mul3A_447 = arith.mulf %gather3A_430, %get3A_446 : vector<16xf32>
        %add3A_448 = arith.addf %add3A_367, %mul3A_447 : vector<16xf32>
        %add3A_449 = arith.constant 32 : i32
        %add3A_450 = arith.addi %add3A_449, %add3A_425 : i32
        %get3A_451 = arith.constant 0 : i32
        %get3A_452 = arith.index_cast %get3A_451 : i32 to index
        %get3A_453 = arith.index_cast %add3A_450 : i32 to index
        %get3A_454 = arith.constant 32 : index
        %get3A_455 = tpu.vector_load %arg9[%get3A_452, %get3A_453, %get3A_454] {strides = array<i32>} : memref<2x64x128xf32, #tpu.memory_space<vmem>>, vector<16xf32>,
        %mul3A_456 = arith.mulf %gather3A_430, %get3A_455 : vector<16xf32>
        %add3A_457 = arith.addf %add3A_376, %mul3A_456 : vector<16xf32>
        %add3A_458 = arith.constant 32 : i32
        %add3A_459 = arith.addi %add3A_458, %add3A_425 : i32
        %get3A_460 = arith.constant 0 : i32
        %get3A_461 = arith.index_cast %get3A_460 : i32 to index
        %get3A_462 = arith.index_cast %add3A_459 : i32 to index
        %get3A_463 = arith.constant 48 : index
        %get3A_464 = tpu.vector_load %arg9[%get3A_461, %get3A_462, %get3A_463] {strides = array<i32>} : memref<2x64x128xf32, #tpu.memory_space<vmem>>, vector<16xf32>,
        %mul3A_465 = arith.mulf %gather3A_430, %get3A_464 : vector<16xf32>
        %add3A_466 = arith.addf %add3A_385, %mul3A_465 : vector<16xf32>
        %add3A_467 = arith.constant 32 : i32
        %add3A_468 = arith.addi %add3A_467, %add3A_425 : i32
        %get3A_469 = arith.constant 0 : i32
        %get3A_470 = arith.index_cast %get3A_469 : i32 to index
        %get3A_471 = arith.index_cast %add3A_468 : i32 to index
        %get3A_472 = arith.constant 64 : index
        %get3A_473 = tpu.vector_load %arg9[%get3A_470, %get3A_471, %get3A_472] {strides = array<i32>} : memref<2x64x128xf32, #tpu.memory_space<vmem>>, vector<16xf32>,
        %mul3A_474 = arith.mulf %gather3A_430, %get3A_473 : vector<16xf32>
        %add3A_475 = arith.addf %add3A_394, %mul3A_474 : vector<16xf32>
        %add3A_476 = arith.constant 32 : i32
        %add3A_477 = arith.addi %add3A_476, %add3A_425 : i32
        %get3A_478 = arith.constant 0 : i32
        %get3A_479 = arith.index_cast %get3A_478 : i32 to index
        %get3A_480 = arith.index_cast %add3A_477 : i32 to index
        %get3A_481 = arith.constant 80 : index
        %get3A_482 = tpu.vector_load %arg9[%get3A_479, %get3A_480, %get3A_481] {strides = array<i32>} : memref<2x64x128xf32, #tpu.memory_space<vmem>>, vector<16xf32>,
        %mul3A_483 = arith.mulf %gather3A_430, %get3A_482 : vector<16xf32>
        %add3A_484 = arith.addf %add3A_403, %mul3A_483 : vector<16xf32>
        %add3A_485 = arith.constant 32 : i32
        %add3A_486 = arith.addi %add3A_485, %add3A_425 : i32
        %get3A_487 = arith.constant 0 : i32
        %get3A_488 = arith.index_cast %get3A_487 : i32 to index
        %get3A_489 = arith.index_cast %add3A_486 : i32 to index
        %get3A_490 = arith.constant 96 : index
        %get3A_491 = tpu.vector_load %arg9[%get3A_488, %get3A_489, %get3A_490] {strides = array<i32>} : memref<2x64x128xf32, #tpu.memory_space<vmem>>, vector<16xf32>,
        %mul3A_492 = arith.mulf %gather3A_430, %get3A_491 : vector<16xf32>
        %add3A_493 = arith.addf %add3A_412, %mul3A_492 : vector<16xf32>
        %add3A_494 = arith.constant 32 : i32
        %add3A_495 = arith.addi %add3A_494, %add3A_425 : i32
        %get3A_496 = arith.constant 0 : i32
        %get3A_497 = arith.index_cast %get3A_496 : i32 to index
        %get3A_498 = arith.index_cast %add3A_495 : i32 to index
        %get3A_499 = arith.constant 112 : index
        %get3A_500 = tpu.vector_load %arg9[%get3A_497, %get3A_498, %get3A_499] {strides = array<i32>} : memref<2x64x128xf32, #tpu.memory_space<vmem>>, vector<16xf32>,
        %mul3A_501 = arith.mulf %gather3A_430, %get3A_500 : vector<16xf32>
        %add3A_502 = arith.addf %add3A_421, %mul3A_501 : vector<16xf32>
        %mul3A_503 = arith.constant 4 : i32
        %mul3A_504 = arith.muli %scan3A_253, %mul3A_503 : i32
        %add3A_505 = arith.constant 3 : i32
        %add3A_506 = arith.addi %mul3A_504, %add3A_505 : i32
        %add3A_507 = arith.constant 32 : i32
        %add3A_508 = arith.addi %mul3A_56, %add3A_507 : i32
        %add3A_509 = arith.addi %add3A_508, %add3A_506 : i32
        %broadcast_in_dim3A_510 = vector.broadcast %add3A_509 : i32 to vector<16xi32>
        %gather3A_511 = tpu.vector_load_idx %arg8[%broadcast_in_dim3A_510] : memref<10240xf32, #tpu.memory_space<vmem>>[vector<16xi32>], vector<16xf32>,
        %add3A_512 = arith.constant 32 : i32
        %add3A_513 = arith.addi %add3A_512, %add3A_506 : i32
        %get3A_514 = arith.constant 0 : i32
        %get3A_515 = arith.index_cast %get3A_514 : i32 to index
        %get3A_516 = arith.index_cast %add3A_513 : i32 to index
        %get3A_517 = arith.constant 0 : index
        %get3A_518 = tpu.vector_load %arg9[%get3A_515, %get3A_516, %get3A_517] {strides = array<i32>} : memref<2x64x128xf32, #tpu.memory_space<vmem>>, vector<16xf32>,
        %mul3A_519 = arith.mulf %gather3A_511, %get3A_518 : vector<16xf32>
        %add3A_520 = arith.addf %add3A_439, %mul3A_519 : vector<16xf32>
        %add3A_521 = arith.constant 32 : i32
        %add3A_522 = arith.addi %add3A_521, %add3A_506 : i32
        %get3A_523 = arith.constant 0 : i32
        %get3A_524 = arith.index_cast %get3A_523 : i32 to index
        %get3A_525 = arith.index_cast %add3A_522 : i32 to index
        %get3A_526 = arith.constant 16 : index
        %get3A_527 = tpu.vector_load %arg9[%get3A_524, %get3A_525, %get3A_526] {strides = array<i32>} : memref<2x64x128xf32, #tpu.memory_space<vmem>>, vector<16xf32>,
        %mul3A_528 = arith.mulf %gather3A_511, %get3A_527 : vector<16xf32>
        %add3A_529 = arith.addf %add3A_448, %mul3A_528 : vector<16xf32>
        %add3A_530 = arith.constant 32 : i32
        %add3A_531 = arith.addi %add3A_530, %add3A_506 : i32
        %get3A_532 = arith.constant 0 : i32
        %get3A_533 = arith.index_cast %get3A_532 : i32 to index
        %get3A_534 = arith.index_cast %add3A_531 : i32 to index
        %get3A_535 = arith.constant 32 : index
        %get3A_536 = tpu.vector_load %arg9[%get3A_533, %get3A_534, %get3A_535] {strides = array<i32>} : memref<2x64x128xf32, #tpu.memory_space<vmem>>, vector<16xf32>,
        %mul3A_537 = arith.mulf %gather3A_511, %get3A_536 : vector<16xf32>
        %add3A_538 = arith.addf %add3A_457, %mul3A_537 : vector<16xf32>
        %add3A_539 = arith.constant 32 : i32
        %add3A_540 = arith.addi %add3A_539, %add3A_506 : i32
        %get3A_541 = arith.constant 0 : i32
        %get3A_542 = arith.index_cast %get3A_541 : i32 to index
        %get3A_543 = arith.index_cast %add3A_540 : i32 to index
        %get3A_544 = arith.constant 48 : index
        %get3A_545 = tpu.vector_load %arg9[%get3A_542, %get3A_543, %get3A_544] {strides = array<i32>} : memref<2x64x128xf32, #tpu.memory_space<vmem>>, vector<16xf32>,
        %mul3A_546 = arith.mulf %gather3A_511, %get3A_545 : vector<16xf32>
        %add3A_547 = arith.addf %add3A_466, %mul3A_546 : vector<16xf32>
        %add3A_548 = arith.constant 32 : i32
        %add3A_549 = arith.addi %add3A_548, %add3A_506 : i32
        %get3A_550 = arith.constant 0 : i32
        %get3A_551 = arith.index_cast %get3A_550 : i32 to index
        %get3A_552 = arith.index_cast %add3A_549 : i32 to index
        %get3A_553 = arith.constant 64 : index
        %get3A_554 = tpu.vector_load %arg9[%get3A_551, %get3A_552, %get3A_553] {strides = array<i32>} : memref<2x64x128xf32, #tpu.memory_space<vmem>>, vector<16xf32>,
        %mul3A_555 = arith.mulf %gather3A_511, %get3A_554 : vector<16xf32>
        %add3A_556 = arith.addf %add3A_475, %mul3A_555 : vector<16xf32>
        %add3A_557 = arith.constant 32 : i32
        %add3A_558 = arith.addi %add3A_557, %add3A_506 : i32
        %get3A_559 = arith.constant 0 : i32
        %get3A_560 = arith.index_cast %get3A_559 : i32 to index
        %get3A_561 = arith.index_cast %add3A_558 : i32 to index
        %get3A_562 = arith.constant 80 : index
        %get3A_563 = tpu.vector_load %arg9[%get3A_560, %get3A_561, %get3A_562] {strides = array<i32>} : memref<2x64x128xf32, #tpu.memory_space<vmem>>, vector<16xf32>,
        %mul3A_564 = arith.mulf %gather3A_511, %get3A_563 : vector<16xf32>
        %add3A_565 = arith.addf %add3A_484, %mul3A_564 : vector<16xf32>
        %add3A_566 = arith.constant 32 : i32
        %add3A_567 = arith.addi %add3A_566, %add3A_506 : i32
        %get3A_568 = arith.constant 0 : i32
        %get3A_569 = arith.index_cast %get3A_568 : i32 to index
        %get3A_570 = arith.index_cast %add3A_567 : i32 to index
        %get3A_571 = arith.constant 96 : index
        %get3A_572 = tpu.vector_load %arg9[%get3A_569, %get3A_570, %get3A_571] {strides = array<i32>} : memref<2x64x128xf32, #tpu.memory_space<vmem>>, vector<16xf32>,
        %mul3A_573 = arith.mulf %gather3A_511, %get3A_572 : vector<16xf32>
        %add3A_574 = arith.addf %add3A_493, %mul3A_573 : vector<16xf32>
        %add3A_575 = arith.constant 32 : i32
        %add3A_576 = arith.addi %add3A_575, %add3A_506 : i32
        %get3A_577 = arith.constant 0 : i32
        %get3A_578 = arith.index_cast %get3A_577 : i32 to index
        %get3A_579 = arith.index_cast %add3A_576 : i32 to index
        %get3A_580 = arith.constant 112 : index
        %get3A_581 = tpu.vector_load %arg9[%get3A_578, %get3A_579, %get3A_580] {strides = array<i32>} : memref<2x64x128xf32, #tpu.memory_space<vmem>>, vector<16xf32>,
        %mul3A_582 = arith.mulf %gather3A_511, %get3A_581 : vector<16xf32>
        %add3A_583 = arith.addf %add3A_502, %mul3A_582 : vector<16xf32>
        scf.yield %add3A_520, %add3A_529, %add3A_538, %add3A_547, %add3A_556, %add3A_565, %add3A_574, %add3A_583 : vector<16xf32>, vector<16xf32>, vector<16xf32>, vector<16xf32>, vector<16xf32>, vector<16xf32>, vector<16xf32>, vector<16xf32>
      }
      %scan3A_109 = arith.constant 8 : i32
      %swap3A_110 = arith.constant 1 : i32
      %swap3A_111 = arith.index_cast %swap3A_110 : i32 to index
      %swap3A_112 = arith.constant 0 : index
      %swap3A_113 = tpu.vector_load %arg10[%swap3A_111, %swap3A_112] {strides = array<i32>} : memref<4x128xf32, #tpu.memory_space<vmem>>, vector<16xf32>,
      tpu.vector_store %arg10[%swap3A_111, %swap3A_112], %scan3A_108#0 {strides = array<i32>} : memref<4x128xf32, #tpu.memory_space<vmem>>, vector<16xf32>,
      %swap3A_114 = arith.constant 1 : i32
      %swap3A_115 = arith.index_cast %swap3A_114 : i32 to index
      %swap3A_116 = arith.constant 16 : index
      %swap3A_117 = tpu.vector_load %arg10[%swap3A_115, %swap3A_116] {strides = array<i32>} : memref<4x128xf32, #tpu.memory_space<vmem>>, vector<16xf32>,
      tpu.vector_store %arg10[%swap3A_115, %swap3A_116], %scan3A_108#1 {strides = array<i32>} : memref<4x128xf32, #tpu.memory_space<vmem>>, vector<16xf32>,
      %swap3A_118 = arith.constant 1 : i32
      %swap3A_119 = arith.index_cast %swap3A_118 : i32 to index
      %swap3A_120 = arith.constant 32 : index
      %swap3A_121 = tpu.vector_load %arg10[%swap3A_119, %swap3A_120] {strides = array<i32>} : memref<4x128xf32, #tpu.memory_space<vmem>>, vector<16xf32>,
      tpu.vector_store %arg10[%swap3A_119, %swap3A_120], %scan3A_108#2 {strides = array<i32>} : memref<4x128xf32, #tpu.memory_space<vmem>>, vector<16xf32>,
      %swap3A_122 = arith.constant 1 : i32
      %swap3A_123 = arith.index_cast %swap3A_122 : i32 to index
      %swap3A_124 = arith.constant 48 : index
      %swap3A_125 = tpu.vector_load %arg10[%swap3A_123, %swap3A_124] {strides = array<i32>} : memref<4x128xf32, #tpu.memory_space<vmem>>, vector<16xf32>,
      tpu.vector_store %arg10[%swap3A_123, %swap3A_124], %scan3A_108#3 {strides = array<i32>} : memref<4x128xf32, #tpu.memory_space<vmem>>, vector<16xf32>,
      %swap3A_126 = arith.constant 1 : i32
      %swap3A_127 = arith.index_cast %swap3A_126 : i32 to index
      %swap3A_128 = arith.constant 64 : index
      %swap3A_129 = tpu.vector_load %arg10[%swap3A_127, %swap3A_128] {strides = array<i32>} : memref<4x128xf32, #tpu.memory_space<vmem>>, vector<16xf32>,
      tpu.vector_store %arg10[%swap3A_127, %swap3A_128], %scan3A_108#4 {strides = array<i32>} : memref<4x128xf32, #tpu.memory_space<vmem>>, vector<16xf32>,
      %swap3A_130 = arith.constant 1 : i32
      %swap3A_131 = arith.index_cast %swap3A_130 : i32 to index
      %swap3A_132 = arith.constant 80 : index
      %swap3A_133 = tpu.vector_load %arg10[%swap3A_131, %swap3A_132] {strides = array<i32>} : memref<4x128xf32, #tpu.memory_space<vmem>>, vector<16xf32>,
      tpu.vector_store %arg10[%swap3A_131, %swap3A_132], %scan3A_108#5 {strides = array<i32>} : memref<4x128xf32, #tpu.memory_space<vmem>>, vector<16xf32>,
      %swap3A_134 = arith.constant 1 : i32
      %swap3A_135 = arith.index_cast %swap3A_134 : i32 to index
      %swap3A_136 = arith.constant 96 : index
      %swap3A_137 = tpu.vector_load %arg10[%swap3A_135, %swap3A_136] {strides = array<i32>} : memref<4x128xf32, #tpu.memory_space<vmem>>, vector<16xf32>,
      tpu.vector_store %arg10[%swap3A_135, %swap3A_136], %scan3A_108#6 {strides = array<i32>} : memref<4x128xf32, #tpu.memory_space<vmem>>, vector<16xf32>,
      %swap3A_138 = arith.constant 1 : i32
      %swap3A_139 = arith.index_cast %swap3A_138 : i32 to index
      %swap3A_140 = arith.constant 112 : index
      %swap3A_141 = tpu.vector_load %arg10[%swap3A_139, %swap3A_140] {strides = array<i32>} : memref<4x128xf32, #tpu.memory_space<vmem>>, vector<16xf32>,
      tpu.vector_store %arg10[%swap3A_139, %swap3A_140], %scan3A_108#7 {strides = array<i32>} : memref<4x128xf32, #tpu.memory_space<vmem>>, vector<16xf32>,
      %add3A_142 = arith.constant 2 : i32
      %add3A_143 = arith.addi %add3A_54, %add3A_142 : i32
      %lt3A = arith.constant 160 : i32
      %lt3A_144 = arith.cmpi slt, %add3A_143, %lt3A : i32
      %convert_element_type3A = arith.extui %lt3A_144 : i1 to i32
      %cond3A = arith.constant 0 : i32
      %cond3A_145 = arith.constant 0 : i32
      %cond3A_146 = arith.cmpi ne, %convert_element_type3A, %cond3A_145 : i32
      scf.if %cond3A_146 {
        %add3A_253 = arith.constant 2 : i32
        %add3A_254 = arith.addi %add3A_54, %add3A_253 : i32
        %dma_start3A_255 = arith.constant 0 : i32
        %dma_start3A_256 = arith.constant 0 : i32
        %dma_start3A_257 = tpu.memref_slice %arg9[%cond3A, %dma_start3A_255, %dma_start3A_256] : memref<2x64x128xf32, #tpu.memory_space<vmem>> -> memref<1x64x128xf32, #tpu.memory_space<vmem>>
        %dma_start3A_258 = tpu.memref_squeeze %dma_start3A_257 : memref<1x64x128xf32, #tpu.memory_space<vmem>> -> memref<64x128xf32, #tpu.memory_space<vmem>>
        %dma_start3A_259 = arith.constant 0 : i32
        %dma_start3A_260 = tpu.memref_slice %arg7[%add3A_254, %dma_start3A_259] : memref<160x64xi32, #tpu.memory_space<vmem>> -> memref<1x64xi32, #tpu.memory_space<vmem>>
        %dma_start3A_261 = tpu.memref_squeeze %dma_start3A_260 : memref<1x64xi32, #tpu.memory_space<vmem>> -> memref<64xi32, #tpu.memory_space<vmem>>
        %dma_start3A_262 = arith.constant 0 : i32
        %dma_start3A_263 = arith.constant 0 : i32
        %dma_start3A_264 = tpu.memref_slice %arg12[%dma_start3A_262, %dma_start3A_263] : memref<10240x128xf32, #tpu.memory_space<vmem_shared>> -> memref<10240x128xf32, #tpu.memory_space<vmem_shared>>
        tpu.enqueue_indirect_dma source(%dma_start3A_264 : memref<10240x128xf32, #tpu.memory_space<vmem_shared>>) target(%dma_start3A_258 : memref<64x128xf32, #tpu.memory_space<vmem>>) offsets(%dma_start3A_261 : memref<64xi32, #tpu.memory_space<vmem>>) semaphore(%arg13 : memref<!tpu.dma_semaphore, #tpu.memory_space<semaphore_mem>>)
      } else {
      }
      %mul3A_147 = arith.constant 2 : i32
      %mul3A_148 = arith.muli %mul3A_147, %scan3A_50 : i32
      %add3A_149 = arith.constant 1 : i32
      %add3A_150 = arith.addi %mul3A_148, %add3A_149 : i32
      %mul3A_151 = arith.constant 64 : i32
      %mul3A_152 = arith.muli %add3A_150, %mul3A_151 : i32
      %dma_wait3A_153 = arith.constant 1 : i32
      %dma_wait3A_154 = arith.constant 0 : i32
      %dma_wait3A_155 = arith.constant 0 : i32
      %dma_wait3A_156 = tpu.memref_slice %arg9[%dma_wait3A_153, %dma_wait3A_154, %dma_wait3A_155] : memref<2x64x128xf32, #tpu.memory_space<vmem>> -> memref<1x64x128xf32, #tpu.memory_space<vmem>>
      %dma_wait3A_157 = tpu.memref_squeeze %dma_wait3A_156 : memref<1x64x128xf32, #tpu.memory_space<vmem>> -> memref<64x128xf32, #tpu.memory_space<vmem>>
      %dma_wait3A_158 = arith.constant 0 : i32
      %dma_wait3A_159 = tpu.memref_slice %arg7[%add3A_150, %dma_wait3A_158] : memref<160x64xi32, #tpu.memory_space<vmem>> -> memref<1x64xi32, #tpu.memory_space<vmem>>
      %dma_wait3A_160 = tpu.memref_squeeze %dma_wait3A_159 : memref<1x64xi32, #tpu.memory_space<vmem>> -> memref<64xi32, #tpu.memory_space<vmem>>
      %dma_wait3A_161 = arith.constant 0 : i32
      %dma_wait3A_162 = arith.constant 0 : i32
      %dma_wait3A_163 = tpu.memref_slice %arg12[%dma_wait3A_161, %dma_wait3A_162] : memref<10240x128xf32, #tpu.memory_space<vmem_shared>> -> memref<10240x128xf32, #tpu.memory_space<vmem_shared>>
      tpu.wait_indirect_dma semaphore(%arg14 : memref<!tpu.dma_semaphore, #tpu.memory_space<semaphore_mem>>) src(%dma_wait3A_163 : memref<10240x128xf32, #tpu.memory_space<vmem_shared>>) dst(%dma_wait3A_157 : memref<64x128xf32, #tpu.memory_space<vmem>>)
      %scan3A_164 = arith.constant 0 : i32
      %scan3A_165 = arith.constant 8 : i32
      %scan3A_166 = arith.addi %scan3A_164, %scan3A_165 : i32
      %scan3A_167 = arith.constant 1 : i32
      %scan3A_168:8 = scf.for %scan3A_253 = %scan3A_164 to %scan3A_166 step %scan3A_167 iter_args(%scan3A_254 = %get3A_30, %scan3A_255 = %get3A_32, %scan3A_256 = %get3A_34, %scan3A_257 = %get3A_36, %scan3A_258 = %get3A_38, %scan3A_259 = %get3A_40, %scan3A_260 = %get3A_42, %scan3A_261 = %get3A_44) -> (vector<16xf32>, vector<16xf32>, vector<16xf32>, vector<16xf32>, vector<16xf32>, vector<16xf32>, vector<16xf32>, vector<16xf32>)  : i32 {
        %mul3A_262 = arith.constant 4 : i32
        %mul3A_263 = arith.muli %scan3A_253, %mul3A_262 : i32
        %add3A_264 = arith.constant 0 : i32
        %add3A_265 = arith.addi %mul3A_263, %add3A_264 : i32
        %add3A_266 = arith.constant 0 : i32
        %add3A_267 = arith.addi %mul3A_152, %add3A_266 : i32
        %add3A_268 = arith.addi %add3A_267, %add3A_265 : i32
        %broadcast_in_dim3A = vector.broadcast %add3A_268 : i32 to vector<16xi32>
        %gather3A = tpu.vector_load_idx %arg8[%broadcast_in_dim3A] : memref<10240xf32, #tpu.memory_space<vmem>>[vector<16xi32>], vector<16xf32>,
        %add3A_269 = arith.constant 0 : i32
        %add3A_270 = arith.addi %add3A_269, %add3A_265 : i32
        %get3A_271 = arith.constant 1 : i32
        %get3A_272 = arith.index_cast %get3A_271 : i32 to index
        %get3A_273 = arith.index_cast %add3A_270 : i32 to index
        %get3A_274 = arith.constant 0 : index
        %get3A_275 = tpu.vector_load %arg9[%get3A_272, %get3A_273, %get3A_274] {strides = array<i32>} : memref<2x64x128xf32, #tpu.memory_space<vmem>>, vector<16xf32>,
        %mul3A_276 = arith.mulf %gather3A, %get3A_275 : vector<16xf32>
        %add3A_277 = arith.addf %scan3A_254, %mul3A_276 : vector<16xf32>
        %add3A_278 = arith.constant 0 : i32
        %add3A_279 = arith.addi %add3A_278, %add3A_265 : i32
        %get3A_280 = arith.constant 1 : i32
        %get3A_281 = arith.index_cast %get3A_280 : i32 to index
        %get3A_282 = arith.index_cast %add3A_279 : i32 to index
        %get3A_283 = arith.constant 16 : index
        %get3A_284 = tpu.vector_load %arg9[%get3A_281, %get3A_282, %get3A_283] {strides = array<i32>} : memref<2x64x128xf32, #tpu.memory_space<vmem>>, vector<16xf32>,
        %mul3A_285 = arith.mulf %gather3A, %get3A_284 : vector<16xf32>
        %add3A_286 = arith.addf %scan3A_255, %mul3A_285 : vector<16xf32>
        %add3A_287 = arith.constant 0 : i32
        %add3A_288 = arith.addi %add3A_287, %add3A_265 : i32
        %get3A_289 = arith.constant 1 : i32
        %get3A_290 = arith.index_cast %get3A_289 : i32 to index
        %get3A_291 = arith.index_cast %add3A_288 : i32 to index
        %get3A_292 = arith.constant 32 : index
        %get3A_293 = tpu.vector_load %arg9[%get3A_290, %get3A_291, %get3A_292] {strides = array<i32>} : memref<2x64x128xf32, #tpu.memory_space<vmem>>, vector<16xf32>,
        %mul3A_294 = arith.mulf %gather3A, %get3A_293 : vector<16xf32>
        %add3A_295 = arith.addf %scan3A_256, %mul3A_294 : vector<16xf32>
        %add3A_296 = arith.constant 0 : i32
        %add3A_297 = arith.addi %add3A_296, %add3A_265 : i32
        %get3A_298 = arith.constant 1 : i32
        %get3A_299 = arith.index_cast %get3A_298 : i32 to index
        %get3A_300 = arith.index_cast %add3A_297 : i32 to index
        %get3A_301 = arith.constant 48 : index
        %get3A_302 = tpu.vector_load %arg9[%get3A_299, %get3A_300, %get3A_301] {strides = array<i32>} : memref<2x64x128xf32, #tpu.memory_space<vmem>>, vector<16xf32>,
        %mul3A_303 = arith.mulf %gather3A, %get3A_302 : vector<16xf32>
        %add3A_304 = arith.addf %scan3A_257, %mul3A_303 : vector<16xf32>
        %add3A_305 = arith.constant 0 : i32
        %add3A_306 = arith.addi %add3A_305, %add3A_265 : i32
        %get3A_307 = arith.constant 1 : i32
        %get3A_308 = arith.index_cast %get3A_307 : i32 to index
        %get3A_309 = arith.index_cast %add3A_306 : i32 to index
        %get3A_310 = arith.constant 64 : index
        %get3A_311 = tpu.vector_load %arg9[%get3A_308, %get3A_309, %get3A_310] {strides = array<i32>} : memref<2x64x128xf32, #tpu.memory_space<vmem>>, vector<16xf32>,
        %mul3A_312 = arith.mulf %gather3A, %get3A_311 : vector<16xf32>
        %add3A_313 = arith.addf %scan3A_258, %mul3A_312 : vector<16xf32>
        %add3A_314 = arith.constant 0 : i32
        %add3A_315 = arith.addi %add3A_314, %add3A_265 : i32
        %get3A_316 = arith.constant 1 : i32
        %get3A_317 = arith.index_cast %get3A_316 : i32 to index
        %get3A_318 = arith.index_cast %add3A_315 : i32 to index
        %get3A_319 = arith.constant 80 : index
        %get3A_320 = tpu.vector_load %arg9[%get3A_317, %get3A_318, %get3A_319] {strides = array<i32>} : memref<2x64x128xf32, #tpu.memory_space<vmem>>, vector<16xf32>,
        %mul3A_321 = arith.mulf %gather3A, %get3A_320 : vector<16xf32>
        %add3A_322 = arith.addf %scan3A_259, %mul3A_321 : vector<16xf32>
        %add3A_323 = arith.constant 0 : i32
        %add3A_324 = arith.addi %add3A_323, %add3A_265 : i32
        %get3A_325 = arith.constant 1 : i32
        %get3A_326 = arith.index_cast %get3A_325 : i32 to index
        %get3A_327 = arith.index_cast %add3A_324 : i32 to index
        %get3A_328 = arith.constant 96 : index
        %get3A_329 = tpu.vector_load %arg9[%get3A_326, %get3A_327, %get3A_328] {strides = array<i32>} : memref<2x64x128xf32, #tpu.memory_space<vmem>>, vector<16xf32>,
        %mul3A_330 = arith.mulf %gather3A, %get3A_329 : vector<16xf32>
        %add3A_331 = arith.addf %scan3A_260, %mul3A_330 : vector<16xf32>
        %add3A_332 = arith.constant 0 : i32
        %add3A_333 = arith.addi %add3A_332, %add3A_265 : i32
        %get3A_334 = arith.constant 1 : i32
        %get3A_335 = arith.index_cast %get3A_334 : i32 to index
        %get3A_336 = arith.index_cast %add3A_333 : i32 to index
        %get3A_337 = arith.constant 112 : index
        %get3A_338 = tpu.vector_load %arg9[%get3A_335, %get3A_336, %get3A_337] {strides = array<i32>} : memref<2x64x128xf32, #tpu.memory_space<vmem>>, vector<16xf32>,
        %mul3A_339 = arith.mulf %gather3A, %get3A_338 : vector<16xf32>
        %add3A_340 = arith.addf %scan3A_261, %mul3A_339 : vector<16xf32>
        %mul3A_341 = arith.constant 4 : i32
        %mul3A_342 = arith.muli %scan3A_253, %mul3A_341 : i32
        %add3A_343 = arith.constant 1 : i32
        %add3A_344 = arith.addi %mul3A_342, %add3A_343 : i32
        %add3A_345 = arith.constant 0 : i32
        %add3A_346 = arith.addi %mul3A_152, %add3A_345 : i32
        %add3A_347 = arith.addi %add3A_346, %add3A_344 : i32
        %broadcast_in_dim3A_348 = vector.broadcast %add3A_347 : i32 to vector<16xi32>
        %gather3A_349 = tpu.vector_load_idx %arg8[%broadcast_in_dim3A_348] : memref<10240xf32, #tpu.memory_space<vmem>>[vector<16xi32>], vector<16xf32>,
        %add3A_350 = arith.constant 0 : i32
        %add3A_351 = arith.addi %add3A_350, %add3A_344 : i32
        %get3A_352 = arith.constant 1 : i32
        %get3A_353 = arith.index_cast %get3A_352 : i32 to index
        %get3A_354 = arith.index_cast %add3A_351 : i32 to index
        %get3A_355 = arith.constant 0 : index
        %get3A_356 = tpu.vector_load %arg9[%get3A_353, %get3A_354, %get3A_355] {strides = array<i32>} : memref<2x64x128xf32, #tpu.memory_space<vmem>>, vector<16xf32>,
        %mul3A_357 = arith.mulf %gather3A_349, %get3A_356 : vector<16xf32>
        %add3A_358 = arith.addf %add3A_277, %mul3A_357 : vector<16xf32>
        %add3A_359 = arith.constant 0 : i32
        %add3A_360 = arith.addi %add3A_359, %add3A_344 : i32
        %get3A_361 = arith.constant 1 : i32
        %get3A_362 = arith.index_cast %get3A_361 : i32 to index
        %get3A_363 = arith.index_cast %add3A_360 : i32 to index
        %get3A_364 = arith.constant 16 : index
        %get3A_365 = tpu.vector_load %arg9[%get3A_362, %get3A_363, %get3A_364] {strides = array<i32>} : memref<2x64x128xf32, #tpu.memory_space<vmem>>, vector<16xf32>,
        %mul3A_366 = arith.mulf %gather3A_349, %get3A_365 : vector<16xf32>
        %add3A_367 = arith.addf %add3A_286, %mul3A_366 : vector<16xf32>
        %add3A_368 = arith.constant 0 : i32
        %add3A_369 = arith.addi %add3A_368, %add3A_344 : i32
        %get3A_370 = arith.constant 1 : i32
        %get3A_371 = arith.index_cast %get3A_370 : i32 to index
        %get3A_372 = arith.index_cast %add3A_369 : i32 to index
        %get3A_373 = arith.constant 32 : index
        %get3A_374 = tpu.vector_load %arg9[%get3A_371, %get3A_372, %get3A_373] {strides = array<i32>} : memref<2x64x128xf32, #tpu.memory_space<vmem>>, vector<16xf32>,
        %mul3A_375 = arith.mulf %gather3A_349, %get3A_374 : vector<16xf32>
        %add3A_376 = arith.addf %add3A_295, %mul3A_375 : vector<16xf32>
        %add3A_377 = arith.constant 0 : i32
        %add3A_378 = arith.addi %add3A_377, %add3A_344 : i32
        %get3A_379 = arith.constant 1 : i32
        %get3A_380 = arith.index_cast %get3A_379 : i32 to index
        %get3A_381 = arith.index_cast %add3A_378 : i32 to index
        %get3A_382 = arith.constant 48 : index
        %get3A_383 = tpu.vector_load %arg9[%get3A_380, %get3A_381, %get3A_382] {strides = array<i32>} : memref<2x64x128xf32, #tpu.memory_space<vmem>>, vector<16xf32>,
        %mul3A_384 = arith.mulf %gather3A_349, %get3A_383 : vector<16xf32>
        %add3A_385 = arith.addf %add3A_304, %mul3A_384 : vector<16xf32>
        %add3A_386 = arith.constant 0 : i32
        %add3A_387 = arith.addi %add3A_386, %add3A_344 : i32
        %get3A_388 = arith.constant 1 : i32
        %get3A_389 = arith.index_cast %get3A_388 : i32 to index
        %get3A_390 = arith.index_cast %add3A_387 : i32 to index
        %get3A_391 = arith.constant 64 : index
        %get3A_392 = tpu.vector_load %arg9[%get3A_389, %get3A_390, %get3A_391] {strides = array<i32>} : memref<2x64x128xf32, #tpu.memory_space<vmem>>, vector<16xf32>,
        %mul3A_393 = arith.mulf %gather3A_349, %get3A_392 : vector<16xf32>
        %add3A_394 = arith.addf %add3A_313, %mul3A_393 : vector<16xf32>
        %add3A_395 = arith.constant 0 : i32
        %add3A_396 = arith.addi %add3A_395, %add3A_344 : i32
        %get3A_397 = arith.constant 1 : i32
        %get3A_398 = arith.index_cast %get3A_397 : i32 to index
        %get3A_399 = arith.index_cast %add3A_396 : i32 to index
        %get3A_400 = arith.constant 80 : index
        %get3A_401 = tpu.vector_load %arg9[%get3A_398, %get3A_399, %get3A_400] {strides = array<i32>} : memref<2x64x128xf32, #tpu.memory_space<vmem>>, vector<16xf32>,
        %mul3A_402 = arith.mulf %gather3A_349, %get3A_401 : vector<16xf32>
        %add3A_403 = arith.addf %add3A_322, %mul3A_402 : vector<16xf32>
        %add3A_404 = arith.constant 0 : i32
        %add3A_405 = arith.addi %add3A_404, %add3A_344 : i32
        %get3A_406 = arith.constant 1 : i32
        %get3A_407 = arith.index_cast %get3A_406 : i32 to index
        %get3A_408 = arith.index_cast %add3A_405 : i32 to index
        %get3A_409 = arith.constant 96 : index
        %get3A_410 = tpu.vector_load %arg9[%get3A_407, %get3A_408, %get3A_409] {strides = array<i32>} : memref<2x64x128xf32, #tpu.memory_space<vmem>>, vector<16xf32>,
        %mul3A_411 = arith.mulf %gather3A_349, %get3A_410 : vector<16xf32>
        %add3A_412 = arith.addf %add3A_331, %mul3A_411 : vector<16xf32>
        %add3A_413 = arith.constant 0 : i32
        %add3A_414 = arith.addi %add3A_413, %add3A_344 : i32
        %get3A_415 = arith.constant 1 : i32
        %get3A_416 = arith.index_cast %get3A_415 : i32 to index
        %get3A_417 = arith.index_cast %add3A_414 : i32 to index
        %get3A_418 = arith.constant 112 : index
        %get3A_419 = tpu.vector_load %arg9[%get3A_416, %get3A_417, %get3A_418] {strides = array<i32>} : memref<2x64x128xf32, #tpu.memory_space<vmem>>, vector<16xf32>,
        %mul3A_420 = arith.mulf %gather3A_349, %get3A_419 : vector<16xf32>
        %add3A_421 = arith.addf %add3A_340, %mul3A_420 : vector<16xf32>
        %mul3A_422 = arith.constant 4 : i32
        %mul3A_423 = arith.muli %scan3A_253, %mul3A_422 : i32
        %add3A_424 = arith.constant 2 : i32
        %add3A_425 = arith.addi %mul3A_423, %add3A_424 : i32
        %add3A_426 = arith.constant 0 : i32
        %add3A_427 = arith.addi %mul3A_152, %add3A_426 : i32
        %add3A_428 = arith.addi %add3A_427, %add3A_425 : i32
        %broadcast_in_dim3A_429 = vector.broadcast %add3A_428 : i32 to vector<16xi32>
        %gather3A_430 = tpu.vector_load_idx %arg8[%broadcast_in_dim3A_429] : memref<10240xf32, #tpu.memory_space<vmem>>[vector<16xi32>], vector<16xf32>,
        %add3A_431 = arith.constant 0 : i32
        %add3A_432 = arith.addi %add3A_431, %add3A_425 : i32
        %get3A_433 = arith.constant 1 : i32
        %get3A_434 = arith.index_cast %get3A_433 : i32 to index
        %get3A_435 = arith.index_cast %add3A_432 : i32 to index
        %get3A_436 = arith.constant 0 : index
        %get3A_437 = tpu.vector_load %arg9[%get3A_434, %get3A_435, %get3A_436] {strides = array<i32>} : memref<2x64x128xf32, #tpu.memory_space<vmem>>, vector<16xf32>,
        %mul3A_438 = arith.mulf %gather3A_430, %get3A_437 : vector<16xf32>
        %add3A_439 = arith.addf %add3A_358, %mul3A_438 : vector<16xf32>
        %add3A_440 = arith.constant 0 : i32
        %add3A_441 = arith.addi %add3A_440, %add3A_425 : i32
        %get3A_442 = arith.constant 1 : i32
        %get3A_443 = arith.index_cast %get3A_442 : i32 to index
        %get3A_444 = arith.index_cast %add3A_441 : i32 to index
        %get3A_445 = arith.constant 16 : index
        %get3A_446 = tpu.vector_load %arg9[%get3A_443, %get3A_444, %get3A_445] {strides = array<i32>} : memref<2x64x128xf32, #tpu.memory_space<vmem>>, vector<16xf32>,
        %mul3A_447 = arith.mulf %gather3A_430, %get3A_446 : vector<16xf32>
        %add3A_448 = arith.addf %add3A_367, %mul3A_447 : vector<16xf32>
        %add3A_449 = arith.constant 0 : i32
        %add3A_450 = arith.addi %add3A_449, %add3A_425 : i32
        %get3A_451 = arith.constant 1 : i32
        %get3A_452 = arith.index_cast %get3A_451 : i32 to index
        %get3A_453 = arith.index_cast %add3A_450 : i32 to index
        %get3A_454 = arith.constant 32 : index
        %get3A_455 = tpu.vector_load %arg9[%get3A_452, %get3A_453, %get3A_454] {strides = array<i32>} : memref<2x64x128xf32, #tpu.memory_space<vmem>>, vector<16xf32>,
        %mul3A_456 = arith.mulf %gather3A_430, %get3A_455 : vector<16xf32>
        %add3A_457 = arith.addf %add3A_376, %mul3A_456 : vector<16xf32>
        %add3A_458 = arith.constant 0 : i32
        %add3A_459 = arith.addi %add3A_458, %add3A_425 : i32
        %get3A_460 = arith.constant 1 : i32
        %get3A_461 = arith.index_cast %get3A_460 : i32 to index
        %get3A_462 = arith.index_cast %add3A_459 : i32 to index
        %get3A_463 = arith.constant 48 : index
        %get3A_464 = tpu.vector_load %arg9[%get3A_461, %get3A_462, %get3A_463] {strides = array<i32>} : memref<2x64x128xf32, #tpu.memory_space<vmem>>, vector<16xf32>,
        %mul3A_465 = arith.mulf %gather3A_430, %get3A_464 : vector<16xf32>
        %add3A_466 = arith.addf %add3A_385, %mul3A_465 : vector<16xf32>
        %add3A_467 = arith.constant 0 : i32
        %add3A_468 = arith.addi %add3A_467, %add3A_425 : i32
        %get3A_469 = arith.constant 1 : i32
        %get3A_470 = arith.index_cast %get3A_469 : i32 to index
        %get3A_471 = arith.index_cast %add3A_468 : i32 to index
        %get3A_472 = arith.constant 64 : index
        %get3A_473 = tpu.vector_load %arg9[%get3A_470, %get3A_471, %get3A_472] {strides = array<i32>} : memref<2x64x128xf32, #tpu.memory_space<vmem>>, vector<16xf32>,
        %mul3A_474 = arith.mulf %gather3A_430, %get3A_473 : vector<16xf32>
        %add3A_475 = arith.addf %add3A_394, %mul3A_474 : vector<16xf32>
        %add3A_476 = arith.constant 0 : i32
        %add3A_477 = arith.addi %add3A_476, %add3A_425 : i32
        %get3A_478 = arith.constant 1 : i32
        %get3A_479 = arith.index_cast %get3A_478 : i32 to index
        %get3A_480 = arith.index_cast %add3A_477 : i32 to index
        %get3A_481 = arith.constant 80 : index
        %get3A_482 = tpu.vector_load %arg9[%get3A_479, %get3A_480, %get3A_481] {strides = array<i32>} : memref<2x64x128xf32, #tpu.memory_space<vmem>>, vector<16xf32>,
        %mul3A_483 = arith.mulf %gather3A_430, %get3A_482 : vector<16xf32>
        %add3A_484 = arith.addf %add3A_403, %mul3A_483 : vector<16xf32>
        %add3A_485 = arith.constant 0 : i32
        %add3A_486 = arith.addi %add3A_485, %add3A_425 : i32
        %get3A_487 = arith.constant 1 : i32
        %get3A_488 = arith.index_cast %get3A_487 : i32 to index
        %get3A_489 = arith.index_cast %add3A_486 : i32 to index
        %get3A_490 = arith.constant 96 : index
        %get3A_491 = tpu.vector_load %arg9[%get3A_488, %get3A_489, %get3A_490] {strides = array<i32>} : memref<2x64x128xf32, #tpu.memory_space<vmem>>, vector<16xf32>,
        %mul3A_492 = arith.mulf %gather3A_430, %get3A_491 : vector<16xf32>
        %add3A_493 = arith.addf %add3A_412, %mul3A_492 : vector<16xf32>
        %add3A_494 = arith.constant 0 : i32
        %add3A_495 = arith.addi %add3A_494, %add3A_425 : i32
        %get3A_496 = arith.constant 1 : i32
        %get3A_497 = arith.index_cast %get3A_496 : i32 to index
        %get3A_498 = arith.index_cast %add3A_495 : i32 to index
        %get3A_499 = arith.constant 112 : index
        %get3A_500 = tpu.vector_load %arg9[%get3A_497, %get3A_498, %get3A_499] {strides = array<i32>} : memref<2x64x128xf32, #tpu.memory_space<vmem>>, vector<16xf32>,
        %mul3A_501 = arith.mulf %gather3A_430, %get3A_500 : vector<16xf32>
        %add3A_502 = arith.addf %add3A_421, %mul3A_501 : vector<16xf32>
        %mul3A_503 = arith.constant 4 : i32
        %mul3A_504 = arith.muli %scan3A_253, %mul3A_503 : i32
        %add3A_505 = arith.constant 3 : i32
        %add3A_506 = arith.addi %mul3A_504, %add3A_505 : i32
        %add3A_507 = arith.constant 0 : i32
        %add3A_508 = arith.addi %mul3A_152, %add3A_507 : i32
        %add3A_509 = arith.addi %add3A_508, %add3A_506 : i32
        %broadcast_in_dim3A_510 = vector.broadcast %add3A_509 : i32 to vector<16xi32>
        %gather3A_511 = tpu.vector_load_idx %arg8[%broadcast_in_dim3A_510] : memref<10240xf32, #tpu.memory_space<vmem>>[vector<16xi32>], vector<16xf32>,
        %add3A_512 = arith.constant 0 : i32
        %add3A_513 = arith.addi %add3A_512, %add3A_506 : i32
        %get3A_514 = arith.constant 1 : i32
        %get3A_515 = arith.index_cast %get3A_514 : i32 to index
        %get3A_516 = arith.index_cast %add3A_513 : i32 to index
        %get3A_517 = arith.constant 0 : index
        %get3A_518 = tpu.vector_load %arg9[%get3A_515, %get3A_516, %get3A_517] {strides = array<i32>} : memref<2x64x128xf32, #tpu.memory_space<vmem>>, vector<16xf32>,
        %mul3A_519 = arith.mulf %gather3A_511, %get3A_518 : vector<16xf32>
        %add3A_520 = arith.addf %add3A_439, %mul3A_519 : vector<16xf32>
        %add3A_521 = arith.constant 0 : i32
        %add3A_522 = arith.addi %add3A_521, %add3A_506 : i32
        %get3A_523 = arith.constant 1 : i32
        %get3A_524 = arith.index_cast %get3A_523 : i32 to index
        %get3A_525 = arith.index_cast %add3A_522 : i32 to index
        %get3A_526 = arith.constant 16 : index
        %get3A_527 = tpu.vector_load %arg9[%get3A_524, %get3A_525, %get3A_526] {strides = array<i32>} : memref<2x64x128xf32, #tpu.memory_space<vmem>>, vector<16xf32>,
        %mul3A_528 = arith.mulf %gather3A_511, %get3A_527 : vector<16xf32>
        %add3A_529 = arith.addf %add3A_448, %mul3A_528 : vector<16xf32>
        %add3A_530 = arith.constant 0 : i32
        %add3A_531 = arith.addi %add3A_530, %add3A_506 : i32
        %get3A_532 = arith.constant 1 : i32
        %get3A_533 = arith.index_cast %get3A_532 : i32 to index
        %get3A_534 = arith.index_cast %add3A_531 : i32 to index
        %get3A_535 = arith.constant 32 : index
        %get3A_536 = tpu.vector_load %arg9[%get3A_533, %get3A_534, %get3A_535] {strides = array<i32>} : memref<2x64x128xf32, #tpu.memory_space<vmem>>, vector<16xf32>,
        %mul3A_537 = arith.mulf %gather3A_511, %get3A_536 : vector<16xf32>
        %add3A_538 = arith.addf %add3A_457, %mul3A_537 : vector<16xf32>
        %add3A_539 = arith.constant 0 : i32
        %add3A_540 = arith.addi %add3A_539, %add3A_506 : i32
        %get3A_541 = arith.constant 1 : i32
        %get3A_542 = arith.index_cast %get3A_541 : i32 to index
        %get3A_543 = arith.index_cast %add3A_540 : i32 to index
        %get3A_544 = arith.constant 48 : index
        %get3A_545 = tpu.vector_load %arg9[%get3A_542, %get3A_543, %get3A_544] {strides = array<i32>} : memref<2x64x128xf32, #tpu.memory_space<vmem>>, vector<16xf32>,
        %mul3A_546 = arith.mulf %gather3A_511, %get3A_545 : vector<16xf32>
        %add3A_547 = arith.addf %add3A_466, %mul3A_546 : vector<16xf32>
        %add3A_548 = arith.constant 0 : i32
        %add3A_549 = arith.addi %add3A_548, %add3A_506 : i32
        %get3A_550 = arith.constant 1 : i32
        %get3A_551 = arith.index_cast %get3A_550 : i32 to index
        %get3A_552 = arith.index_cast %add3A_549 : i32 to index
        %get3A_553 = arith.constant 64 : index
        %get3A_554 = tpu.vector_load %arg9[%get3A_551, %get3A_552, %get3A_553] {strides = array<i32>} : memref<2x64x128xf32, #tpu.memory_space<vmem>>, vector<16xf32>,
        %mul3A_555 = arith.mulf %gather3A_511, %get3A_554 : vector<16xf32>
        %add3A_556 = arith.addf %add3A_475, %mul3A_555 : vector<16xf32>
        %add3A_557 = arith.constant 0 : i32
        %add3A_558 = arith.addi %add3A_557, %add3A_506 : i32
        %get3A_559 = arith.constant 1 : i32
        %get3A_560 = arith.index_cast %get3A_559 : i32 to index
        %get3A_561 = arith.index_cast %add3A_558 : i32 to index
        %get3A_562 = arith.constant 80 : index
        %get3A_563 = tpu.vector_load %arg9[%get3A_560, %get3A_561, %get3A_562] {strides = array<i32>} : memref<2x64x128xf32, #tpu.memory_space<vmem>>, vector<16xf32>,
        %mul3A_564 = arith.mulf %gather3A_511, %get3A_563 : vector<16xf32>
        %add3A_565 = arith.addf %add3A_484, %mul3A_564 : vector<16xf32>
        %add3A_566 = arith.constant 0 : i32
        %add3A_567 = arith.addi %add3A_566, %add3A_506 : i32
        %get3A_568 = arith.constant 1 : i32
        %get3A_569 = arith.index_cast %get3A_568 : i32 to index
        %get3A_570 = arith.index_cast %add3A_567 : i32 to index
        %get3A_571 = arith.constant 96 : index
        %get3A_572 = tpu.vector_load %arg9[%get3A_569, %get3A_570, %get3A_571] {strides = array<i32>} : memref<2x64x128xf32, #tpu.memory_space<vmem>>, vector<16xf32>,
        %mul3A_573 = arith.mulf %gather3A_511, %get3A_572 : vector<16xf32>
        %add3A_574 = arith.addf %add3A_493, %mul3A_573 : vector<16xf32>
        %add3A_575 = arith.constant 0 : i32
        %add3A_576 = arith.addi %add3A_575, %add3A_506 : i32
        %get3A_577 = arith.constant 1 : i32
        %get3A_578 = arith.index_cast %get3A_577 : i32 to index
        %get3A_579 = arith.index_cast %add3A_576 : i32 to index
        %get3A_580 = arith.constant 112 : index
        %get3A_581 = tpu.vector_load %arg9[%get3A_578, %get3A_579, %get3A_580] {strides = array<i32>} : memref<2x64x128xf32, #tpu.memory_space<vmem>>, vector<16xf32>,
        %mul3A_582 = arith.mulf %gather3A_511, %get3A_581 : vector<16xf32>
        %add3A_583 = arith.addf %add3A_502, %mul3A_582 : vector<16xf32>
        scf.yield %add3A_520, %add3A_529, %add3A_538, %add3A_547, %add3A_556, %add3A_565, %add3A_574, %add3A_583 : vector<16xf32>, vector<16xf32>, vector<16xf32>, vector<16xf32>, vector<16xf32>, vector<16xf32>, vector<16xf32>, vector<16xf32>
      }
      %scan3A_169 = arith.constant 8 : i32
      %swap3A_170 = arith.constant 2 : i32
      %swap3A_171 = arith.index_cast %swap3A_170 : i32 to index
      %swap3A_172 = arith.constant 0 : index
      %swap3A_173 = tpu.vector_load %arg10[%swap3A_171, %swap3A_172] {strides = array<i32>} : memref<4x128xf32, #tpu.memory_space<vmem>>, vector<16xf32>,
      tpu.vector_store %arg10[%swap3A_171, %swap3A_172], %scan3A_168#0 {strides = array<i32>} : memref<4x128xf32, #tpu.memory_space<vmem>>, vector<16xf32>,
      %swap3A_174 = arith.constant 2 : i32
      %swap3A_175 = arith.index_cast %swap3A_174 : i32 to index
      %swap3A_176 = arith.constant 16 : index
      %swap3A_177 = tpu.vector_load %arg10[%swap3A_175, %swap3A_176] {strides = array<i32>} : memref<4x128xf32, #tpu.memory_space<vmem>>, vector<16xf32>,
      tpu.vector_store %arg10[%swap3A_175, %swap3A_176], %scan3A_168#1 {strides = array<i32>} : memref<4x128xf32, #tpu.memory_space<vmem>>, vector<16xf32>,
      %swap3A_178 = arith.constant 2 : i32
      %swap3A_179 = arith.index_cast %swap3A_178 : i32 to index
      %swap3A_180 = arith.constant 32 : index
      %swap3A_181 = tpu.vector_load %arg10[%swap3A_179, %swap3A_180] {strides = array<i32>} : memref<4x128xf32, #tpu.memory_space<vmem>>, vector<16xf32>,
      tpu.vector_store %arg10[%swap3A_179, %swap3A_180], %scan3A_168#2 {strides = array<i32>} : memref<4x128xf32, #tpu.memory_space<vmem>>, vector<16xf32>,
      %swap3A_182 = arith.constant 2 : i32
      %swap3A_183 = arith.index_cast %swap3A_182 : i32 to index
      %swap3A_184 = arith.constant 48 : index
      %swap3A_185 = tpu.vector_load %arg10[%swap3A_183, %swap3A_184] {strides = array<i32>} : memref<4x128xf32, #tpu.memory_space<vmem>>, vector<16xf32>,
      tpu.vector_store %arg10[%swap3A_183, %swap3A_184], %scan3A_168#3 {strides = array<i32>} : memref<4x128xf32, #tpu.memory_space<vmem>>, vector<16xf32>,
      %swap3A_186 = arith.constant 2 : i32
      %swap3A_187 = arith.index_cast %swap3A_186 : i32 to index
      %swap3A_188 = arith.constant 64 : index
      %swap3A_189 = tpu.vector_load %arg10[%swap3A_187, %swap3A_188] {strides = array<i32>} : memref<4x128xf32, #tpu.memory_space<vmem>>, vector<16xf32>,
      tpu.vector_store %arg10[%swap3A_187, %swap3A_188], %scan3A_168#4 {strides = array<i32>} : memref<4x128xf32, #tpu.memory_space<vmem>>, vector<16xf32>,
      %swap3A_190 = arith.constant 2 : i32
      %swap3A_191 = arith.index_cast %swap3A_190 : i32 to index
      %swap3A_192 = arith.constant 80 : index
      %swap3A_193 = tpu.vector_load %arg10[%swap3A_191, %swap3A_192] {strides = array<i32>} : memref<4x128xf32, #tpu.memory_space<vmem>>, vector<16xf32>,
      tpu.vector_store %arg10[%swap3A_191, %swap3A_192], %scan3A_168#5 {strides = array<i32>} : memref<4x128xf32, #tpu.memory_space<vmem>>, vector<16xf32>,
      %swap3A_194 = arith.constant 2 : i32
      %swap3A_195 = arith.index_cast %swap3A_194 : i32 to index
      %swap3A_196 = arith.constant 96 : index
      %swap3A_197 = tpu.vector_load %arg10[%swap3A_195, %swap3A_196] {strides = array<i32>} : memref<4x128xf32, #tpu.memory_space<vmem>>, vector<16xf32>,
      tpu.vector_store %arg10[%swap3A_195, %swap3A_196], %scan3A_168#6 {strides = array<i32>} : memref<4x128xf32, #tpu.memory_space<vmem>>, vector<16xf32>,
      %swap3A_198 = arith.constant 2 : i32
      %swap3A_199 = arith.index_cast %swap3A_198 : i32 to index
      %swap3A_200 = arith.constant 112 : index
      %swap3A_201 = tpu.vector_load %arg10[%swap3A_199, %swap3A_200] {strides = array<i32>} : memref<4x128xf32, #tpu.memory_space<vmem>>, vector<16xf32>,
      tpu.vector_store %arg10[%swap3A_199, %swap3A_200], %scan3A_168#7 {strides = array<i32>} : memref<4x128xf32, #tpu.memory_space<vmem>>, vector<16xf32>,
      %scan3A_202 = arith.constant 0 : i32
      %scan3A_203 = arith.constant 8 : i32
      %scan3A_204 = arith.addi %scan3A_202, %scan3A_203 : i32
      %scan3A_205 = arith.constant 1 : i32
      %scan3A_206:8 = scf.for %scan3A_253 = %scan3A_202 to %scan3A_204 step %scan3A_205 iter_args(%scan3A_254 = %get3A_30, %scan3A_255 = %get3A_32, %scan3A_256 = %get3A_34, %scan3A_257 = %get3A_36, %scan3A_258 = %get3A_38, %scan3A_259 = %get3A_40, %scan3A_260 = %get3A_42, %scan3A_261 = %get3A_44) -> (vector<16xf32>, vector<16xf32>, vector<16xf32>, vector<16xf32>, vector<16xf32>, vector<16xf32>, vector<16xf32>, vector<16xf32>)  : i32 {
        %mul3A_262 = arith.constant 4 : i32
        %mul3A_263 = arith.muli %scan3A_253, %mul3A_262 : i32
        %add3A_264 = arith.constant 0 : i32
        %add3A_265 = arith.addi %mul3A_263, %add3A_264 : i32
        %add3A_266 = arith.constant 32 : i32
        %add3A_267 = arith.addi %mul3A_152, %add3A_266 : i32
        %add3A_268 = arith.addi %add3A_267, %add3A_265 : i32
        %broadcast_in_dim3A = vector.broadcast %add3A_268 : i32 to vector<16xi32>
        %gather3A = tpu.vector_load_idx %arg8[%broadcast_in_dim3A] : memref<10240xf32, #tpu.memory_space<vmem>>[vector<16xi32>], vector<16xf32>,
        %add3A_269 = arith.constant 32 : i32
        %add3A_270 = arith.addi %add3A_269, %add3A_265 : i32
        %get3A_271 = arith.constant 1 : i32
        %get3A_272 = arith.index_cast %get3A_271 : i32 to index
        %get3A_273 = arith.index_cast %add3A_270 : i32 to index
        %get3A_274 = arith.constant 0 : index
        %get3A_275 = tpu.vector_load %arg9[%get3A_272, %get3A_273, %get3A_274] {strides = array<i32>} : memref<2x64x128xf32, #tpu.memory_space<vmem>>, vector<16xf32>,
        %mul3A_276 = arith.mulf %gather3A, %get3A_275 : vector<16xf32>
        %add3A_277 = arith.addf %scan3A_254, %mul3A_276 : vector<16xf32>
        %add3A_278 = arith.constant 32 : i32
        %add3A_279 = arith.addi %add3A_278, %add3A_265 : i32
        %get3A_280 = arith.constant 1 : i32
        %get3A_281 = arith.index_cast %get3A_280 : i32 to index
        %get3A_282 = arith.index_cast %add3A_279 : i32 to index
        %get3A_283 = arith.constant 16 : index
        %get3A_284 = tpu.vector_load %arg9[%get3A_281, %get3A_282, %get3A_283] {strides = array<i32>} : memref<2x64x128xf32, #tpu.memory_space<vmem>>, vector<16xf32>,
        %mul3A_285 = arith.mulf %gather3A, %get3A_284 : vector<16xf32>
        %add3A_286 = arith.addf %scan3A_255, %mul3A_285 : vector<16xf32>
        %add3A_287 = arith.constant 32 : i32
        %add3A_288 = arith.addi %add3A_287, %add3A_265 : i32
        %get3A_289 = arith.constant 1 : i32
        %get3A_290 = arith.index_cast %get3A_289 : i32 to index
        %get3A_291 = arith.index_cast %add3A_288 : i32 to index
        %get3A_292 = arith.constant 32 : index
        %get3A_293 = tpu.vector_load %arg9[%get3A_290, %get3A_291, %get3A_292] {strides = array<i32>} : memref<2x64x128xf32, #tpu.memory_space<vmem>>, vector<16xf32>,
        %mul3A_294 = arith.mulf %gather3A, %get3A_293 : vector<16xf32>
        %add3A_295 = arith.addf %scan3A_256, %mul3A_294 : vector<16xf32>
        %add3A_296 = arith.constant 32 : i32
        %add3A_297 = arith.addi %add3A_296, %add3A_265 : i32
        %get3A_298 = arith.constant 1 : i32
        %get3A_299 = arith.index_cast %get3A_298 : i32 to index
        %get3A_300 = arith.index_cast %add3A_297 : i32 to index
        %get3A_301 = arith.constant 48 : index
        %get3A_302 = tpu.vector_load %arg9[%get3A_299, %get3A_300, %get3A_301] {strides = array<i32>} : memref<2x64x128xf32, #tpu.memory_space<vmem>>, vector<16xf32>,
        %mul3A_303 = arith.mulf %gather3A, %get3A_302 : vector<16xf32>
        %add3A_304 = arith.addf %scan3A_257, %mul3A_303 : vector<16xf32>
        %add3A_305 = arith.constant 32 : i32
        %add3A_306 = arith.addi %add3A_305, %add3A_265 : i32
        %get3A_307 = arith.constant 1 : i32
        %get3A_308 = arith.index_cast %get3A_307 : i32 to index
        %get3A_309 = arith.index_cast %add3A_306 : i32 to index
        %get3A_310 = arith.constant 64 : index
        %get3A_311 = tpu.vector_load %arg9[%get3A_308, %get3A_309, %get3A_310] {strides = array<i32>} : memref<2x64x128xf32, #tpu.memory_space<vmem>>, vector<16xf32>,
        %mul3A_312 = arith.mulf %gather3A, %get3A_311 : vector<16xf32>
        %add3A_313 = arith.addf %scan3A_258, %mul3A_312 : vector<16xf32>
        %add3A_314 = arith.constant 32 : i32
        %add3A_315 = arith.addi %add3A_314, %add3A_265 : i32
        %get3A_316 = arith.constant 1 : i32
        %get3A_317 = arith.index_cast %get3A_316 : i32 to index
        %get3A_318 = arith.index_cast %add3A_315 : i32 to index
        %get3A_319 = arith.constant 80 : index
        %get3A_320 = tpu.vector_load %arg9[%get3A_317, %get3A_318, %get3A_319] {strides = array<i32>} : memref<2x64x128xf32, #tpu.memory_space<vmem>>, vector<16xf32>,
        %mul3A_321 = arith.mulf %gather3A, %get3A_320 : vector<16xf32>
        %add3A_322 = arith.addf %scan3A_259, %mul3A_321 : vector<16xf32>
        %add3A_323 = arith.constant 32 : i32
        %add3A_324 = arith.addi %add3A_323, %add3A_265 : i32
        %get3A_325 = arith.constant 1 : i32
        %get3A_326 = arith.index_cast %get3A_325 : i32 to index
        %get3A_327 = arith.index_cast %add3A_324 : i32 to index
        %get3A_328 = arith.constant 96 : index
        %get3A_329 = tpu.vector_load %arg9[%get3A_326, %get3A_327, %get3A_328] {strides = array<i32>} : memref<2x64x128xf32, #tpu.memory_space<vmem>>, vector<16xf32>,
        %mul3A_330 = arith.mulf %gather3A, %get3A_329 : vector<16xf32>
        %add3A_331 = arith.addf %scan3A_260, %mul3A_330 : vector<16xf32>
        %add3A_332 = arith.constant 32 : i32
        %add3A_333 = arith.addi %add3A_332, %add3A_265 : i32
        %get3A_334 = arith.constant 1 : i32
        %get3A_335 = arith.index_cast %get3A_334 : i32 to index
        %get3A_336 = arith.index_cast %add3A_333 : i32 to index
        %get3A_337 = arith.constant 112 : index
        %get3A_338 = tpu.vector_load %arg9[%get3A_335, %get3A_336, %get3A_337] {strides = array<i32>} : memref<2x64x128xf32, #tpu.memory_space<vmem>>, vector<16xf32>,
        %mul3A_339 = arith.mulf %gather3A, %get3A_338 : vector<16xf32>
        %add3A_340 = arith.addf %scan3A_261, %mul3A_339 : vector<16xf32>
        %mul3A_341 = arith.constant 4 : i32
        %mul3A_342 = arith.muli %scan3A_253, %mul3A_341 : i32
        %add3A_343 = arith.constant 1 : i32
        %add3A_344 = arith.addi %mul3A_342, %add3A_343 : i32
        %add3A_345 = arith.constant 32 : i32
        %add3A_346 = arith.addi %mul3A_152, %add3A_345 : i32
        %add3A_347 = arith.addi %add3A_346, %add3A_344 : i32
        %broadcast_in_dim3A_348 = vector.broadcast %add3A_347 : i32 to vector<16xi32>
        %gather3A_349 = tpu.vector_load_idx %arg8[%broadcast_in_dim3A_348] : memref<10240xf32, #tpu.memory_space<vmem>>[vector<16xi32>], vector<16xf32>,
        %add3A_350 = arith.constant 32 : i32
        %add3A_351 = arith.addi %add3A_350, %add3A_344 : i32
        %get3A_352 = arith.constant 1 : i32
        %get3A_353 = arith.index_cast %get3A_352 : i32 to index
        %get3A_354 = arith.index_cast %add3A_351 : i32 to index
        %get3A_355 = arith.constant 0 : index
        %get3A_356 = tpu.vector_load %arg9[%get3A_353, %get3A_354, %get3A_355] {strides = array<i32>} : memref<2x64x128xf32, #tpu.memory_space<vmem>>, vector<16xf32>,
        %mul3A_357 = arith.mulf %gather3A_349, %get3A_356 : vector<16xf32>
        %add3A_358 = arith.addf %add3A_277, %mul3A_357 : vector<16xf32>
        %add3A_359 = arith.constant 32 : i32
        %add3A_360 = arith.addi %add3A_359, %add3A_344 : i32
        %get3A_361 = arith.constant 1 : i32
        %get3A_362 = arith.index_cast %get3A_361 : i32 to index
        %get3A_363 = arith.index_cast %add3A_360 : i32 to index
        %get3A_364 = arith.constant 16 : index
        %get3A_365 = tpu.vector_load %arg9[%get3A_362, %get3A_363, %get3A_364] {strides = array<i32>} : memref<2x64x128xf32, #tpu.memory_space<vmem>>, vector<16xf32>,
        %mul3A_366 = arith.mulf %gather3A_349, %get3A_365 : vector<16xf32>
        %add3A_367 = arith.addf %add3A_286, %mul3A_366 : vector<16xf32>
        %add3A_368 = arith.constant 32 : i32
        %add3A_369 = arith.addi %add3A_368, %add3A_344 : i32
        %get3A_370 = arith.constant 1 : i32
        %get3A_371 = arith.index_cast %get3A_370 : i32 to index
        %get3A_372 = arith.index_cast %add3A_369 : i32 to index
        %get3A_373 = arith.constant 32 : index
        %get3A_374 = tpu.vector_load %arg9[%get3A_371, %get3A_372, %get3A_373] {strides = array<i32>} : memref<2x64x128xf32, #tpu.memory_space<vmem>>, vector<16xf32>,
        %mul3A_375 = arith.mulf %gather3A_349, %get3A_374 : vector<16xf32>
        %add3A_376 = arith.addf %add3A_295, %mul3A_375 : vector<16xf32>
        %add3A_377 = arith.constant 32 : i32
        %add3A_378 = arith.addi %add3A_377, %add3A_344 : i32
        %get3A_379 = arith.constant 1 : i32
        %get3A_380 = arith.index_cast %get3A_379 : i32 to index
        %get3A_381 = arith.index_cast %add3A_378 : i32 to index
        %get3A_382 = arith.constant 48 : index
        %get3A_383 = tpu.vector_load %arg9[%get3A_380, %get3A_381, %get3A_382] {strides = array<i32>} : memref<2x64x128xf32, #tpu.memory_space<vmem>>, vector<16xf32>,
        %mul3A_384 = arith.mulf %gather3A_349, %get3A_383 : vector<16xf32>
        %add3A_385 = arith.addf %add3A_304, %mul3A_384 : vector<16xf32>
        %add3A_386 = arith.constant 32 : i32
        %add3A_387 = arith.addi %add3A_386, %add3A_344 : i32
        %get3A_388 = arith.constant 1 : i32
        %get3A_389 = arith.index_cast %get3A_388 : i32 to index
        %get3A_390 = arith.index_cast %add3A_387 : i32 to index
        %get3A_391 = arith.constant 64 : index
        %get3A_392 = tpu.vector_load %arg9[%get3A_389, %get3A_390, %get3A_391] {strides = array<i32>} : memref<2x64x128xf32, #tpu.memory_space<vmem>>, vector<16xf32>,
        %mul3A_393 = arith.mulf %gather3A_349, %get3A_392 : vector<16xf32>
        %add3A_394 = arith.addf %add3A_313, %mul3A_393 : vector<16xf32>
        %add3A_395 = arith.constant 32 : i32
        %add3A_396 = arith.addi %add3A_395, %add3A_344 : i32
        %get3A_397 = arith.constant 1 : i32
        %get3A_398 = arith.index_cast %get3A_397 : i32 to index
        %get3A_399 = arith.index_cast %add3A_396 : i32 to index
        %get3A_400 = arith.constant 80 : index
        %get3A_401 = tpu.vector_load %arg9[%get3A_398, %get3A_399, %get3A_400] {strides = array<i32>} : memref<2x64x128xf32, #tpu.memory_space<vmem>>, vector<16xf32>,
        %mul3A_402 = arith.mulf %gather3A_349, %get3A_401 : vector<16xf32>
        %add3A_403 = arith.addf %add3A_322, %mul3A_402 : vector<16xf32>
        %add3A_404 = arith.constant 32 : i32
        %add3A_405 = arith.addi %add3A_404, %add3A_344 : i32
        %get3A_406 = arith.constant 1 : i32
        %get3A_407 = arith.index_cast %get3A_406 : i32 to index
        %get3A_408 = arith.index_cast %add3A_405 : i32 to index
        %get3A_409 = arith.constant 96 : index
        %get3A_410 = tpu.vector_load %arg9[%get3A_407, %get3A_408, %get3A_409] {strides = array<i32>} : memref<2x64x128xf32, #tpu.memory_space<vmem>>, vector<16xf32>,
        %mul3A_411 = arith.mulf %gather3A_349, %get3A_410 : vector<16xf32>
        %add3A_412 = arith.addf %add3A_331, %mul3A_411 : vector<16xf32>
        %add3A_413 = arith.constant 32 : i32
        %add3A_414 = arith.addi %add3A_413, %add3A_344 : i32
        %get3A_415 = arith.constant 1 : i32
        %get3A_416 = arith.index_cast %get3A_415 : i32 to index
        %get3A_417 = arith.index_cast %add3A_414 : i32 to index
        %get3A_418 = arith.constant 112 : index
        %get3A_419 = tpu.vector_load %arg9[%get3A_416, %get3A_417, %get3A_418] {strides = array<i32>} : memref<2x64x128xf32, #tpu.memory_space<vmem>>, vector<16xf32>,
        %mul3A_420 = arith.mulf %gather3A_349, %get3A_419 : vector<16xf32>
        %add3A_421 = arith.addf %add3A_340, %mul3A_420 : vector<16xf32>
        %mul3A_422 = arith.constant 4 : i32
        %mul3A_423 = arith.muli %scan3A_253, %mul3A_422 : i32
        %add3A_424 = arith.constant 2 : i32
        %add3A_425 = arith.addi %mul3A_423, %add3A_424 : i32
        %add3A_426 = arith.constant 32 : i32
        %add3A_427 = arith.addi %mul3A_152, %add3A_426 : i32
        %add3A_428 = arith.addi %add3A_427, %add3A_425 : i32
        %broadcast_in_dim3A_429 = vector.broadcast %add3A_428 : i32 to vector<16xi32>
        %gather3A_430 = tpu.vector_load_idx %arg8[%broadcast_in_dim3A_429] : memref<10240xf32, #tpu.memory_space<vmem>>[vector<16xi32>], vector<16xf32>,
        %add3A_431 = arith.constant 32 : i32
        %add3A_432 = arith.addi %add3A_431, %add3A_425 : i32
        %get3A_433 = arith.constant 1 : i32
        %get3A_434 = arith.index_cast %get3A_433 : i32 to index
        %get3A_435 = arith.index_cast %add3A_432 : i32 to index
        %get3A_436 = arith.constant 0 : index
        %get3A_437 = tpu.vector_load %arg9[%get3A_434, %get3A_435, %get3A_436] {strides = array<i32>} : memref<2x64x128xf32, #tpu.memory_space<vmem>>, vector<16xf32>,
        %mul3A_438 = arith.mulf %gather3A_430, %get3A_437 : vector<16xf32>
        %add3A_439 = arith.addf %add3A_358, %mul3A_438 : vector<16xf32>
        %add3A_440 = arith.constant 32 : i32
        %add3A_441 = arith.addi %add3A_440, %add3A_425 : i32
        %get3A_442 = arith.constant 1 : i32
        %get3A_443 = arith.index_cast %get3A_442 : i32 to index
        %get3A_444 = arith.index_cast %add3A_441 : i32 to index
        %get3A_445 = arith.constant 16 : index
        %get3A_446 = tpu.vector_load %arg9[%get3A_443, %get3A_444, %get3A_445] {strides = array<i32>} : memref<2x64x128xf32, #tpu.memory_space<vmem>>, vector<16xf32>,
        %mul3A_447 = arith.mulf %gather3A_430, %get3A_446 : vector<16xf32>
        %add3A_448 = arith.addf %add3A_367, %mul3A_447 : vector<16xf32>
        %add3A_449 = arith.constant 32 : i32
        %add3A_450 = arith.addi %add3A_449, %add3A_425 : i32
        %get3A_451 = arith.constant 1 : i32
        %get3A_452 = arith.index_cast %get3A_451 : i32 to index
        %get3A_453 = arith.index_cast %add3A_450 : i32 to index
        %get3A_454 = arith.constant 32 : index
        %get3A_455 = tpu.vector_load %arg9[%get3A_452, %get3A_453, %get3A_454] {strides = array<i32>} : memref<2x64x128xf32, #tpu.memory_space<vmem>>, vector<16xf32>,
        %mul3A_456 = arith.mulf %gather3A_430, %get3A_455 : vector<16xf32>
        %add3A_457 = arith.addf %add3A_376, %mul3A_456 : vector<16xf32>
        %add3A_458 = arith.constant 32 : i32
        %add3A_459 = arith.addi %add3A_458, %add3A_425 : i32
        %get3A_460 = arith.constant 1 : i32
        %get3A_461 = arith.index_cast %get3A_460 : i32 to index
        %get3A_462 = arith.index_cast %add3A_459 : i32 to index
        %get3A_463 = arith.constant 48 : index
        %get3A_464 = tpu.vector_load %arg9[%get3A_461, %get3A_462, %get3A_463] {strides = array<i32>} : memref<2x64x128xf32, #tpu.memory_space<vmem>>, vector<16xf32>,
        %mul3A_465 = arith.mulf %gather3A_430, %get3A_464 : vector<16xf32>
        %add3A_466 = arith.addf %add3A_385, %mul3A_465 : vector<16xf32>
        %add3A_467 = arith.constant 32 : i32
        %add3A_468 = arith.addi %add3A_467, %add3A_425 : i32
        %get3A_469 = arith.constant 1 : i32
        %get3A_470 = arith.index_cast %get3A_469 : i32 to index
        %get3A_471 = arith.index_cast %add3A_468 : i32 to index
        %get3A_472 = arith.constant 64 : index
        %get3A_473 = tpu.vector_load %arg9[%get3A_470, %get3A_471, %get3A_472] {strides = array<i32>} : memref<2x64x128xf32, #tpu.memory_space<vmem>>, vector<16xf32>,
        %mul3A_474 = arith.mulf %gather3A_430, %get3A_473 : vector<16xf32>
        %add3A_475 = arith.addf %add3A_394, %mul3A_474 : vector<16xf32>
        %add3A_476 = arith.constant 32 : i32
        %add3A_477 = arith.addi %add3A_476, %add3A_425 : i32
        %get3A_478 = arith.constant 1 : i32
        %get3A_479 = arith.index_cast %get3A_478 : i32 to index
        %get3A_480 = arith.index_cast %add3A_477 : i32 to index
        %get3A_481 = arith.constant 80 : index
        %get3A_482 = tpu.vector_load %arg9[%get3A_479, %get3A_480, %get3A_481] {strides = array<i32>} : memref<2x64x128xf32, #tpu.memory_space<vmem>>, vector<16xf32>,
        %mul3A_483 = arith.mulf %gather3A_430, %get3A_482 : vector<16xf32>
        %add3A_484 = arith.addf %add3A_403, %mul3A_483 : vector<16xf32>
        %add3A_485 = arith.constant 32 : i32
        %add3A_486 = arith.addi %add3A_485, %add3A_425 : i32
        %get3A_487 = arith.constant 1 : i32
        %get3A_488 = arith.index_cast %get3A_487 : i32 to index
        %get3A_489 = arith.index_cast %add3A_486 : i32 to index
        %get3A_490 = arith.constant 96 : index
        %get3A_491 = tpu.vector_load %arg9[%get3A_488, %get3A_489, %get3A_490] {strides = array<i32>} : memref<2x64x128xf32, #tpu.memory_space<vmem>>, vector<16xf32>,
        %mul3A_492 = arith.mulf %gather3A_430, %get3A_491 : vector<16xf32>
        %add3A_493 = arith.addf %add3A_412, %mul3A_492 : vector<16xf32>
        %add3A_494 = arith.constant 32 : i32
        %add3A_495 = arith.addi %add3A_494, %add3A_425 : i32
        %get3A_496 = arith.constant 1 : i32
        %get3A_497 = arith.index_cast %get3A_496 : i32 to index
        %get3A_498 = arith.index_cast %add3A_495 : i32 to index
        %get3A_499 = arith.constant 112 : index
        %get3A_500 = tpu.vector_load %arg9[%get3A_497, %get3A_498, %get3A_499] {strides = array<i32>} : memref<2x64x128xf32, #tpu.memory_space<vmem>>, vector<16xf32>,
        %mul3A_501 = arith.mulf %gather3A_430, %get3A_500 : vector<16xf32>
        %add3A_502 = arith.addf %add3A_421, %mul3A_501 : vector<16xf32>
        %mul3A_503 = arith.constant 4 : i32
        %mul3A_504 = arith.muli %scan3A_253, %mul3A_503 : i32
        %add3A_505 = arith.constant 3 : i32
        %add3A_506 = arith.addi %mul3A_504, %add3A_505 : i32
        %add3A_507 = arith.constant 32 : i32
        %add3A_508 = arith.addi %mul3A_152, %add3A_507 : i32
        %add3A_509 = arith.addi %add3A_508, %add3A_506 : i32
        %broadcast_in_dim3A_510 = vector.broadcast %add3A_509 : i32 to vector<16xi32>
        %gather3A_511 = tpu.vector_load_idx %arg8[%broadcast_in_dim3A_510] : memref<10240xf32, #tpu.memory_space<vmem>>[vector<16xi32>], vector<16xf32>,
        %add3A_512 = arith.constant 32 : i32
        %add3A_513 = arith.addi %add3A_512, %add3A_506 : i32
        %get3A_514 = arith.constant 1 : i32
        %get3A_515 = arith.index_cast %get3A_514 : i32 to index
        %get3A_516 = arith.index_cast %add3A_513 : i32 to index
        %get3A_517 = arith.constant 0 : index
        %get3A_518 = tpu.vector_load %arg9[%get3A_515, %get3A_516, %get3A_517] {strides = array<i32>} : memref<2x64x128xf32, #tpu.memory_space<vmem>>, vector<16xf32>,
        %mul3A_519 = arith.mulf %gather3A_511, %get3A_518 : vector<16xf32>
        %add3A_520 = arith.addf %add3A_439, %mul3A_519 : vector<16xf32>
        %add3A_521 = arith.constant 32 : i32
        %add3A_522 = arith.addi %add3A_521, %add3A_506 : i32
        %get3A_523 = arith.constant 1 : i32
        %get3A_524 = arith.index_cast %get3A_523 : i32 to index
        %get3A_525 = arith.index_cast %add3A_522 : i32 to index
        %get3A_526 = arith.constant 16 : index
        %get3A_527 = tpu.vector_load %arg9[%get3A_524, %get3A_525, %get3A_526] {strides = array<i32>} : memref<2x64x128xf32, #tpu.memory_space<vmem>>, vector<16xf32>,
        %mul3A_528 = arith.mulf %gather3A_511, %get3A_527 : vector<16xf32>
        %add3A_529 = arith.addf %add3A_448, %mul3A_528 : vector<16xf32>
        %add3A_530 = arith.constant 32 : i32
        %add3A_531 = arith.addi %add3A_530, %add3A_506 : i32
        %get3A_532 = arith.constant 1 : i32
        %get3A_533 = arith.index_cast %get3A_532 : i32 to index
        %get3A_534 = arith.index_cast %add3A_531 : i32 to index
        %get3A_535 = arith.constant 32 : index
        %get3A_536 = tpu.vector_load %arg9[%get3A_533, %get3A_534, %get3A_535] {strides = array<i32>} : memref<2x64x128xf32, #tpu.memory_space<vmem>>, vector<16xf32>,
        %mul3A_537 = arith.mulf %gather3A_511, %get3A_536 : vector<16xf32>
        %add3A_538 = arith.addf %add3A_457, %mul3A_537 : vector<16xf32>
        %add3A_539 = arith.constant 32 : i32
        %add3A_540 = arith.addi %add3A_539, %add3A_506 : i32
        %get3A_541 = arith.constant 1 : i32
        %get3A_542 = arith.index_cast %get3A_541 : i32 to index
        %get3A_543 = arith.index_cast %add3A_540 : i32 to index
        %get3A_544 = arith.constant 48 : index
        %get3A_545 = tpu.vector_load %arg9[%get3A_542, %get3A_543, %get3A_544] {strides = array<i32>} : memref<2x64x128xf32, #tpu.memory_space<vmem>>, vector<16xf32>,
        %mul3A_546 = arith.mulf %gather3A_511, %get3A_545 : vector<16xf32>
        %add3A_547 = arith.addf %add3A_466, %mul3A_546 : vector<16xf32>
        %add3A_548 = arith.constant 32 : i32
        %add3A_549 = arith.addi %add3A_548, %add3A_506 : i32
        %get3A_550 = arith.constant 1 : i32
        %get3A_551 = arith.index_cast %get3A_550 : i32 to index
        %get3A_552 = arith.index_cast %add3A_549 : i32 to index
        %get3A_553 = arith.constant 64 : index
        %get3A_554 = tpu.vector_load %arg9[%get3A_551, %get3A_552, %get3A_553] {strides = array<i32>} : memref<2x64x128xf32, #tpu.memory_space<vmem>>, vector<16xf32>,
        %mul3A_555 = arith.mulf %gather3A_511, %get3A_554 : vector<16xf32>
        %add3A_556 = arith.addf %add3A_475, %mul3A_555 : vector<16xf32>
        %add3A_557 = arith.constant 32 : i32
        %add3A_558 = arith.addi %add3A_557, %add3A_506 : i32
        %get3A_559 = arith.constant 1 : i32
        %get3A_560 = arith.index_cast %get3A_559 : i32 to index
        %get3A_561 = arith.index_cast %add3A_558 : i32 to index
        %get3A_562 = arith.constant 80 : index
        %get3A_563 = tpu.vector_load %arg9[%get3A_560, %get3A_561, %get3A_562] {strides = array<i32>} : memref<2x64x128xf32, #tpu.memory_space<vmem>>, vector<16xf32>,
        %mul3A_564 = arith.mulf %gather3A_511, %get3A_563 : vector<16xf32>
        %add3A_565 = arith.addf %add3A_484, %mul3A_564 : vector<16xf32>
        %add3A_566 = arith.constant 32 : i32
        %add3A_567 = arith.addi %add3A_566, %add3A_506 : i32
        %get3A_568 = arith.constant 1 : i32
        %get3A_569 = arith.index_cast %get3A_568 : i32 to index
        %get3A_570 = arith.index_cast %add3A_567 : i32 to index
        %get3A_571 = arith.constant 96 : index
        %get3A_572 = tpu.vector_load %arg9[%get3A_569, %get3A_570, %get3A_571] {strides = array<i32>} : memref<2x64x128xf32, #tpu.memory_space<vmem>>, vector<16xf32>,
        %mul3A_573 = arith.mulf %gather3A_511, %get3A_572 : vector<16xf32>
        %add3A_574 = arith.addf %add3A_493, %mul3A_573 : vector<16xf32>
        %add3A_575 = arith.constant 32 : i32
        %add3A_576 = arith.addi %add3A_575, %add3A_506 : i32
        %get3A_577 = arith.constant 1 : i32
        %get3A_578 = arith.index_cast %get3A_577 : i32 to index
        %get3A_579 = arith.index_cast %add3A_576 : i32 to index
        %get3A_580 = arith.constant 112 : index
        %get3A_581 = tpu.vector_load %arg9[%get3A_578, %get3A_579, %get3A_580] {strides = array<i32>} : memref<2x64x128xf32, #tpu.memory_space<vmem>>, vector<16xf32>,
        %mul3A_582 = arith.mulf %gather3A_511, %get3A_581 : vector<16xf32>
        %add3A_583 = arith.addf %add3A_502, %mul3A_582 : vector<16xf32>
        scf.yield %add3A_520, %add3A_529, %add3A_538, %add3A_547, %add3A_556, %add3A_565, %add3A_574, %add3A_583 : vector<16xf32>, vector<16xf32>, vector<16xf32>, vector<16xf32>, vector<16xf32>, vector<16xf32>, vector<16xf32>, vector<16xf32>
      }
      %scan3A_207 = arith.constant 8 : i32
      %swap3A_208 = arith.constant 3 : i32
      %swap3A_209 = arith.index_cast %swap3A_208 : i32 to index
      %swap3A_210 = arith.constant 0 : index
      %swap3A_211 = tpu.vector_load %arg10[%swap3A_209, %swap3A_210] {strides = array<i32>} : memref<4x128xf32, #tpu.memory_space<vmem>>, vector<16xf32>,
      tpu.vector_store %arg10[%swap3A_209, %swap3A_210], %scan3A_206#0 {strides = array<i32>} : memref<4x128xf32, #tpu.memory_space<vmem>>, vector<16xf32>,
      %swap3A_212 = arith.constant 3 : i32
      %swap3A_213 = arith.index_cast %swap3A_212 : i32 to index
      %swap3A_214 = arith.constant 16 : index
      %swap3A_215 = tpu.vector_load %arg10[%swap3A_213, %swap3A_214] {strides = array<i32>} : memref<4x128xf32, #tpu.memory_space<vmem>>, vector<16xf32>,
      tpu.vector_store %arg10[%swap3A_213, %swap3A_214], %scan3A_206#1 {strides = array<i32>} : memref<4x128xf32, #tpu.memory_space<vmem>>, vector<16xf32>,
      %swap3A_216 = arith.constant 3 : i32
      %swap3A_217 = arith.index_cast %swap3A_216 : i32 to index
      %swap3A_218 = arith.constant 32 : index
      %swap3A_219 = tpu.vector_load %arg10[%swap3A_217, %swap3A_218] {strides = array<i32>} : memref<4x128xf32, #tpu.memory_space<vmem>>, vector<16xf32>,
      tpu.vector_store %arg10[%swap3A_217, %swap3A_218], %scan3A_206#2 {strides = array<i32>} : memref<4x128xf32, #tpu.memory_space<vmem>>, vector<16xf32>,
      %swap3A_220 = arith.constant 3 : i32
      %swap3A_221 = arith.index_cast %swap3A_220 : i32 to index
      %swap3A_222 = arith.constant 48 : index
      %swap3A_223 = tpu.vector_load %arg10[%swap3A_221, %swap3A_222] {strides = array<i32>} : memref<4x128xf32, #tpu.memory_space<vmem>>, vector<16xf32>,
      tpu.vector_store %arg10[%swap3A_221, %swap3A_222], %scan3A_206#3 {strides = array<i32>} : memref<4x128xf32, #tpu.memory_space<vmem>>, vector<16xf32>,
      %swap3A_224 = arith.constant 3 : i32
      %swap3A_225 = arith.index_cast %swap3A_224 : i32 to index
      %swap3A_226 = arith.constant 64 : index
      %swap3A_227 = tpu.vector_load %arg10[%swap3A_225, %swap3A_226] {strides = array<i32>} : memref<4x128xf32, #tpu.memory_space<vmem>>, vector<16xf32>,
      tpu.vector_store %arg10[%swap3A_225, %swap3A_226], %scan3A_206#4 {strides = array<i32>} : memref<4x128xf32, #tpu.memory_space<vmem>>, vector<16xf32>,
      %swap3A_228 = arith.constant 3 : i32
      %swap3A_229 = arith.index_cast %swap3A_228 : i32 to index
      %swap3A_230 = arith.constant 80 : index
      %swap3A_231 = tpu.vector_load %arg10[%swap3A_229, %swap3A_230] {strides = array<i32>} : memref<4x128xf32, #tpu.memory_space<vmem>>, vector<16xf32>,
      tpu.vector_store %arg10[%swap3A_229, %swap3A_230], %scan3A_206#5 {strides = array<i32>} : memref<4x128xf32, #tpu.memory_space<vmem>>, vector<16xf32>,
      %swap3A_232 = arith.constant 3 : i32
      %swap3A_233 = arith.index_cast %swap3A_232 : i32 to index
      %swap3A_234 = arith.constant 96 : index
      %swap3A_235 = tpu.vector_load %arg10[%swap3A_233, %swap3A_234] {strides = array<i32>} : memref<4x128xf32, #tpu.memory_space<vmem>>, vector<16xf32>,
      tpu.vector_store %arg10[%swap3A_233, %swap3A_234], %scan3A_206#6 {strides = array<i32>} : memref<4x128xf32, #tpu.memory_space<vmem>>, vector<16xf32>,
      %swap3A_236 = arith.constant 3 : i32
      %swap3A_237 = arith.index_cast %swap3A_236 : i32 to index
      %swap3A_238 = arith.constant 112 : index
      %swap3A_239 = tpu.vector_load %arg10[%swap3A_237, %swap3A_238] {strides = array<i32>} : memref<4x128xf32, #tpu.memory_space<vmem>>, vector<16xf32>,
      tpu.vector_store %arg10[%swap3A_237, %swap3A_238], %scan3A_206#7 {strides = array<i32>} : memref<4x128xf32, #tpu.memory_space<vmem>>, vector<16xf32>,
      %add3A_240 = arith.constant 2 : i32
      %add3A_241 = arith.addi %add3A_150, %add3A_240 : i32
      %lt3A_242 = arith.constant 160 : i32
      %lt3A_243 = arith.cmpi slt, %add3A_241, %lt3A_242 : i32
      %convert_element_type3A_244 = arith.extui %lt3A_243 : i1 to i32
      %cond3A_245 = arith.constant 1 : i32
      %cond3A_246 = arith.constant 0 : i32
      %cond3A_247 = arith.cmpi ne, %convert_element_type3A_244, %cond3A_246 : i32
      scf.if %cond3A_247 {
        %add3A_253 = arith.constant 2 : i32
        %add3A_254 = arith.addi %add3A_150, %add3A_253 : i32
        %dma_start3A_255 = arith.constant 0 : i32
        %dma_start3A_256 = arith.constant 0 : i32
        %dma_start3A_257 = tpu.memref_slice %arg9[%cond3A_245, %dma_start3A_255, %dma_start3A_256] : memref<2x64x128xf32, #tpu.memory_space<vmem>> -> memref<1x64x128xf32, #tpu.memory_space<vmem>>
        %dma_start3A_258 = tpu.memref_squeeze %dma_start3A_257 : memref<1x64x128xf32, #tpu.memory_space<vmem>> -> memref<64x128xf32, #tpu.memory_space<vmem>>
        %dma_start3A_259 = arith.constant 0 : i32
        %dma_start3A_260 = tpu.memref_slice %arg7[%add3A_254, %dma_start3A_259] : memref<160x64xi32, #tpu.memory_space<vmem>> -> memref<1x64xi32, #tpu.memory_space<vmem>>
        %dma_start3A_261 = tpu.memref_squeeze %dma_start3A_260 : memref<1x64xi32, #tpu.memory_space<vmem>> -> memref<64xi32, #tpu.memory_space<vmem>>
        %dma_start3A_262 = arith.constant 0 : i32
        %dma_start3A_263 = arith.constant 0 : i32
        %dma_start3A_264 = tpu.memref_slice %arg12[%dma_start3A_262, %dma_start3A_263] : memref<10240x128xf32, #tpu.memory_space<vmem_shared>> -> memref<10240x128xf32, #tpu.memory_space<vmem_shared>>
        tpu.enqueue_indirect_dma source(%dma_start3A_264 : memref<10240x128xf32, #tpu.memory_space<vmem_shared>>) target(%dma_start3A_258 : memref<64x128xf32, #tpu.memory_space<vmem>>) offsets(%dma_start3A_261 : memref<64xi32, #tpu.memory_space<vmem>>) semaphore(%arg14 : memref<!tpu.dma_semaphore, #tpu.memory_space<semaphore_mem>>)
      } else {
      }
      %mul3A_248 = arith.constant 2 : i32
      %mul3A_249 = arith.muli %scan3A_50, %mul3A_248 : i32
      %mul3A_250 = arith.constant 2 : i32
      %mul3A_251 = arith.muli %mul3A_249, %mul3A_250 : i32
      %add3A_252 = arith.addi %mul3A_2, %mul3A_251 : i32
      "tpu.region"() ({
        %run_scoped3A = tpu.sem_alloc : memref<!tpu.dma_semaphore, #tpu.memory_space<semaphore_mem>>
        %dma_start3A_253 = arith.constant 0 : i32
        %dma_start3A_254 = tpu.memref_slice %arg6[%add3A_252, %dma_start3A_253] : memref<10240x128xf32, #tpu.memory_space<hbm>> -> memref<4x128xf32, #tpu.memory_space<hbm>>
        %dma_start3A_255 = arith.constant 0 : i32
        %dma_start3A_256 = tpu.memref_slice %arg6[%add3A_252, %dma_start3A_255] : memref<10240x128xf32, #tpu.memory_space<hbm>> -> memref<4x128xf32, #tpu.memory_space<hbm>>
        tpu.enqueue_dma source(%arg10 : memref<4x128xf32, #tpu.memory_space<vmem>>) target(%dma_start3A_256 : memref<4x128xf32, #tpu.memory_space<hbm>>) target_semaphore(%run_scoped3A : memref<!tpu.dma_semaphore, #tpu.memory_space<semaphore_mem>>)
        %dma_wait3A_257 = arith.constant 0 : i32
        %dma_wait3A_258 = tpu.memref_slice %arg6[%add3A_252, %dma_wait3A_257] : memref<10240x128xf32, #tpu.memory_space<hbm>> -> memref<4x128xf32, #tpu.memory_space<hbm>>
        %dma_wait3A_259 = arith.constant 0 : i32
        %dma_wait3A_260 = tpu.memref_slice %arg6[%add3A_252, %dma_wait3A_259] : memref<10240x128xf32, #tpu.memory_space<hbm>> -> memref<4x128xf32, #tpu.memory_space<hbm>>
        tpu.wait_dma2 semaphore(%run_scoped3A : memref<!tpu.dma_semaphore, #tpu.memory_space<semaphore_mem>>) src(%arg10 : memref<4x128xf32, #tpu.memory_space<vmem>>) dst(%dma_wait3A_260 : memref<4x128xf32, #tpu.memory_space<hbm>>)
        tpu.yield
      }) : () -> ()
    }
    %scan3A_49 = arith.constant 80 : i32
    return
  }
}

module attributes {stable_mosaic.version = 14 : i64} {
  func.func @_mm_body(%arg0: i32, %arg1: memref<128x128xf32, #tpu.memory_space<vmem>>, %arg2: memref<128x128xf32, #tpu.memory_space<vmem>>, %arg3: memref<128x128xf32, #tpu.memory_space<vmem>>) attributes {dimension_semantics = [#tpu.dimension_semantics<arbitrary>], iteration_bounds = array<i64: 80>, scalar_prefetch = 0 : i64, scratch_operands = 0 : i64, tpu.core_type = #tpu.core_type<tc>, window_params = [{transform_indices = @transform_0, window_bounds = array<i64: 128, 128>}, {pipeline_mode = #tpu.pipeline_mode<synchronous>, transform_indices = @transform_1, window_bounds = array<i64: 128, 128>}, {transform_indices = @transform_2, window_bounds = array<i64: 128, 128>}]} {
    %get3A = arith.constant 0 : index
    %get3A_0 = arith.constant 0 : index
    %get3A_1 = vector.load %arg1[%get3A, %get3A_0] : memref<128x128xf32, #tpu.memory_space<vmem>>, vector<128x128xf32>
    %get3A_2 = arith.constant 0 : index
    %get3A_3 = arith.constant 0 : index
    %get3A_4 = vector.load %arg2[%get3A_2, %get3A_3] : memref<128x128xf32, #tpu.memory_space<vmem>>, vector<128x128xf32>
    %dot_general3A = arith.constant dense<0.000000e+00> : vector<128x128xf32>
    %dot_general3A_5 = tpu.matmul %get3A_1, %get3A_4, %dot_general3A {dimension_numbers = #tpu.dot_dimension_numbers<[1], [0], [0], [1], [0, 0, 1, 1], [], []>, transpose_lhs_hint = false} : vector<128x128xf32>, vector<128x128xf32>, vector<128x128xf32> -> vector<128x128xf32>
    %swap3A = arith.constant 0 : index
    %swap3A_6 = arith.constant 0 : index
    %swap3A_7 = vector.load %arg3[%swap3A, %swap3A_6] : memref<128x128xf32, #tpu.memory_space<vmem>>, vector<128x128xf32>
    tpu.vector_store %arg3[%swap3A, %swap3A_6], %dot_general3A_5 {strides = array<i32>} : memref<128x128xf32, #tpu.memory_space<vmem>>, vector<128x128xf32>,
    return
  }
  func.func @transform_0(%arg0: i32) -> (i32, i32) {
    %c0_i32 = arith.constant 0 : i32
    %c0_i32_0 = arith.constant 0 : i32
    return %arg0, %c0_i32 : i32, i32
  }
  func.func @transform_1(%arg0: i32) -> (i32, i32) {
    %c0_i32 = arith.constant 0 : i32
    %c0_i32_0 = arith.constant 0 : i32
    %c0_i32_1 = arith.constant 0 : i32
    return %c0_i32, %c0_i32_0 : i32, i32
  }
  func.func @transform_2(%arg0: i32) -> (i32, i32) {
    %c0_i32 = arith.constant 0 : i32
    %c0_i32_0 = arith.constant 0 : i32
    return %arg0, %c0_i32 : i32, i32
  }
}

</mosaic_0001>

<sc_bundles>
// kernel: kernel.5.cloned.1.call-start
scs
__scs_entry_jumppad:
0x0: {  	(pc) =	sbr.rel $0x88, $3  }
0x1: {  	(tag) =	ssettag $0x0;
	lr =	simm.s32 $0x1  }
0x2: {  	[smem:$0x3F98] =	sst lr;
	_ =	strace $0xD0000000  }
0x3: {  	_ = 	snop  }
0x4: {  	_ = 	snop  }
0x5: {  	_ = 	snop  }
0x6: {  	_ = 	snop  }
0x7: {  	_ = 	snop  }
__scs_overlays_trampoline_lowered:
0x8: {  	[smem:$0x3FA7] =	sst s0  }
0x9: {  	[smem:$0x3FA8] =	sst s1  }
0xa: {  	[smem:$0x3FA9] =	sst s2  }
0xb: {  	[smem:$0x3FAA] =	sst s3  }
0xc: {  	[smem:$0x3FAB] =	sst s4  }
0xd: {  	[smem:$0x3FAC] =	sst s5  }
0xe: {  	[smem:$0x3FAD] =	sst s6  }
0xf: {  	[smem:$0x3FAE] =	sst s7  }
0x10: {  	[smem:$0x3FAF] =	sst s8  }
0x11: {  	[smem:$0x3FB0] =	sst s9;
	s0 =	simm.s32 @!p0 $0x0  }
0x12: {  	s1 =	sld [smem:$0x3F96];
	s0 =	simm.s32 @p0 $0x1  }
0x13: {  	[smem:$0x3FB1] =	sst s0;
	s0 =	simm.s32 @!p1 $0x0  }
0x14: {  	s2 =	sld [smem:$0x3F95];
	s0 =	simm.s32 @p1 $0x1  }
0x15: {  	[smem:$0x3FB2] =	sst s0;
	s0 =	simm.s32 @!p2 $0x0  }
0x16: {  	s3 =	sld [smem:$0x3FDB];
	s0 =	simm.s32 @p2 $0x1  }
0x17: {  	s4 =	simm.s32 $0x1BF5;
	[smem:$0x3FB4] =	sst s0  }
0x18: {  	s0 =	sld [smem:$0x3F97];
	_ =	swait.ge [sflag:s4], $0x0  }
0x19: {  	s7 =	sld [smem:$0x3F98]  }
0x1a: {  	s8 =	sadd.s32 $0xFFFFE003, lr  }
0x1b: {  	s9 =	sadd.s32 $0xFFFFFEF7, lr;
	s5 =	simm.s32 $0xFFFFFFFF;
	p2 =	slt.u32 s8, $0xFFFFF086  }
0x1c: {  	p1 =	slt.u32 s9, $0xF7A;
	s5 =	simm.s32 @!p2 $0x0  }
0x1d: {  	s5 =	simm.s32 @p1 $0x1;
	p0 =	seq.s32 s7, s2  }
0x1e: {  	s7 =	smul.u32 @!p0 $0xF7A, s2;
	p2 =	seq.s32 @!p0 s5, $0x0  }
0x1f: {  	s9 =	smul.u32 $0xF7A, s1;
	s8 =	simm.s32 @!p0 $0x1BF5;
	p2 =	por !p2, p0  }
0x20: {  	[sflag:s8] =	ssyncset.s32 @!p0 $0xFFFFF086;
	s6 =	sadd.s32 @!p0 s3, s7;
	s7 =	simm.s32 @!p0 $0x108  }
0x21: {  	s3 =	sadd.s32 s3, s9;
	s6 =	sadd.s32 @!p0 $0x88, s6;
	s7 =	simm.s32 @p2 $0x1082  }
0x22: {  	[simem:s7], [sflag:s8] =	dma.local @!p0 [hbm:s6], $0xF7A  }
0x23: {  	s9 =	sor.u32 $0xD0000000, s2;
	s6 =	simm.s32 $0x108;
	_ =	swait.ge @!p0 [sflag:s8], $0x0  }
0x24: {  	s3 =	sadd.s32 $0x88, s3;
	s6 =	simm.s32 @!p1 $0x1082;
	[sflag:s4] =	ssyncset.s32 $0xFFFFF086  }
0x25: {  	[simem:s6], [sflag:s4] =	dma.local [hbm:s3], $0xF7A  }
0x26: {  	[smem:$0x3F98] =	sst s1;
	(tag) =	ssettag s2;
	_ =	strace s9  }
0x27: {  	s1 =	sld [smem:$0x3FA8]  }
0x28: {  	s2 =	sld [smem:$0x3FA9]  }
0x29: {  	s4 =	sld [smem:$0x3FAB]  }
0x2a: {  	p0 =	seq.s32 s5, $0x0;
	s5 =	sld [smem:$0x3FAC]  }
0x2b: {  	s6 =	sld [smem:$0x3FAD]  }
0x2c: {  	s7 =	sld [smem:$0x3FAE]  }
0x2d: {  	s3 =	simm.s32 $0x108;
	s8 =	sld [smem:$0x3FAF]  }
0x2e: {  	s3 =	simm.s32 @!p0 $0x1082;
	s9 =	sld [smem:$0x3FB0]  }
0x2f: {  	lr =	sadd.s32 s0, s3;
	s0 =	sld [smem:$0x3FA7]  }
0x30: {  	s3 =	sld [smem:$0x3FAA]  }
0x31: {  	[smem:$0x3FB3] =	sst s10  }
0x32: {  	s10 =	sld [smem:$0x3FB1];
	_ =	sdelay $0x3  }
0x33: {  	p0 =	seq.s32 s10, $0x1;
	s10 =	sld [smem:$0x3FB3];
	_ =	sdelay $0x3  }
0x34: {  	[smem:$0x3FB3] =	sst s10  }
0x35: {  	s10 =	sld [smem:$0x3FB2];
	_ =	sdelay $0x3  }
0x36: {  	p1 =	seq.s32 s10, $0x1;
	s10 =	sld [smem:$0x3FB3];
	_ =	sdelay $0x3  }
0x37: {  	[smem:$0x3FB3] =	sst s10  }
0x38: {  	s10 =	sld [smem:$0x3FB4]  }
0x39: {  	_ = 	snop;
	(pc) =	sbr.ind lr, $3  }
0x3a: {  	_ = 	snop  }
0x3b: {  	_ = 	snop  }
0x3c: {  	p2 =	seq.s32 s10, $0x1;
	s10 =	sld [smem:$0x3FB3]  }
0x3d: {  	_ =	shalt  }
0x3e: {  	_ =	shalt  }
0x3f: {  	_ =	shalt  }
0x40: {  	_ =	shalt  }
0x41: {  	_ =	shalt  }
0x42: {  	_ =	shalt  }
0x43: {  	_ =	shalt  }
0x44: {  	_ =	shalt  }
0x45: {  	_ =	shalt  }
0x46: {  	_ =	shalt  }
0x47: {  	_ =	shalt  }
0x48: {  	_ =	shalt  }
0x49: {  	_ =	shalt  }
0x4a: {  	_ =	shalt  }
0x4b: {  	_ =	shalt  }
0x4c: {  	_ =	shalt  }
0x4d: {  	_ =	shalt  }
0x4e: {  	_ =	shalt  }
0x4f: {  	_ =	shalt  }
0x50: {  	_ =	shalt  }
0x51: {  	_ =	shalt  }
0x52: {  	_ =	shalt  }
0x53: {  	_ =	shalt  }
0x54: {  	_ =	shalt  }
0x55: {  	_ =	shalt  }
0x56: {  	_ =	shalt  }
0x57: {  	_ =	shalt  }
0x58: {  	_ =	shalt  }
0x59: {  	_ =	shalt  }
0x5a: {  	_ =	shalt  }
0x5b: {  	_ =	shalt  }
0x5c: {  	_ =	shalt  }
0x5d: {  	_ =	shalt  }
0x5e: {  	_ =	shalt  }
0x5f: {  	_ =	shalt  }
0x60: {  	_ =	shalt  }
0x61: {  	_ =	shalt  }
0x62: {  	_ =	shalt  }
0x63: {  	_ =	shalt  }
0x64: {  	_ =	shalt  }
0x65: {  	_ =	shalt  }
0x66: {  	_ =	shalt  }
0x67: {  	_ =	shalt  }
0x68: {  	_ =	shalt  }
0x69: {  	_ =	shalt  }
0x6a: {  	_ =	shalt  }
0x6b: {  	_ =	shalt  }
0x6c: {  	_ =	shalt  }
0x6d: {  	_ =	shalt  }
0x6e: {  	_ =	shalt  }
0x6f: {  	_ =	shalt  }
0x70: {  	_ =	shalt  }
0x71: {  	_ =	shalt  }
0x72: {  	_ =	shalt  }
0x73: {  	_ =	shalt  }
0x74: {  	_ =	shalt  }
0x75: {  	_ =	shalt  }
0x76: {  	_ =	shalt  }
0x77: {  	_ =	shalt  }
0x78: {  	_ =	shalt  }
0x79: {  	_ =	shalt  }
0x7a: {  	_ =	shalt  }
0x7b: {  	_ =	shalt  }
0x7c: {  	_ =	shalt  }
0x7d: {  	_ =	shalt  }
0x7e: {  	_ =	shalt  }
0x7f: {  	_ =	shalt  }
0x80: {  	_ =	shalt  }
0x81: {  	_ =	shalt  }
0x82: {  	_ =	shalt  }
0x83: {  	_ =	shalt  }
0x84: {  	_ =	shalt  }
0x85: {  	_ =	shalt  }
0x86: {  	_ =	shalt  }
0x87: {  	_ =	shalt  }
.Lfunc_end0:
.L_simem_size_0:
called_computation_lowered:
.L_overlay_start_0:
0x88: {  	s2 =	sld [smem:$0x3FD9]  }
0x89: {  	s3 =	sld [smem:$0x3FFE];
	_ =	sdelay $0x1  }
0x8a: {  	s1 =	srdreg.scid  }
0x8b: {  	s0 =	sand.u32 $0x1, s1  }
0x8c: {  	s16 =	sshll.u32 s0, $0xA;
	s2 =	sadd.s32 s3, s2  }
0x8d: {  	s2 =	sadd.s32 s2, s16  }
0x8e: {  	[smem:$0x3FBF] =	sst s2  }
0x8f: {  	_ = 	snop  }
0x90: {  	(tm) =	ssettm $0x1  }
0x91: {  	s17 =	sld [smem:$0x3FFB];
	_ =	sdelay $0x3  }
0x92: {  	_ =	strace s17  }
0x93: {  	s2 =	sld [smem:$0x3FFC];
	_ =	sdelay $0x3  }
0x94: {  	_ =	strace s2  }
0x95: {  	s2 =	sld [smem:$0x3FFD];
	_ =	sdelay $0x3  }
0x96: {  	_ =	strace s2  }
0x97: {  	_ =	strace $0x8FFFFFFF  }
0x98: {  	s18 =	sld [smem:$0x3FDB];
	_ =	sdelay $0x1  }
0x99: {  	s19 =	simm.s32 $_scs_section_size  }
0x9a: {  	s4 =	simm.s32 $_size__tile_overlayer_lowered;
	s5 =	simm.s32 $_tile_overlayer_lowered  }
0x9b: {  	s22 =	simm.s32 $0x1BFF;
	s21 =	sshll.u32 s5, $0x1;
	s2 =	sadd.s32 s19, s18  }
0x9c: {  	s6 =	simm.s32 $0x0;
	s20 =	sshll.u32 s4, $0x1;
	s4 =	sadd.s32 s21, s2  }
0x9d: {  	[timem:s6], [sflag:s22] =	dma.local [hbm:s4], s20  }
0x9e: {  	_ =	swait.ge [sflag:s22], s20  }
0x9f: {  	s3 =	ssub.s32 $0x0, s20;
	[sflag:s22] =	ssyncset.done $0x0  }
0xa0: {  	[sflag:s22] =	ssyncadd.s32 s3;
	_ =	sdelay $0x1  }
0xa1: {  	s23 =	simm.s32 $0x1B8B  }
0xa2: {  	_ =	swait.ge [sflag:s23], $0x1  }
0xa3: {  	[sflag:s23] =	ssyncset.done $0x0  }
0xa4: {  	s25 =	simm.s32 $0x1B8E;
	s24 =	sld [smem:$0x3FFE];
	[sflag:s23] =	ssyncadd.s32 $0xFFFFFFFF  }
0xa5: {  	s26 =	simm.s32 $execute0_lowered;
	[smem:$0x3FD2] =	sst s25  }
0xa6: {  	s4 =	sshll.u32 s26, $0x1;
	_ =	strace $0x80000046;
	[dreg:$0x1] =	wrdreg $0xFFFFFFFF  }
0xa7: {  	s28 =	simm.s32 $_size_execute0_lowered;
	s2 =	sadd.s32 s2, s4;
	[dreg:$0x0] =	wrdreg $0x0  }
0xa8: {  	s4 =	sshll.u32 s28, $0x1;
	[dreg:$0x2] =	wrdreg s2  }
0xa9: {  	[dreg:$0x3] =	wrdreg s4  }
0xaa: {  	[dreg:$0x4] =	wrdreg $0xC0  }
0xab: {  	_ =	task [dreg:s6], $0x5FFFF  }
0xac: {  	[dreg:$0x1] =	wrdreg $0xFFFFFFFF  }
0xad: {  	[dreg:$0x0] =	wrdreg $0x60  }
0xae: {  	[dreg:$0x2] =	wrdreg s24  }
0xaf: {  	[dreg:$0x3] =	wrdreg $0x9  }
0xb0: {  	_ =	task.clear_ibuf [dreg:s6], $0x4FFFF;
	_ =	strace $0x90000046  }
0xb1: {  	s29 =	simm.s32 $0x9;
	_ =	strace $0x80000048  }
0xb2: {  	_ =	swait.ge [sflag:s29], $0x1  }
0xb3: {  	[sflag:s29] =	ssyncadd.s32 $0xFFFFFFFF  }
0xb4: {  	_ =	strace $0x90000048  }
0xb5: {  	_ =	sfence  }
0xb6: {  	s30 =	sld [smem:$0x0];
	_ =	sdelay $0x2  }
0xb7: {  	s31 =	sshll.u32 s1, $0xD;
	s1 =	sshrl.u32 s1, $0x2  }
0xb8: {  	s3 =	sand.u32 $0x4000, s31;
	s1 =	sadd.s32 s1, s30  }
0xb9: {  	s0 =	sor.u32 s3, s0;
	s1 =	sshll.u32 s1, $0x11  }
0xba: {  	s0 =	sor.u32 s1, s0  }
0xbb: {  	s0 =	sadd.s32 $0x8F2B, s0  }
0xbc: {  	[sflag:s0] =	ssyncadd.remote.s32 $0x1  }
0xbd: {  	_ =	sfence.sel $0xFFFF  }
0xbe: {  	[dreg:$0x0] =	wrdreg $0xFFFFFFFF;
	(pc) =	sbr.abs _section_cstart, $3  }
0xbf: {  	[dreg:$0x1] =	wrdreg $0xFFFFFFFF  }
0xc0: {  	_ =	task.clear_ibuf [dreg:s6], $0x2FFFF;
	_ =	strace $0x9FFFFFFF  }
0xc1: {  	(tm) =	ssettm $0x7FFFFFFF  }
tec
execute0_lowered:
.L_overlay_start_1:
0x0: {  	(tag) =	ssettag $0x1  }
0x1: {  	s7 =	rddreg [dreg:$0x0]  }
0x2: {  	s0 =	rddreg [dreg:$0x1]  }
0x3: {  	s3 =	srdreg.scid;
	s1 =	stileid.u32  }
0x4: {  	s2 =	simm.s32 $0x0;
	s12 =	simm.s32 $0x2800;
	s13 =	simm.s32 $0x5000  }
0x5: {  	s14 =	simm.s32 $0x80;
	s15 =	simm.s32 $0x400;
	s17 =	simm.s32 $0xA000  }
0x6: {  	s18 =	simm.s32 $0x0;
	s6 =	sand.u32 $0x1, s3;
	s29 =	sshll.u32 s1, $0x1  }
0x7: {  	[smem:$0x7FF] =	sst s2;
	s30 =	sshrl.u32 s1, $0x2;
	s3 =	sadd.s32 $0x2200, s7  }
0x8: {  	s4 =	sadd.s32 $0x1C00, s7;
	s8 =	sor.u32 s6, s29;
	_ =	strace $0x80000047  }
0x9: {  	s9 =	smul.u32 $0x14000, s30;
	s31 =	ssub.s32 $0x2, s6;
	s5 =	sshll.u32 s8, $0x7  }
0xa: {  	s6 =	sadd.s32 $0x16800, s7;
	s11 =	sshrl.u32 s31, $0x1;
	s10 =	sand.u32 $0x380, s5  }
0xb: {  	s16 =	smul.u32 $0x140, s8;
	s5 =	sadd.s32 $0x1600, s7;
	s9 =	sor.u32 s9, s10  }
0xc: {  	s10 =	ssub.s32 s31, s11;
	s11 =	simm.s32 $0x1;
	s9 =	sshrl.u32 s9, $0x3  }
0xd: {  	v0 =	vmov s16;
	s16 =	simm.s32 $0xC800;
	s10 =	smax.u32 s10, $0x1;
	s9 =	sadd.s32 s9, s7  }
0xe: {  	s7 =	sadd.s32 $0x2800, s9;
	s8 =	sadd.s32 $0xC800, s9;
	s9 =	sadd.s32 $0x16A00, s9  }
.LBB2_1:
0xf: {  	[tilespmem:s2], [sflag:$0x1] =	stream.linear.gather [hbm4b:s3+s2], $0x2800, $0x38;
	[tilespmem:$0xD400] =	vst v63  }
0x10: {  	_ =	swait.ge [sflag:s11], $0x2800  }
0x11: {  	[sflag:s11] =	ssyncset.done $0x0  }
0x12: {  	[sflag:s11] =	ssyncadd.s32 $0xFFFFD800  }
0x13: {  	[tilespmem:s12], [sflag:$0x1] =	stream.linear.gather [hbm4b:s4+s2], $0x2800, $0x38;
	[tilespmem:$0xD400] =	vst v63  }
0x14: {  	_ =	swait.ge [sflag:s11], $0x2800  }
0x15: {  	[sflag:s11] =	ssyncset.done $0x0  }
0x16: {  	[sflag:s11] =	ssyncadd.s32 $0xFFFFD800  }
0x17: {  	[tilespmem:s13], [sflag:$0x1] =	stream.linear.gather [hbm4b:s5+s2], $0x2800, $0x38;
	[tilespmem:$0xD400] =	vst v63  }
0x18: {  	_ =	swait.ge [sflag:s11], $0x2800  }
0x19: {  	[sflag:s11] =	ssyncset.done $0x0  }
0x1a: {  	s19 =	simm.s32 $0x7800;
	[sflag:s11] =	ssyncadd.s32 $0xFFFFD800  }
0x1b: {  	[tilespmem:s19], [sflag:$0x1] =	stream.strided.gather [hbm4b:s7+s14], $0x2800, s15, s14, $0x38;
	[tilespmem:$0xD400] =	vst v63  }
0x1c: {  	_ =	swait.ge [sflag:s11], $0x2800  }
0x1d: {  	[sflag:s11] =	ssyncset.done $0x0  }
0x1e: {  	[sflag:s11] =	ssyncadd.s32 $0xFFFFD800  }
0x1f: {  	[tilespmem:s17], [sflag:$0x1] =	stream.strided.gather [hbm4b:s8+s14], $0x2800, s15, s14, $0x38;
	[tilespmem:$0xD400] =	vst v63  }
0x20: {  	_ =	swait.ge [sflag:s11], $0x2800  }
0x21: {  	[sflag:s11] =	ssyncset.done $0x0  }
0x22: {  	[sflag:s11] =	ssyncadd.s32 $0xFFFFD800  }
0x23: {  	v1 =	vmov s2;
	[tilespmem:s16], [sflag:$0x1] =	stream.linear.gather [hbm4b:s6+s2], $0xC00, $0x38;
	[tilespmem:$0xD400] =	vst v63  }
0x24: {  	v1 =	vshrl.u32 v1, $0x5;
	_ =	swait.ge [sflag:s11], $0xC00  }
0x25: {  	v1 =	vadd.s32 v0, v1;
	[sflag:s11] =	ssyncset.done $0x0  }
0x26: {  	v4 =	vbroadcast v1, $0x0;
	[sflag:s11] =	ssyncadd.s32 $0xFFFFF400  }
0x27: {  	v5 =	vld [tilespmem:s19+$0x0];
	_ =	sdelay $0x1  }
0x28: {  	v3 =	vld [tilespmem:$0xC800]  }
0x29: {  	v2 =	vld [tilespmem:$0xC880]  }
0x2a: {  	v1 =	vld [tilespmem:$0xC900]  }
0x2b: {  	v6 =	vld.idx.msk [tilespmem:v4+s13+$0x0], $0xffff  }
0x2c: {  	v7 =	vld.idx.msk [tilespmem:v4+s2+$0x0], $0xffff  }
0x2d: {  	v9 =	vld.idx.msk [tilespmem:v4+s12+$0x0], $0xffff  }
0x2e: {  	v12 =	vld.idx.msk [tilespmem:v5+s2+$0x0], $0xffff  }
0x2f: {  	v13 =	vld.idx.msk [tilespmem:v5+s12+$0x0], $0xffff  }
0x30: {  	v10 =	vld [tilespmem:$0xC980]  }
0x31: {  	v14 =	vld.idx.msk [tilespmem:v5+s13+$0x0], $0xffff  }
0x32: {  	v11 =	vld [tilespmem:$0xCB00]  }
0x33: {  	v8 =	vld [tilespmem:$0xCA00]  }
0x34: {  	v4 =	vld [tilespmem:$0xCA80];
	v15 =	vsub.f32 v12, v7;
	v13 =	vsub.f32 v13, v9  }
0x35: {  	v5 =	vld [tilespmem:$0xCB80]  }
0x36: {  	v14 =	vsub.f32 v14, v6;
	v6 =	vld [tilespmem:$0xCC00];
	v12 =	vmul.f32 v15, v3;
	v16 =	vmul.f32 v13, v10  }
0x37: {  	v9 =	vld [tilespmem:$0xCC80]  }
0x38: {  	v20 =	vld [tilespmem:$0xCF80];
	v17 =	vmul.f32 v14, v11;
	v16 =	vadd.f32 v16, v12  }
0x39: {  	v7 =	vld [tilespmem:$0xCD00];
	v18 =	vmul.f32 v15, v2;
	v19 =	vmul.f32 v13, v8  }
0x3a: {  	v15 =	vmul.f32 v15, v1;
	v13 =	vmul.f32 v13, v4;
	v12 =	vld [tilespmem:$0xCD80];
	v16 =	vadd.f32 v17, v16  }
0x3b: {  	v17 =	vadd.f32 v19, v18;
	v18 =	vmul.f32 v14, v5;
	v19 =	vld [tilespmem:$0xD000]  }
0x3c: {  	v13 =	vadd.f32 v13, v15;
	v15 =	vld [tilespmem:$0xD080];
	v14 =	vmul.f32 v14, v6;
	v16 =	vadd.f32 v16, v9  }
0x3d: {  	v17 =	vadd.f32 v18, v17  }
0x3e: {  	v13 =	vadd.f32 v14, v13;
	v14 =	vadd.f32 v16, v16  }
0x3f: {  	(erf) = vrcp.f32 v20;
	v16 =	vadd.f32 v17, v7  }
0x40: {  	(erf) = vrcp.f32 v19;
	v14 =	vmul.f32 $1.442695020e+00, v14  }
0x41: {  	v13 =	vadd.f32 v13, v12;
	v16 =	vadd.f32 v16, v16;
	(erf) = vrcp.f32 v15  }
0x42: {  	(erf) = vpow2.f32 v14  }
0x43: {  	v13 =	vadd.f32 v13, v13;
	v15 =	vmul.f32 $1.442695020e+00, v16;
	_ =	sdelay $0x1  }
0x44: {  	v13 =	vmul.f32 $1.442695020e+00, v13;
	(erf) = vpow2.f32 v15;
	_ =	sdelay $0x1  }
0x45: {  	(erf) = vpow2.f32 v13  }
0x46: {  	v16 =	vpop (erf)  }
0x47: {  	v17 =	vpop (erf)  }
0x48: {  	v18 =	vpop (erf)  }
0x49: {  	v13 =	vpop (erf)  }
0x4a: {  	v13 =	vadd.f32 $1.000000000e+00, v13;
	_ =	sdelay $0x1  }
0x4b: {  	v14 =	vpop (erf);
	(erf) = vrcp.f32 v13  }
0x4c: {  	v14 =	vadd.f32 $1.000000000e+00, v14  }
0x4d: {  	v13 =	vpop (erf)  }
0x4e: {  	(erf) = vrcp.f32 v14;
	v13 =	vadd.f32 $1.000000000e+00, v13;
	_ =	sdelay $0x1  }
0x4f: {  	(erf) = vrcp.f32 v13;
	_ =	sdelay $0x3  }
0x50: {  	v13 =	vld [tilespmem:$0xCE00];
	v14 =	vpop (erf)  }
0x51: {  	v15 =	vadd.f32 v14, v14;
	_ =	sdelay $0x1  }
0x52: {  	v14 =	vld [tilespmem:$0xCE80];
	v19 =	vpop (erf);
	v20 =	vsub.f32 $1.000000000e+00, v15  }
0x53: {  	v19 =	vadd.f32 v19, v19  }
0x54: {  	v15 =	vld [tilespmem:$0xCF00];
	v21 =	vpop (erf);
	v20 =	vsub.f32 v20, v13  }
0x55: {  	v19 =	vsub.f32 $1.000000000e+00, v19;
	v21 =	vadd.f32 v21, v21  }
0x56: {  	v16 =	vmul.f32 $5.000000000e-01, v16  }
0x57: {  	v20 =	vmul.f32 v20, v20;
	v19 =	vsub.f32 v19, v14;
	v21 =	vsub.f32 $1.000000000e+00, v21  }
0x58: {  	v17 =	vmul.f32 $5.000000000e-01, v17  }
0x59: {  	v20 =	vmul.f32 v20, v16;
	v19 =	vmul.f32 v19, v19;
	v21 =	vsub.f32 v21, v15  }
0x5a: {  	v18 =	vmul.f32 $5.000000000e-01, v18  }
0x5b: {  	v20 =	vsub.f32 $0.0e+00, v20;
	v19 =	vmul.f32 v19, v17;
	v21 =	vmul.f32 v21, v21;
	_ =	sdelay $0x1  }
0x5c: {  	v19 =	vsub.f32 v20, v19;
	v20 =	vmul.f32 v21, v18;
	_ =	sdelay $0x1  }
0x5d: {  	v19 =	vsub.f32 v19, v20;
	_ =	sdelay $0x1  }
0x5e: {  	v19 =	vmul.f32 $1.442695020e+00, v19;
	_ =	sdelay $0x1  }
0x5f: {  	(erf) = vpow2.f32 v19;
	_ =	sdelay $0x4  }
0x60: {  	v19 =	vld [tilespmem:s17+$0x0];
	_ =	sdelay $0x2  }
0x61: {  	s31 =	simm.s32 $0x10  }
0x62: {  	v21 =	vmov s31;
	v20 =	vpop (erf)  }
0x63: {  	v19 =	vmul.f32 v20, v19;
	v20 =	vshrl.u32 v21, $0x5  }
0x64: {  	v20 =	vadd.s32 v0, v20  }
0x65: {  	s20 =	simm.s32 $0x7810;
	[tilespmem:s17+$0x0] =	vst v19;
	v20 =	vbroadcast v20, $0x0  }
0x66: {  	s21 =	simm.s32 $0x20;
	s19 =	simm.s32 $0xA000;
	v19 =	vld [tilespmem:s20+$0x0]  }
.LBB2_2:
0x67: {  	p0 =	sne.s32 s21, $0x27F0;
	_ =	sdelay $0x3  }
0x68: {  	v21 =	vld.idx.msk [tilespmem:v20+s13+$0x0], $0xffff  }
0x69: {  	v22 =	vld.idx.msk [tilespmem:v20+s2+$0x0], $0xffff  }
0x6a: {  	v20 =	vld.idx.msk [tilespmem:v20+s12+$0x0], $0xffff  }
0x6b: {  	v23 =	vld.idx.msk [tilespmem:v19+s2+$0x0], $0xffff  }
0x6c: {  	v24 =	vld.idx.msk [tilespmem:v19+s12+$0x0], $0xffff  }
0x6d: {  	v19 =	vld.idx.msk [tilespmem:v19+s13+$0x0], $0xffff;
	_ =	sdelay $0x4  }
0x6e: {  	v22 =	vsub.f32 v23, v22;
	v20 =	vsub.f32 v24, v20  }
0x6f: {  	v19 =	vsub.f32 v19, v21  }
0x70: {  	v21 =	vmul.f32 v22, v3;
	v23 =	vmul.f32 v20, v10  }
0x71: {  	v24 =	vmul.f32 v19, v11  }
0x72: {  	v25 =	vmul.f32 v20, v8;
	v21 =	vadd.f32 v23, v21;
	v23 =	vmul.f32 v22, v2  }
0x73: {  	v20 =	vmul.f32 v20, v4;
	v22 =	vmul.f32 v22, v1  }
0x74: {  	v21 =	vadd.f32 v24, v21;
	v23 =	vadd.f32 v25, v23;
	v24 =	vmul.f32 v19, v5  }
0x75: {  	v20 =	vadd.f32 v20, v22;
	v19 =	vmul.f32 v19, v6  }
0x76: {  	v21 =	vadd.f32 v21, v9;
	v22 =	vadd.f32 v24, v23  }
0x77: {  	v19 =	vadd.f32 v19, v20  }
0x78: {  	v20 =	vadd.f32 v21, v21;
	v21 =	vadd.f32 v22, v7  }
0x79: {  	v19 =	vadd.f32 v19, v12  }
0x7a: {  	v20 =	vmul.f32 $1.442695020e+00, v20;
	v21 =	vadd.f32 v21, v21  }
0x7b: {  	v19 =	vadd.f32 v19, v19  }
0x7c: {  	v21 =	vmul.f32 $1.442695020e+00, v21;
	(erf) = vpow2.f32 v20  }
0x7d: {  	v19 =	vmul.f32 $1.442695020e+00, v19  }
0x7e: {  	(erf) = vpow2.f32 v21  }
0x7f: {  	(erf) = vpow2.f32 v19;
	_ =	sdelay $0x5  }
0x80: {  	v19 =	vpop (erf)  }
0x81: {  	v21 =	vadd.f32 $1.000000000e+00, v19  }
0x82: {  	v20 =	vpop (erf)  }
0x83: {  	v20 =	vadd.f32 $1.000000000e+00, v20;
	(erf) = vrcp.f32 v21;
	v19 =	vpop (erf)  }
0x84: {  	v19 =	vadd.f32 $1.000000000e+00, v19  }
0x85: {  	(erf) = vrcp.f32 v20  }
0x86: {  	(erf) = vrcp.f32 v19;
	_ =	sdelay $0x5  }
0x87: {  	v19 =	vpop (erf)  }
0x88: {  	v19 =	vadd.f32 v19, v19  }
0x89: {  	v20 =	vpop (erf)  }
0x8a: {  	v19 =	vsub.f32 $1.000000000e+00, v19;
	v20 =	vadd.f32 v20, v20;
	v21 =	vpop (erf)  }
0x8b: {  	v21 =	vadd.f32 v21, v21  }
0x8c: {  	v19 =	vsub.f32 v19, v13;
	v20 =	vsub.f32 $1.000000000e+00, v20;
	_ =	sdelay $0x1  }
0x8d: {  	v21 =	vsub.f32 $1.000000000e+00, v21;
	v19 =	vmul.f32 v19, v19;
	v20 =	vsub.f32 v20, v14;
	_ =	sdelay $0x1  }
0x8e: {  	v21 =	vsub.f32 v21, v15;
	v19 =	vmul.f32 v19, v16;
	v20 =	vmul.f32 v20, v20;
	_ =	sdelay $0x1  }
0x8f: {  	v21 =	vmul.f32 v21, v21;
	v19 =	vsub.f32 $0.0e+00, v19;
	v20 =	vmul.f32 v20, v17;
	_ =	sdelay $0x1  }
0x90: {  	v19 =	vsub.f32 v19, v20;
	v20 =	vmul.f32 v21, v18;
	_ =	sdelay $0x1  }
0x91: {  	v19 =	vsub.f32 v19, v20;
	_ =	sdelay $0x1  }
0x92: {  	v19 =	vmul.f32 $1.442695020e+00, v19;
	_ =	sdelay $0x1  }
0x93: {  	(erf) = vpow2.f32 v19;
	_ =	sdelay $0x3  }
0x94: {  	s19 =	sadd.s32 $0x10, s19  }
0x95: {  	v19 =	vld [tilespmem:s19+$0x0];
	_ =	sdelay $0x3  }
.Ltmp0:
0x96: {  	v20 =	vmov s21;
	v21 =	vpop (erf);
	(pc) =	sbr.rel @p0 .LBB2_2-.Ltmp0, $4  }
0x97: {  	v20 =	vshrl.u32 v20, $0x5;
	v19 =	vmul.f32 v21, v19  }
0x98: {  	v20 =	vadd.s32 v0, v20  }
0x99: {  	s20 =	sadd.s32 $0x10, s20;
	v20 =	vbroadcast v20, $0x0;
	[tilespmem:s19+$0x0] =	vst v19  }
0x9a: {  	s21 =	sadd.s32 $0x10, s21;
	v19 =	vld [tilespmem:s20+$0x0]  }
0x9b: {  	_ =	sdelay $0x4  }
0x9c: {  	v21 =	vld.idx.msk [tilespmem:v20+s13+$0x0], $0xffff  }
0x9d: {  	v22 =	vld.idx.msk [tilespmem:v20+s2+$0x0], $0xffff  }
0x9e: {  	v61 =	vld.idx.msk [tilespmem:v20+s12+$0x0], $0xffff  }
0x9f: {  	v23 =	vld.idx.msk [tilespmem:v19+s2+$0x0], $0xffff  }
0xa0: {  	v24 =	vld.idx.msk [tilespmem:v19+s12+$0x0], $0xffff  }
0xa1: {  	v62 =	vld.idx.msk [tilespmem:v19+s13+$0x0], $0xffff;
	_ =	sdelay $0x3  }
0xa2: {  	v22 =	vsub.f32 v23, v22;
	v20 =	vsub.f32 v24, v61  }
0xa3: {  	v19 =	vsub.f32 v62, v21  }
0xa4: {  	v3 =	vmul.f32 v22, v3;
	v10 =	vmul.f32 v20, v10  }
0xa5: {  	v11 =	vmul.f32 v19, v11  }
0xa6: {  	v2 =	vmul.f32 v22, v2;
	v8 =	vmul.f32 v20, v8;
	v3 =	vadd.f32 v10, v3;
	_ =	sdelay $0x1  }
0xa7: {  	v5 =	vmul.f32 v19, v5;
	v2 =	vadd.f32 v8, v2;
	v3 =	vadd.f32 v11, v3  }
0xa8: {  	v1 =	vmul.f32 v22, v1;
	v4 =	vmul.f32 v20, v4  }
0xa9: {  	v2 =	vadd.f32 v5, v2;
	v3 =	vadd.f32 v3, v9  }
0xaa: {  	v63 =	vmul.f32 v19, v6;
	v1 =	vadd.f32 v4, v1  }
0xab: {  	v2 =	vadd.f32 v2, v7;
	v3 =	vadd.f32 v3, v3  }
0xac: {  	v1 =	vadd.f32 v63, v1  }
0xad: {  	v2 =	vadd.f32 v2, v2;
	v3 =	vmul.f32 $1.442695020e+00, v3  }
0xae: {  	v1 =	vadd.f32 v1, v12  }
0xaf: {  	v2 =	vmul.f32 $1.442695020e+00, v2;
	(erf) = vpow2.f32 v3  }
0xb0: {  	v1 =	vadd.f32 v1, v1  }
0xb1: {  	(erf) = vpow2.f32 v2  }
0xb2: {  	v1 =	vmul.f32 $1.442695020e+00, v1;
	_ =	sdelay $0x1  }
0xb3: {  	(erf) = vpow2.f32 v1;
	_ =	sdelay $0x3  }
0xb4: {  	v1 =	vpop (erf)  }
0xb5: {  	v1 =	vadd.f32 $1.000000000e+00, v1  }
0xb6: {  	v2 =	vpop (erf)  }
0xb7: {  	v2 =	vadd.f32 $1.000000000e+00, v2  }
0xb8: {  	(erf) = vrcp.f32 v1  }
0xb9: {  	(erf) = vrcp.f32 v2;
	v1 =	vpop (erf)  }
0xba: {  	v1 =	vadd.f32 $1.000000000e+00, v1;
	_ =	sdelay $0x1  }
0xbb: {  	(erf) = vrcp.f32 v1;
	_ =	sdelay $0x4  }
0xbc: {  	v1 =	vpop (erf)  }
0xbd: {  	v1 =	vadd.f32 v1, v1;
	v2 =	vpop (erf)  }
0xbe: {  	v2 =	vadd.f32 v2, v2  }
0xbf: {  	v1 =	vsub.f32 $1.000000000e+00, v1  }
0xc0: {  	v2 =	vsub.f32 $1.000000000e+00, v2;
	v3 =	vpop (erf)  }
0xc1: {  	v1 =	vsub.f32 v1, v13;
	v3 =	vadd.f32 v3, v3;
	_ =	sdelay $0x1  }
0xc2: {  	v2 =	vsub.f32 v2, v14;
	v1 =	vmul.f32 v1, v1;
	v3 =	vsub.f32 $1.000000000e+00, v3;
	_ =	sdelay $0x1  }
0xc3: {  	v2 =	vmul.f32 v2, v2;
	v1 =	vmul.f32 v1, v16;
	v3 =	vsub.f32 v3, v15;
	_ =	sdelay $0x1  }
0xc4: {  	v2 =	vmul.f32 v2, v17;
	v1 =	vsub.f32 $0.0e+00, v1;
	v3 =	vmul.f32 v3, v3;
	_ =	sdelay $0x1  }
0xc5: {  	v1 =	vsub.f32 v1, v2;
	v2 =	vmul.f32 v3, v18;
	_ =	sdelay $0x1  }
0xc6: {  	v1 =	vsub.f32 v1, v2;
	_ =	sdelay $0x1  }
0xc7: {  	v1 =	vmul.f32 $1.442695020e+00, v1;
	_ =	sdelay $0x1  }
0xc8: {  	(erf) = vpow2.f32 v1;
	_ =	sdelay $0x3  }
0xc9: {  	s19 =	sadd.s32 $0x10, s19  }
0xca: {  	v1 =	vld [tilespmem:s19+$0x0];
	_ =	sdelay $0x3  }
0xcb: {  	v2 =	vpop (erf)  }
0xcc: {  	s18 =	sadd.s32 $0x1, s18;
	v1 =	vmul.f32 v2, v1  }
0xcd: {  	p0 =	sne.s32 s18, s10  }
.Ltmp1:
0xce: {  	[tilespmem:s19+$0x0] =	vst v1;
	(pc) =	sbr.rel @p0 .LBB2_1-.Ltmp1, $4  }
0xcf: {  	[hbm4b:s9+s14] =	stream.strided.scatter [tilespmem:s17], [sflag:$0x1], $0x2800, s15, s14, $0x38;
	[tilespmem:$0xD400] =	vst v63  }
0xd0: {  	_ =	swait.ge [sflag:s11], $0x2800  }
0xd1: {  	[sflag:s11] =	ssyncset.done $0x0  }
0xd2: {  	[sflag:s11] =	ssyncadd.s32 $0xFFFFD800  }
0xd3: {  	_ =	sfence.sel $0x180000  }
0xd4: {  	[bflag:$0x0] =	sbarrier.arrive $0xFFFF  }
0xd5: {  	p0 =	sne.s32 s1, $0x0;
	_ =	strace $0x90000047  }
0xd6: {  	s0 =	sadd.s32 @!p0 $0x100000, s0;
	[bflag:$0x2] =	sbarrier.arrive $0xFFFF  }
0xd7: {  	[sflag:s0] =	ssyncadd.tile.s32 @!p0 $0x1;
	_ =	shalt  }
.Lfunc_end2:
_tile_overlayer_lowered:
.L_overlay_start_2:
0xd8: {  	(tag) =	ssettag $0x2  }
0xd9: {  	s0 =	rddreg [dreg:$0x0];
	s2 =	stileid.u32  }
0xda: {  	s1 =	rddreg [dreg:$0x1];
	p0 =	sne.s32 s2, $0x0  }
0xdb: {  	s3 =	rddreg [dreg:$0x2];
	[bflag:$0x3] =	sbarrier.arrive $0xFFFF;
	s2 =	simm.s32 @!p0 $0x1C01  }
0xdc: {  	[timem:s3], [sflag:s2] =	dma.local @!p0 [hbm:s0], s1  }
0xdd: {  	s0 =	simm.s32 @!p0 $0x1  }
0xde: {  	_ =	swait.ge @!p0 [sflag:s0], s1  }
0xdf: {  	s1 =	ssub.s32 @!p0 $0x0, s1;
	[sflag:s0] =	ssyncset.done @!p0 $0x0  }
0xe0: {  	[sflag:s0] =	ssyncadd.s32 @!p0 s1  }
0xe1: {  	[bflag:$0x3] =	sbarrier.arrive $0xFFFF  }
0xe2: {  	_ =	shalt  }

// kernel: kernel.8.cloned.1.call-start
scs
__scs_entry_jumppad:
0x0: {  	(pc) =	sbr.rel $0x88, $3  }
0x1: {  	(tag) =	ssettag $0x0;
	lr =	simm.s32 $0x1  }
0x2: {  	[smem:$0x3F98] =	sst lr;
	_ =	strace $0xD0000000  }
0x3: {  	_ = 	snop  }
0x4: {  	_ = 	snop  }
0x5: {  	_ = 	snop  }
0x6: {  	_ = 	snop  }
0x7: {  	_ = 	snop  }
__scs_overlays_trampoline_lowered:
0x8: {  	[smem:$0x3FA7] =	sst s0  }
0x9: {  	[smem:$0x3FA8] =	sst s1  }
0xa: {  	[smem:$0x3FA9] =	sst s2  }
0xb: {  	[smem:$0x3FAA] =	sst s3  }
0xc: {  	[smem:$0x3FAB] =	sst s4  }
0xd: {  	[smem:$0x3FAC] =	sst s5  }
0xe: {  	[smem:$0x3FAD] =	sst s6  }
0xf: {  	[smem:$0x3FAE] =	sst s7  }
0x10: {  	[smem:$0x3FAF] =	sst s8  }
0x11: {  	[smem:$0x3FB0] =	sst s9;
	s0 =	simm.s32 @!p0 $0x0  }
0x12: {  	s1 =	sld [smem:$0x3F96];
	s0 =	simm.s32 @p0 $0x1  }
0x13: {  	[smem:$0x3FB1] =	sst s0;
	s0 =	simm.s32 @!p1 $0x0  }
0x14: {  	s2 =	sld [smem:$0x3F95];
	s0 =	simm.s32 @p1 $0x1  }
0x15: {  	[smem:$0x3FB2] =	sst s0;
	s0 =	simm.s32 @!p2 $0x0  }
0x16: {  	s3 =	sld [smem:$0x3FDB];
	s0 =	simm.s32 @p2 $0x1  }
0x17: {  	s4 =	simm.s32 $0x1BF5;
	[smem:$0x3FB4] =	sst s0  }
0x18: {  	s0 =	sld [smem:$0x3F97];
	_ =	swait.ge [sflag:s4], $0x0  }
0x19: {  	s7 =	sld [smem:$0x3F98]  }
0x1a: {  	s8 =	sadd.s32 $0xFFFFE003, lr  }
0x1b: {  	s9 =	sadd.s32 $0xFFFFFEF7, lr;
	s5 =	simm.s32 $0xFFFFFFFF;
	p2 =	slt.u32 s8, $0xFFFFF086  }
0x1c: {  	p1 =	slt.u32 s9, $0xF7A;
	s5 =	simm.s32 @!p2 $0x0  }
0x1d: {  	s5 =	simm.s32 @p1 $0x1;
	p0 =	seq.s32 s7, s2  }
0x1e: {  	s7 =	smul.u32 @!p0 $0xF7A, s2;
	p2 =	seq.s32 @!p0 s5, $0x0  }
0x1f: {  	s9 =	smul.u32 $0xF7A, s1;
	s8 =	simm.s32 @!p0 $0x1BF5;
	p2 =	por !p2, p0  }
0x20: {  	[sflag:s8] =	ssyncset.s32 @!p0 $0xFFFFF086;
	s6 =	sadd.s32 @!p0 s3, s7;
	s7 =	simm.s32 @!p0 $0x108  }
0x21: {  	s3 =	sadd.s32 s3, s9;
	s6 =	sadd.s32 @!p0 $0x88, s6;
	s7 =	simm.s32 @p2 $0x1082  }
0x22: {  	[simem:s7], [sflag:s8] =	dma.local @!p0 [hbm:s6], $0xF7A  }
0x23: {  	s9 =	sor.u32 $0xD0000000, s2;
	s6 =	simm.s32 $0x108;
	_ =	swait.ge @!p0 [sflag:s8], $0x0  }
0x24: {  	s3 =	sadd.s32 $0x88, s3;
	s6 =	simm.s32 @!p1 $0x1082;
	[sflag:s4] =	ssyncset.s32 $0xFFFFF086  }
0x25: {  	[simem:s6], [sflag:s4] =	dma.local [hbm:s3], $0xF7A  }
0x26: {  	[smem:$0x3F98] =	sst s1;
	(tag) =	ssettag s2;
	_ =	strace s9  }
0x27: {  	s1 =	sld [smem:$0x3FA8]  }
0x28: {  	s2 =	sld [smem:$0x3FA9]  }
0x29: {  	s4 =	sld [smem:$0x3FAB]  }
0x2a: {  	p0 =	seq.s32 s5, $0x0;
	s5 =	sld [smem:$0x3FAC]  }
0x2b: {  	s6 =	sld [smem:$0x3FAD]  }
0x2c: {  	s7 =	sld [smem:$0x3FAE]  }
0x2d: {  	s3 =	simm.s32 $0x108;
	s8 =	sld [smem:$0x3FAF]  }
0x2e: {  	s3 =	simm.s32 @!p0 $0x1082;
	s9 =	sld [smem:$0x3FB0]  }
0x2f: {  	lr =	sadd.s32 s0, s3;
	s0 =	sld [smem:$0x3FA7]  }
0x30: {  	s3 =	sld [smem:$0x3FAA]  }
0x31: {  	[smem:$0x3FB3] =	sst s10  }
0x32: {  	s10 =	sld [smem:$0x3FB1];
	_ =	sdelay $0x3  }
0x33: {  	p0 =	seq.s32 s10, $0x1;
	s10 =	sld [smem:$0x3FB3];
	_ =	sdelay $0x3  }
0x34: {  	[smem:$0x3FB3] =	sst s10  }
0x35: {  	s10 =	sld [smem:$0x3FB2];
	_ =	sdelay $0x3  }
0x36: {  	p1 =	seq.s32 s10, $0x1;
	s10 =	sld [smem:$0x3FB3];
	_ =	sdelay $0x3  }
0x37: {  	[smem:$0x3FB3] =	sst s10  }
0x38: {  	s10 =	sld [smem:$0x3FB4]  }
0x39: {  	_ = 	snop;
	(pc) =	sbr.ind lr, $3  }
0x3a: {  	_ = 	snop  }
0x3b: {  	_ = 	snop  }
0x3c: {  	p2 =	seq.s32 s10, $0x1;
	s10 =	sld [smem:$0x3FB3]  }
0x3d: {  	_ =	shalt  }
0x3e: {  	_ =	shalt  }
0x3f: {  	_ =	shalt  }
0x40: {  	_ =	shalt  }
0x41: {  	_ =	shalt  }
0x42: {  	_ =	shalt  }
0x43: {  	_ =	shalt  }
0x44: {  	_ =	shalt  }
0x45: {  	_ =	shalt  }
0x46: {  	_ =	shalt  }
0x47: {  	_ =	shalt  }
0x48: {  	_ =	shalt  }
0x49: {  	_ =	shalt  }
0x4a: {  	_ =	shalt  }
0x4b: {  	_ =	shalt  }
0x4c: {  	_ =	shalt  }
0x4d: {  	_ =	shalt  }
0x4e: {  	_ =	shalt  }
0x4f: {  	_ =	shalt  }
0x50: {  	_ =	shalt  }
0x51: {  	_ =	shalt  }
0x52: {  	_ =	shalt  }
0x53: {  	_ =	shalt  }
0x54: {  	_ =	shalt  }
0x55: {  	_ =	shalt  }
0x56: {  	_ =	shalt  }
0x57: {  	_ =	shalt  }
0x58: {  	_ =	shalt  }
0x59: {  	_ =	shalt  }
0x5a: {  	_ =	shalt  }
0x5b: {  	_ =	shalt  }
0x5c: {  	_ =	shalt  }
0x5d: {  	_ =	shalt  }
0x5e: {  	_ =	shalt  }
0x5f: {  	_ =	shalt  }
0x60: {  	_ =	shalt  }
0x61: {  	_ =	shalt  }
0x62: {  	_ =	shalt  }
0x63: {  	_ =	shalt  }
0x64: {  	_ =	shalt  }
0x65: {  	_ =	shalt  }
0x66: {  	_ =	shalt  }
0x67: {  	_ =	shalt  }
0x68: {  	_ =	shalt  }
0x69: {  	_ =	shalt  }
0x6a: {  	_ =	shalt  }
0x6b: {  	_ =	shalt  }
0x6c: {  	_ =	shalt  }
0x6d: {  	_ =	shalt  }
0x6e: {  	_ =	shalt  }
0x6f: {  	_ =	shalt  }
0x70: {  	_ =	shalt  }
0x71: {  	_ =	shalt  }
0x72: {  	_ =	shalt  }
0x73: {  	_ =	shalt  }
0x74: {  	_ =	shalt  }
0x75: {  	_ =	shalt  }
0x76: {  	_ =	shalt  }
0x77: {  	_ =	shalt  }
0x78: {  	_ =	shalt  }
0x79: {  	_ =	shalt  }
0x7a: {  	_ =	shalt  }
0x7b: {  	_ =	shalt  }
0x7c: {  	_ =	shalt  }
0x7d: {  	_ =	shalt  }
0x7e: {  	_ =	shalt  }
0x7f: {  	_ =	shalt  }
0x80: {  	_ =	shalt  }
0x81: {  	_ =	shalt  }
0x82: {  	_ =	shalt  }
0x83: {  	_ =	shalt  }
0x84: {  	_ =	shalt  }
0x85: {  	_ =	shalt  }
0x86: {  	_ =	shalt  }
0x87: {  	_ =	shalt  }
.Lfunc_end0:
.L_simem_size_0:
called_computation.1_lowered:
.L_overlay_start_0:
0x88: {  	s2 =	sld [smem:$0x3FD9]  }
0x89: {  	s3 =	sld [smem:$0x3FFE];
	_ =	sdelay $0x1  }
0x8a: {  	s1 =	srdreg.scid  }
0x8b: {  	s0 =	sand.u32 $0x1, s1  }
0x8c: {  	s17 =	sshll.u32 s0, $0xA;
	s2 =	sadd.s32 s3, s2  }
0x8d: {  	s2 =	sadd.s32 s2, s17  }
0x8e: {  	[smem:$0x3FBF] =	sst s2  }
0x8f: {  	_ = 	snop  }
0x90: {  	s2 =	sld [smem:$0x3FC1]  }
0x91: {  	s18 =	sld [smem:$0x3FD0];
	(tm) =	ssettm $0x1  }
0x92: {  	s4 =	sld [smem:$0x3FFB];
	_ =	sdelay $0x3  }
0x93: {  	_ =	strace s4  }
0x94: {  	s4 =	sld [smem:$0x3FFC];
	_ =	sdelay $0x3  }
0x95: {  	_ =	strace s4  }
0x96: {  	s4 =	sld [smem:$0x3FFD];
	_ =	sdelay $0x3  }
0x97: {  	_ =	strace s4  }
0x98: {  	_ =	strace $0x8FFFFFFF  }
0x99: {  	s19 =	sld [smem:$0x3FDB];
	_ =	sdelay $0x1  }
0x9a: {  	s5 =	simm.s32 $_scs_section_size  }
0x9b: {  	s6 =	simm.s32 $_size__tile_overlayer_lowered;
	s7 =	simm.s32 $_tile_overlayer_lowered  }
0x9c: {  	s22 =	simm.s32 $0x1BFF;
	s21 =	sshll.u32 s7, $0x1;
	s4 =	sadd.s32 s5, s19  }
0x9d: {  	s8 =	simm.s32 $0x0;
	s20 =	sshll.u32 s6, $0x1;
	s6 =	sadd.s32 s21, s4  }
0x9e: {  	[timem:s8], [sflag:s22] =	dma.local [hbm:s6], s20  }
0x9f: {  	_ =	swait.ge [sflag:s22], s20  }
0xa0: {  	s5 =	ssub.s32 $0x0, s20;
	[sflag:s22] =	ssyncset.done $0x0  }
0xa1: {  	[sflag:s22] =	ssyncadd.s32 s5;
	_ =	sdelay $0x1  }
0xa2: {  	s23 =	simm.s32 $0x1B8B  }
0xa3: {  	_ =	swait.ge [sflag:s23], $0x1  }
0xa4: {  	[sflag:s23] =	ssyncset.done $0x0  }
0xa5: {  	s25 =	simm.s32 $0x1B8E;
	s24 =	sld [smem:$0x3FFE];
	[sflag:s23] =	ssyncadd.s32 $0xFFFFFFFF  }
0xa6: {  	s26 =	simm.s32 $execute0_lowered;
	[smem:$0x3FD2] =	sst s25  }
0xa7: {  	s6 =	sshll.u32 s26, $0x1;
	_ =	strace $0x80000049;
	[dreg:$0x1] =	wrdreg $0xFFFFFFFF  }
0xa8: {  	s28 =	simm.s32 $_size_execute0_lowered;
	s4 =	sadd.s32 s4, s6;
	[dreg:$0x0] =	wrdreg $0x0  }
0xa9: {  	s6 =	sshll.u32 s28, $0x1;
	[dreg:$0x2] =	wrdreg s4  }
0xaa: {  	[dreg:$0x3] =	wrdreg s6  }
0xab: {  	[dreg:$0x4] =	wrdreg $0xC0  }
0xac: {  	_ =	task [dreg:s8], $0x5FFFF  }
0xad: {  	[dreg:$0x1] =	wrdreg $0xFFFFFFFF  }
0xae: {  	[dreg:$0x0] =	wrdreg $0x60  }
0xaf: {  	[dreg:$0x2] =	wrdreg s24  }
0xb0: {  	[dreg:$0x3] =	wrdreg s18  }
0xb1: {  	[dreg:$0x4] =	wrdreg s2  }
0xb2: {  	[dreg:$0x5] =	wrdreg $0xBA800  }
0xb3: {  	[dreg:$0x6] =	wrdreg $0x9  }
0xb4: {  	_ =	task.clear_ibuf [dreg:s8], $0x7FFFF;
	_ =	strace $0x90000049  }
0xb5: {  	s29 =	simm.s32 $0x9;
	_ =	strace $0x8000004B  }
0xb6: {  	_ =	swait.ge [sflag:s29], $0x1  }
0xb7: {  	[sflag:s29] =	ssyncadd.s32 $0xFFFFFFFF  }
0xb8: {  	_ =	strace $0x9000004B  }
0xb9: {  	_ =	sfence  }
0xba: {  	s30 =	sld [smem:$0x0];
	_ =	sdelay $0x2  }
0xbb: {  	s31 =	sshll.u32 s1, $0xD;
	s1 =	sshrl.u32 s1, $0x2  }
0xbc: {  	s3 =	sand.u32 $0x4000, s31;
	s1 =	sadd.s32 s1, s30  }
0xbd: {  	s0 =	sor.u32 s3, s0;
	s1 =	sshll.u32 s1, $0x11  }
0xbe: {  	s0 =	sor.u32 s1, s0  }
0xbf: {  	s0 =	sadd.s32 $0x8F2B, s0  }
0xc0: {  	[sflag:s0] =	ssyncadd.remote.s32 $0x1  }
0xc1: {  	_ =	sfence.sel $0xFFFF  }
0xc2: {  	[dreg:$0x0] =	wrdreg $0xFFFFFFFF;
	(pc) =	sbr.abs _section_cstart, $3  }
0xc3: {  	[dreg:$0x1] =	wrdreg $0xFFFFFFFF  }
0xc4: {  	_ =	task.clear_ibuf [dreg:s8], $0x2FFFF;
	_ =	strace $0x9FFFFFFF  }
0xc5: {  	(tm) =	ssettm $0x7FFFFFFF  }
tec
execute0_lowered:
.L_overlay_start_1:
0x0: {  	(tag) =	ssettag $0x1  }
0x1: {  	s5 =	rddreg [dreg:$0x0]  }
0x2: {  	s8 =	rddreg [dreg:$0x1]  }
0x3: {  	s1 =	srdreg.scid;
	s2 =	rddreg [dreg:$0x2]  }
0x4: {  	s0 =	stileid.u32;
	s3 =	rddreg [dreg:$0x3];
	s4 =	simm.s32 $0x0  }
0x5: {  	s14 =	simm.s32 $0x5000;
	s15 =	simm.s32 $0xBA00;
	s18 =	simm.s32 $0x40  }
0x6: {  	s19 =	simm.s32 $0x7800;
	s20 =	simm.s32 $0x9800;
	s21 =	simm.s32 $0x1  }
0x7: {  	s22 =	simm.s32 $0x2;
	s23 =	simm.s32 $0xB800;
	s24 =	simm.s32 $0x0  }
0x8: {  	s6 =	sand.u32 $0x1, s1;
	s30 =	sshll.u32 s0, $0x1;
	s31 =	smul.u32 $0x50000, s0  }
0x9: {  	s10 =	sshrl.u32 s0, $0x2;
	[smem:$0x7FF] =	sst s4;
	s13 =	smul.u32 $0x2800, s0  }
0xa: {  	s16 =	sshll.u32 s0, $0x6;
	s9 =	sor.u32 s6, s30;
	s10 =	smul.u32 $0x14000, s10  }
0xb: {  	_ =	strace $0x8000004A;
	s6 =	ssub.s32 $0x2, s6;
	s16 =	sor.u32 $0x1C03, s16  }
0xc: {  	s7 =	smul.u32 $0xA00, s9;
	s11 =	sshll.u32 s9, $0x7;
	s12 =	sshrl.u32 s6, $0x1  }
0xd: {  	s8 =	sadd.s32 s8, s13;
	s9 =	smul.u32 $0xA000, s9;
	s11 =	sand.u32 $0x380, s11  }
0xe: {  	s13 =	simm.s32 $0x400;
	s12 =	ssub.s32 s6, s12;
	s10 =	sor.u32 s10, s11  }
0xf: {  	s7 =	sadd.s32 s7, s5;
	s11 =	sshrl.u32 s31, $0x2;
	s10 =	sshrl.u32 s10, $0x3  }
0x10: {  	s6 =	sadd.s32 $0x20A00, s7;
	s17 =	sadd.s32 s11, s3;
	s11 =	simm.s32 $0x3  }
0x11: {  	s10 =	sadd.s32 s10, s5;
	s5 =	sadd.s32 $0x34A00, s5;
	s17 =	sshrl.u32 s17, $0x3  }
0x12: {  	s7 =	sadd.s32 $0x16A00, s10;
	s10 =	smax.u32 s12, $0x1;
	s12 =	simm.s32 $0x80  }
.LBB2_1:
0x13: {  	[tilespmem:s4], [sflag:$0x3] =	stream.linear.gather [hbm4b:s6+s4], $0x5000, $0x38;
	[tilespmem:$0x1FA80] =	vst v63  }
0x14: {  	_ =	swait.ge [sflag:s11], $0x5000  }
0x15: {  	[sflag:s11] =	ssyncset.done $0x0  }
0x16: {  	[sflag:s11] =	ssyncadd.s32 $0xFFFFB000  }
0x17: {  	[tilespmem:s14], [sflag:$0x3] =	stream.strided.gather [hbm4b:s7+s12], $0x2800, s13, s12, $0x38;
	[tilespmem:$0x1FA80] =	vst v63  }
0x18: {  	_ =	swait.ge [sflag:s11], $0x2800  }
0x19: {  	[sflag:s11] =	ssyncset.done $0x0  }
0x1a: {  	[sflag:s11] =	ssyncadd.s32 $0xFFFFD800  }
0x1b: {  	[tilespmem:s15], [sflag:$0x3] =	stream.linear.gather [hbm4b:s2+s4], $0x80, $0x38;
	[tilespmem:$0x1FA80] =	vst v63  }
0x1c: {  	_ =	swait.ge [sflag:s11], $0x80  }
0x1d: {  	[sflag:s11] =	ssyncset.done $0x0  }
0x1e: {  	[sflag:s11] =	ssyncadd.s32 $0xFFFFFF80  }
0x1f: {  	[spmem:s17], [sflag:s16] =	dma.local [hbm:s8], $0x2800  }
0x20: {  	_ =	swait.ge [sflag:s11], $0x2800  }
0x21: {  	[sflag:s11] =	ssyncset.done $0x0  }
0x22: {  	[sflag:s11] =	ssyncadd.s32 $0xFFFFD800  }
0x23: {  	[bflag:$0x0] =	sbarrier.arrive $0xFFFF  }
0x24: {  	[tilespmem:s19], [sflag:$0x1] =	stream.indirect.gather [spmem:s3], $0x80, s4, s18, $0xb8;
	[tilespmem:$0x1FA80] =	vst v63  }
0x25: {  	_ = 	snop  }
0x26: {  	[tilespmem:s20], [sflag:$0x2] =	stream.indirect.gather [spmem:s3], $0x80, s12, s18, $0xb8;
	[tilespmem:$0x1FA80] =	vst v63  }
0x27: {  	v0 =	vld [tilespmem:$0xBA00]  }
0x28: {  	v1 =	vld [tilespmem:$0xBA10]  }
0x29: {  	v2 =	vld [tilespmem:$0xBA20]  }
0x2a: {  	v3 =	vld [tilespmem:$0xBA30]  }
0x2b: {  	v4 =	vld [tilespmem:$0xBA40]  }
0x2c: {  	v5 =	vld [tilespmem:$0xBA50]  }
0x2d: {  	v6 =	vld [tilespmem:$0xBA60]  }
0x2e: {  	s25 =	simm.s32 $0x0;
	s26 =	simm.s32 $0x0;
	v7 =	vld [tilespmem:$0xBA70]  }
.LBB2_2:
0x2f: {  	_ =	swait.ge [sflag:s21], $0x2000  }
0x30: {  	[sflag:s21] =	ssyncset.done $0x0  }
0x31: {  	s28 =	simm.s32 $0x7900;
	[sflag:s21] =	ssyncadd.s32 $0xFFFFE000  }
0x32: {  	v9 =	vld [tilespmem:s28+$0x80]  }
0x33: {  	v10 =	vld [tilespmem:s28+$0x90]  }
0x34: {  	v11 =	vld [tilespmem:s28+$0xA0]  }
0x35: {  	v12 =	vld [tilespmem:s28+$0xB0]  }
0x36: {  	s29 =	sadd.s32 $0x0, s25;
	v25 =	vld [tilespmem:s28+$0xC0]  }
0x37: {  	v8 =	vmov s29;
	v26 =	vld [tilespmem:s28+$0xD0]  }
0x38: {  	s30 =	sadd.s32 $0x3, s29;
	v8 =	vand.u32 $0xFFFFFFFC, v8;
	v22 =	vld [tilespmem:s28+$0x0]  }
0x39: {  	v13 =	vmov s30;
	v23 =	vld [tilespmem:s28+$0x10];
	v14 =	vbroadcast v8, $0x0  }
0x3a: {  	v24 =	vld [tilespmem:s28+$0xFFFFFF80]  }
0x3b: {  	s31 =	sadd.s32 $0x2, s29;
	v29 =	vld [tilespmem:s28+$0xFFFFFF00]  }
0x3c: {  	v30 =	vld [tilespmem:s28+$0xFFFFFF10];
	v8 =	vmov s31  }
0x3d: {  	s29 =	sadd.s32 $0x1, s29;
	v31 =	vld [tilespmem:s28+$0xFFFFFF20];
	v15 =	vand.u32 $0xFFFFFFFE, v8  }
0x3e: {  	v8 =	vld.idx.msk [tilespmem:v13+s14+$0x0], $0xffff;
	v13 =	vbroadcast v15, $0x0;
	v15 =	vmov s29  }
0x3f: {  	v27 =	vld.idx.msk [tilespmem:v14+s14+$0x0], $0xffff;
	v14 =	vand.u32 $0xFFFFFFFD, v15  }
0x40: {  	v32 =	vld [tilespmem:s28+$0xFFFFFF30];
	v36 =	vbroadcast v14, $0x0  }
0x41: {  	v33 =	vld [tilespmem:s28+$0xFFFFFF40]  }
0x42: {  	v34 =	vld [tilespmem:s28+$0xFFFFFF50]  }
0x43: {  	v35 =	vld [tilespmem:s28+$0xFFFFFF60];
	v20 =	vmul.f32 v9, v8;
	v21 =	vmul.f32 v10, v8  }
0x44: {  	v17 =	vmovc v0;
	v16 =	vmovc v1;
	v28 =	vld [tilespmem:s28+$0xFFFFFF70];
	v15 =	vmov v3;
	v19 =	vmul.f32 v11, v8;
	v18 =	vmul.f32 v12, v8  }
0x45: {  	s29 =	simm.s32 $0x4;
	v14 =	vmovc v2;
	v12 =	vmovc v4;
	v11 =	vmov v5;
	v10 =	vmov v6;
	v9 =	vmov v7;
	v13 =	vld.idx.msk [tilespmem:v13+s14+$0x0], $0xffff  }
.LBB2_3:
0x46: {  	p0 =	sne.s32 s29, $0x1C;
	v36 =	vld.idx.msk [tilespmem:v36+s14+$0x0], $0xffff;
	v37 =	vmul.f32 v25, v8;
	v38 =	vmul.f32 v26, v8  }
0x47: {  	v25 =	vmul.f32 v29, v27;
	v26 =	vmul.f32 v30, v27;
	v29 =	vld [tilespmem:s28+$0xFFFFFF90]  }
0x48: {  	v30 =	vmul.f32 v31, v27;
	v31 =	vmul.f32 v32, v27;
	v32 =	vld [tilespmem:s28+$0xFFFFFFA0]  }
0x49: {  	v33 =	vmul.f32 v33, v27;
	v34 =	vmul.f32 v34, v27;
	v39 =	vld [tilespmem:s28+$0xFFFFFFB0]  }
0x4a: {  	v35 =	vmul.f32 v35, v27;
	v27 =	vmul.f32 v28, v27;
	v28 =	vld [tilespmem:s28+$0x20]  }
0x4b: {  	v22 =	vmul.f32 v22, v13;
	v23 =	vmul.f32 v23, v13;
	v40 =	vld [tilespmem:s28+$0x30]  }
0x4c: {  	v24 =	vmul.f32 v24, v36;
	v29 =	vmul.f32 v29, v36;
	v41 =	vld [tilespmem:s28+$0x40]  }
0x4d: {  	v17 =	vadd.f32 v25, v17;
	v16 =	vadd.f32 v26, v16;
	v25 =	vmul.f32 v32, v36;
	v26 =	vld [tilespmem:s28+$0x50]  }
0x4e: {  	v14 =	vadd.f32 v30, v14;
	v15 =	vadd.f32 v31, v15;
	v30 =	vmul.f32 v39, v36;
	v31 =	vld [tilespmem:s28+$0xFFFFFFC0]  }
0x4f: {  	v17 =	vadd.f32 v24, v17;
	v16 =	vadd.f32 v29, v16;
	v24 =	vld [tilespmem:s28+$0xFFFFFFD0];
	v28 =	vmul.f32 v28, v13  }
0x50: {  	v14 =	vadd.f32 v25, v14;
	v15 =	vadd.f32 v30, v15;
	v25 =	vld [tilespmem:s28+$0xFFFFFFE0];
	v29 =	vmul.f32 v40, v13  }
0x51: {  	v17 =	vadd.f32 v22, v17;
	v16 =	vadd.f32 v23, v16;
	v30 =	vld [tilespmem:s28+$0xFFFFFFF0];
	v22 =	vmul.f32 v41, v13  }
0x52: {  	v14 =	vadd.f32 v28, v14;
	v15 =	vadd.f32 v29, v15;
	v23 =	vmul.f32 v26, v13;
	v26 =	vld [tilespmem:s28+$0x60]  }
0x53: {  	v17 =	vadd.f32 v20, v17;
	v16 =	vadd.f32 v21, v16;
	v28 =	vmul.f32 v31, v36;
	v29 =	vld [tilespmem:s28+$0x70]  }
0x54: {  	v14 =	vadd.f32 v19, v14;
	v20 =	vmul.f32 v24, v36;
	v15 =	vadd.f32 v18, v15;
	v18 =	vld [tilespmem:s28+$0xE0]  }
0x55: {  	v12 =	vadd.f32 v33, v12;
	v11 =	vadd.f32 v34, v11;
	v19 =	vmul.f32 v25, v36;
	v21 =	vld [tilespmem:s28+$0xF0];
	s28 =	sadd.s32 $0x200, s28  }
0x56: {  	v10 =	vadd.f32 v35, v10;
	v9 =	vadd.f32 v27, v9;
	v39 =	vld [tilespmem:s28+$0x80];
	v24 =	vmul.f32 v30, v36  }
0x57: {  	v12 =	vadd.f32 v28, v12;
	v11 =	vadd.f32 v20, v11;
	v40 =	vld [tilespmem:s28+$0x90];
	v20 =	vmul.f32 v26, v13  }
0x58: {  	v10 =	vadd.f32 v19, v10;
	v41 =	vld [tilespmem:s28+$0xA0];
	v9 =	vadd.f32 v24, v9;
	v13 =	vmul.f32 v29, v13  }
0x59: {  	v12 =	vadd.f32 v22, v12;
	v11 =	vadd.f32 v23, v11;
	v42 =	vld [tilespmem:s28+$0xB0];
	v18 =	vmul.f32 v18, v8  }
0x5a: {  	v10 =	vadd.f32 v20, v10;
	v25 =	vld [tilespmem:s28+$0xC0];
	v9 =	vadd.f32 v13, v9;
	v8 =	vmul.f32 v21, v8  }
0x5b: {  	s30 =	sadd.s32 s29, s25;
	v12 =	vadd.f32 v37, v12;
	v11 =	vadd.f32 v38, v11;
	v26 =	vld [tilespmem:s28+$0xD0]  }
0x5c: {  	s31 =	sadd.s32 $0x3, s30;
	v10 =	vadd.f32 v18, v10;
	v22 =	vld [tilespmem:s28+$0x0];
	v9 =	vadd.f32 v8, v9  }
0x5d: {  	v13 =	vmov s31;
	v8 =	vmov s30;
	v23 =	vld [tilespmem:s28+$0x10]  }
0x5e: {  	v8 =	vand.u32 $0xFFFFFFFC, v8;
	v24 =	vld [tilespmem:s28+$0xFFFFFF80]  }
0x5f: {  	v18 =	vbroadcast v8, $0x0;
	v29 =	vld [tilespmem:s28+$0xFFFFFF00]  }
0x60: {  	s31 =	sadd.s32 $0x2, s30;
	v30 =	vld [tilespmem:s28+$0xFFFFFF10]  }
0x61: {  	s30 =	sadd.s32 $0x1, s30;
	v8 =	vmov s31;
	v31 =	vld [tilespmem:s28+$0xFFFFFF20]  }
0x62: {  	v19 =	vmov s30;
	v20 =	vand.u32 $0xFFFFFFFE, v8;
	v8 =	vld.idx.msk [tilespmem:v13+s14+$0x0], $0xffff  }
0x63: {  	v13 =	vand.u32 $0xFFFFFFFD, v19;
	v19 =	vbroadcast v20, $0x0;
	v32 =	vld [tilespmem:s28+$0xFFFFFF30]  }
0x64: {  	v36 =	vbroadcast v13, $0x0;
	v33 =	vld [tilespmem:s28+$0xFFFFFF40]  }
.Ltmp0:
0x65: {  	v27 =	vld.idx.msk [tilespmem:v18+s14+$0x0], $0xffff;
	(pc) =	sbr.rel @p0 .LBB2_3-.Ltmp0, $4  }
0x66: {  	v34 =	vld [tilespmem:s28+$0xFFFFFF50]  }
0x67: {  	v35 =	vld [tilespmem:s28+$0xFFFFFF60]  }
0x68: {  	v20 =	vmul.f32 v39, v8;
	v21 =	vmul.f32 v40, v8;
	v28 =	vld [tilespmem:s28+$0xFFFFFF70]  }
0x69: {  	s29 =	sadd.s32 $0x4, s29;
	v18 =	vmul.f32 v42, v8;
	v13 =	vld.idx.msk [tilespmem:v19+s14+$0x0], $0xffff;
	v19 =	vmul.f32 v41, v8  }
0x6a: {  	_ =	sdelay $0x3  }
0x6b: {  	v36 =	vld.idx.msk [tilespmem:v36+s14+$0x0], $0xffff;
	v25 =	vmul.f32 v25, v8  }
0x6c: {  	v29 =	vmul.f32 v29, v27;
	v37 =	vld [tilespmem:s28+$0xFFFFFF90];
	v30 =	vmul.f32 v30, v27  }
0x6d: {  	v31 =	vmul.f32 v31, v27;
	v38 =	vld [tilespmem:s28+$0xFFFFFFA0];
	v32 =	vmul.f32 v32, v27  }
0x6e: {  	v33 =	vmul.f32 v33, v27;
	v39 =	vld [tilespmem:s28+$0xFFFFFFB0];
	v34 =	vmul.f32 v34, v27  }
0x6f: {  	v40 =	vld [tilespmem:s28+$0x20];
	v35 =	vmul.f32 v35, v27;
	v17 =	vadd.f32 v29, v17;
	v16 =	vadd.f32 v30, v16  }
0x70: {  	v41 =	vld [tilespmem:s28+$0x30];
	v14 =	vadd.f32 v31, v14;
	v15 =	vadd.f32 v32, v15;
	v27 =	vmul.f32 v28, v27  }
0x71: {  	v61 =	vld [tilespmem:s28+$0x50];
	v12 =	vadd.f32 v33, v12;
	v22 =	vmul.f32 v22, v13;
	v23 =	vmul.f32 v23, v13  }
0x72: {  	v29 =	vld [tilespmem:s28+$0x40];
	v11 =	vadd.f32 v34, v11;
	v24 =	vmul.f32 v24, v36;
	v37 =	vmul.f32 v37, v36  }
0x73: {  	v62 =	vld [tilespmem:s28+$0xFFFFFFC0];
	v10 =	vadd.f32 v35, v10;
	v30 =	vmul.f32 v38, v36;
	v31 =	vmul.f32 v39, v36  }
0x74: {  	v63 =	vld [tilespmem:s28+$0xFFFFFFD0];
	v17 =	vadd.f32 v24, v17;
	v16 =	vadd.f32 v37, v16;
	v24 =	vmul.f32 v40, v13  }
0x75: {  	v28 =	vld [tilespmem:s28+$0xFFFFFFE0];
	v14 =	vadd.f32 v30, v14;
	v15 =	vadd.f32 v31, v15;
	v30 =	vmul.f32 v41, v13  }
0x76: {  	v26 =	vmul.f32 v26, v8;
	v17 =	vadd.f32 v22, v17;
	v16 =	vadd.f32 v23, v16;
	v22 =	vld [tilespmem:s28+$0xFFFFFFF0]  }
0x77: {  	v23 =	vmul.f32 v29, v13;
	v14 =	vadd.f32 v24, v14;
	v15 =	vadd.f32 v30, v15;
	v29 =	vld [tilespmem:s28+$0x60]  }
0x78: {  	v17 =	vadd.f32 v20, v17;
	v16 =	vadd.f32 v21, v16;
	v20 =	vmul.f32 v62, v36;
	v21 =	vld [tilespmem:s28+$0x70]  }
0x79: {  	v14 =	vadd.f32 v19, v14;
	v19 =	vmul.f32 v63, v36;
	v15 =	vadd.f32 v18, v15;
	v18 =	vld [tilespmem:s28+$0xE0]  }
0x7a: {  	v9 =	vadd.f32 v27, v9;
	v28 =	vmul.f32 v28, v36;
	v30 =	vld [tilespmem:s28+$0xF0];
	v12 =	vadd.f32 v20, v12  }
0x7b: {  	v24 =	vmul.f32 v61, v13;
	v11 =	vadd.f32 v19, v11;
	v20 =	vmul.f32 v22, v36  }
0x7c: {  	v10 =	vadd.f32 v28, v10;
	[tilespmem:$0xB800] =	vst v17;
	v19 =	vmul.f32 v29, v13;
	v12 =	vadd.f32 v23, v12  }
0x7d: {  	[tilespmem:$0xB810] =	vst v16;
	v11 =	vadd.f32 v24, v11;
	v9 =	vadd.f32 v20, v9;
	v13 =	vmul.f32 v21, v13  }
0x7e: {  	[tilespmem:$0xB820] =	vst v14;
	v16 =	vmul.f32 v18, v8;
	v10 =	vadd.f32 v19, v10;
	v12 =	vadd.f32 v25, v12  }
0x7f: {  	[tilespmem:$0xB830] =	vst v15;
	v8 =	vmul.f32 v30, v8;
	v11 =	vadd.f32 v26, v11;
	v9 =	vadd.f32 v13, v9  }
0x80: {  	v10 =	vadd.f32 v16, v10;
	[tilespmem:$0xB840] =	vst v12  }
0x81: {  	[tilespmem:$0xB850] =	vst v11;
	v8 =	vadd.f32 v8, v9  }
0x82: {  	[tilespmem:$0xB860] =	vst v10  }
0x83: {  	s28 =	simm.s32 $0x89F0;
	[tilespmem:$0xB870] =	vst v8  }
0x84: {  	v10 =	vld [tilespmem:s28+$0xFFFFFF90]  }
0x85: {  	v11 =	vld [tilespmem:s28+$0xFFFFFFA0]  }
0x86: {  	s29 =	sadd.s32 $0xFFFFFFE0, s25;
	v21 =	vld [tilespmem:s28+$0xFFFFFFB0]  }
0x87: {  	s30 =	sadd.s32 $0x42, s29;
	v22 =	vld [tilespmem:s28+$0xFFFFFFC0]  }
0x88: {  	v8 =	vmov s30;
	v23 =	vld [tilespmem:s28+$0xFFFFFFD0]  }
0x89: {  	s31 =	sadd.s32 $0x43, s29;
	v24 =	vld [tilespmem:s28+$0xFFFFFFE0];
	v8 =	vand.u32 $0xFFFFFFFE, v8  }
0x8a: {  	v9 =	vmov s31;
	v25 =	vld [tilespmem:s28+$0xFFFFFF10];
	v12 =	vbroadcast v8, $0x0  }
0x8b: {  	v27 =	vld [tilespmem:s28+$0xFFFFFF20]  }
0x8c: {  	s31 =	sadd.s32 $0x41, s29;
	v28 =	vld [tilespmem:s28+$0xFFFFFF30]  }
0x8d: {  	v29 =	vld [tilespmem:s28+$0xFFFFFF40];
	v8 =	vmov s31  }
0x8e: {  	s29 =	sadd.s32 $0x40, s29;
	v30 =	vld [tilespmem:s28+$0xFFFFFF50];
	v8 =	vand.u32 $0xFFFFFFFD, v8  }
0x8f: {  	v14 =	vmov s29;
	v13 =	vbroadcast v8, $0x0;
	v8 =	vld.idx.msk [tilespmem:v9+s14+$0x0], $0xffff  }
0x90: {  	v9 =	vld.idx.msk [tilespmem:v12+s14+$0x0], $0xffff;
	v12 =	vand.u32 $0xFFFFFFFC, v14  }
0x91: {  	v26 =	vld [tilespmem:s28+$0xFFFFFF60];
	v35 =	vbroadcast v12, $0x0  }
0x92: {  	v31 =	vld [tilespmem:s28+$0xFFFFFE90]  }
0x93: {  	v32 =	vld [tilespmem:s28+$0xFFFFFEA0]  }
0x94: {  	v33 =	vld [tilespmem:s28+$0xFFFFFE10]  }
0x95: {  	v17 =	vmovc v0;
	v15 =	vmovc v2;
	v18 =	vmov v1;
	v16 =	vmov v3;
	v34 =	vld [tilespmem:s28+$0xFFFFFE20];
	v19 =	vmul.f32 v10, v8  }
0x96: {  	s29 =	simm.s32 $0xFFFFFFE4;
	v20 =	vmul.f32 v11, v8;
	v11 =	vmovc v6;
	v10 =	vmovc v7;
	v14 =	vld.idx.msk [tilespmem:v13+s14+$0x0], $0xffff;
	v13 =	vmov v4;
	v12 =	vmov v5  }
.LBB2_5:
0x97: {  	p0 =	sne.s32 s29, $0xFFFFFFFC;
	v35 =	vld.idx.msk [tilespmem:v35+s14+$0x0], $0xffff;
	v21 =	vmul.f32 v21, v8;
	v22 =	vmul.f32 v22, v8  }
0x98: {  	v37 =	vmul.f32 v23, v8;
	v38 =	vmul.f32 v24, v8;
	v36 =	vld [tilespmem:s28+$0xFFFFFE30]  }
0x99: {  	v24 =	vmul.f32 v25, v9;
	v25 =	vmul.f32 v27, v9;
	v23 =	vld [tilespmem:s28+$0xFFFFFE40]  }
0x9a: {  	v28 =	vmul.f32 v28, v9;
	v29 =	vmul.f32 v29, v9;
	v27 =	vld [tilespmem:s28+$0xFFFFFEB0]  }
0x9b: {  	v30 =	vmul.f32 v30, v9;
	v26 =	vmul.f32 v26, v9;
	v39 =	vld [tilespmem:s28+$0xFFFFFEC0]  }
0x9c: {  	v31 =	vmul.f32 v31, v14;
	v32 =	vmul.f32 v32, v14;
	v40 =	vld [tilespmem:s28+$0xFFFFFED0]  }
0x9d: {  	v33 =	vmul.f32 v33, v35;
	v34 =	vmul.f32 v34, v35;
	v41 =	vld [tilespmem:s28+$0xFFFFFEE0]  }
0x9e: {  	v36 =	vmul.f32 v36, v35;
	v23 =	vmul.f32 v23, v35;
	v42 =	vld [tilespmem:s28+$0xFFFFFE50]  }
0x9f: {  	v17 =	vadd.f32 v33, v17;
	v18 =	vadd.f32 v34, v18;
	v33 =	vld [tilespmem:s28+$0xFFFFFE60];
	v27 =	vmul.f32 v27, v14  }
0xa0: {  	v15 =	vadd.f32 v36, v15;
	v16 =	vadd.f32 v23, v16;
	v23 =	vld [tilespmem:s28+$0xFFFFFE70];
	v34 =	vmul.f32 v39, v14  }
0xa1: {  	v17 =	vadd.f32 v31, v17;
	v18 =	vadd.f32 v32, v18;
	v36 =	vld [tilespmem:s28+$0xFFFFFE80];
	v31 =	vmul.f32 v40, v14  }
0xa2: {  	v15 =	vadd.f32 v27, v15;
	v16 =	vadd.f32 v34, v16;
	v27 =	vmul.f32 v41, v14;
	v32 =	vld [tilespmem:s28+$0xFFFFFEF0]  }
0xa3: {  	v17 =	vadd.f32 v24, v17;
	v18 =	vadd.f32 v25, v18;
	v34 =	vmul.f32 v42, v35;
	v39 =	vld [tilespmem:s28+$0xFFFFFF00]  }
0xa4: {  	v15 =	vadd.f32 v28, v15;
	v24 =	vmul.f32 v33, v35;
	v16 =	vadd.f32 v29, v16;
	v25 =	vld [tilespmem:s28+$0xFFFFFF70]  }
0xa5: {  	v17 =	vadd.f32 v19, v17;
	v18 =	vadd.f32 v20, v18;
	v23 =	vmul.f32 v23, v35;
	v28 =	vld [tilespmem:s28+$0xFFFFFF80]  }
0xa6: {  	v15 =	vadd.f32 v21, v15;
	v19 =	vmul.f32 v36, v35;
	v16 =	vadd.f32 v22, v16;
	v20 =	vld [tilespmem:s28+$0xFFFFFFF0]  }
0xa7: {  	v13 =	vadd.f32 v34, v13;
	v12 =	vadd.f32 v24, v12;
	v22 =	vmul.f32 v32, v14;
	v24 =	vld [tilespmem:s28+$0x0];
	s28 =	sadd.s32 $0x200, s28  }
0xa8: {  	v11 =	vadd.f32 v23, v11;
	v36 =	vld [tilespmem:s28+$0xFFFFFF90];
	v10 =	vadd.f32 v19, v10;
	v14 =	vmul.f32 v39, v14  }
0xa9: {  	v13 =	vadd.f32 v31, v13;
	v12 =	vadd.f32 v27, v12;
	v39 =	vld [tilespmem:s28+$0xFFFFFFA0];
	v19 =	vmul.f32 v25, v9  }
0xaa: {  	v11 =	vadd.f32 v22, v11;
	v21 =	vld [tilespmem:s28+$0xFFFFFFB0];
	v10 =	vadd.f32 v14, v10;
	v9 =	vmul.f32 v28, v9  }
0xab: {  	v13 =	vadd.f32 v30, v13;
	v12 =	vadd.f32 v26, v12;
	v22 =	vld [tilespmem:s28+$0xFFFFFFC0];
	v14 =	vmul.f32 v20, v8  }
0xac: {  	v11 =	vadd.f32 v19, v11;
	v23 =	vld [tilespmem:s28+$0xFFFFFFD0];
	v9 =	vadd.f32 v9, v10;
	v8 =	vmul.f32 v24, v8  }
0xad: {  	s30 =	sadd.s32 s29, s25;
	v13 =	vadd.f32 v37, v13;
	v12 =	vadd.f32 v38, v12;
	v24 =	vld [tilespmem:s28+$0xFFFFFFE0]  }
0xae: {  	s31 =	sadd.s32 $0x42, s30;
	s1 =	sadd.s32 $0x43, s30;
	v11 =	vadd.f32 v14, v11;
	v25 =	vld [tilespmem:s28+$0xFFFFFF10];
	v10 =	vadd.f32 v8, v9  }
0xaf: {  	v8 =	vmov s31;
	v9 =	vmov s1;
	v27 =	vld [tilespmem:s28+$0xFFFFFF20]  }
0xb0: {  	v8 =	vand.u32 $0xFFFFFFFE, v8;
	v28 =	vld [tilespmem:s28+$0xFFFFFF30]  }
0xb1: {  	s1 =	sadd.s32 $0x41, s30;
	v14 =	vbroadcast v8, $0x0;
	v29 =	vld [tilespmem:s28+$0xFFFFFF40]  }
0xb2: {  	s30 =	sadd.s32 $0x40, s30;
	v8 =	vmov s1;
	v30 =	vld [tilespmem:s28+$0xFFFFFF50]  }
0xb3: {  	v19 =	vmov s30;
	v8 =	vand.u32 $0xFFFFFFFD, v8;
	v26 =	vld [tilespmem:s28+$0xFFFFFF60]  }
0xb4: {  	v19 =	vand.u32 $0xFFFFFFFC, v19;
	v20 =	vbroadcast v8, $0x0;
	v8 =	vld.idx.msk [tilespmem:v9+s14+$0x0], $0xffff  }
0xb5: {  	v35 =	vbroadcast v19, $0x0;
	v31 =	vld [tilespmem:s28+$0xFFFFFE90]  }
.Ltmp1:
0xb6: {  	v32 =	vld [tilespmem:s28+$0xFFFFFEA0];
	(pc) =	sbr.rel @p0 .LBB2_5-.Ltmp1, $4  }
0xb7: {  	v9 =	vld.idx.msk [tilespmem:v14+s14+$0x0], $0xffff  }
0xb8: {  	v33 =	vld [tilespmem:s28+$0xFFFFFE10]  }
0xb9: {  	v34 =	vld [tilespmem:s28+$0xFFFFFE20]  }
0xba: {  	s29 =	sadd.s32 $0x4, s29;
	v19 =	vmul.f32 v36, v8;
	v14 =	vld.idx.msk [tilespmem:v20+s14+$0x0], $0xffff;
	v20 =	vmul.f32 v39, v8  }
0xbb: {  	_ =	sdelay $0x3  }
0xbc: {  	v35 =	vld.idx.msk [tilespmem:v35+s14+$0x0], $0xffff;
	v21 =	vmul.f32 v21, v8  }
0xbd: {  	v22 =	vmul.f32 v22, v8;
	v36 =	vld [tilespmem:s28+$0xFFFFFE30];
	v23 =	vmul.f32 v23, v8  }
0xbe: {  	v24 =	vmul.f32 v24, v8;
	v37 =	vld [tilespmem:s28+$0xFFFFFE40];
	v25 =	vmul.f32 v25, v9  }
0xbf: {  	v38 =	vld [tilespmem:s28+$0xFFFFFEB0];
	v27 =	vmul.f32 v27, v9;
	v28 =	vmul.f32 v28, v9  }
0xc0: {  	v39 =	vld [tilespmem:s28+$0xFFFFFEC0];
	v29 =	vmul.f32 v29, v9;
	v30 =	vmul.f32 v30, v9  }
0xc1: {  	v31 =	vmul.f32 v31, v14;
	v32 =	vmul.f32 v32, v14  }
0xc2: {  	v40 =	vld [tilespmem:s28+$0xFFFFFED0];
	v33 =	vmul.f32 v33, v35;
	v34 =	vmul.f32 v34, v35  }
0xc3: {  	v41 =	vld [tilespmem:s28+$0xFFFFFEE0];
	v36 =	vmul.f32 v36, v35;
	v37 =	vmul.f32 v37, v35  }
0xc4: {  	v42 =	vld [tilespmem:s28+$0xFFFFFE50];
	v57 =	vmul.f32 v38, v14;
	v17 =	vadd.f32 v33, v17;
	v18 =	vadd.f32 v34, v18  }
0xc5: {  	v58 =	vld [tilespmem:s28+$0xFFFFFE60];
	v59 =	vmul.f32 v39, v14;
	v15 =	vadd.f32 v36, v15;
	v16 =	vadd.f32 v37, v16  }
0xc6: {  	v60 =	vld [tilespmem:s28+$0xFFFFFE70];
	v26 =	vmul.f32 v26, v9;
	v17 =	vadd.f32 v31, v17;
	v18 =	vadd.f32 v32, v18  }
0xc7: {  	v61 =	vmul.f32 v40, v14;
	v31 =	vld [tilespmem:s28+$0xFFFFFE80];
	v15 =	vadd.f32 v57, v15;
	v16 =	vadd.f32 v59, v16  }
0xc8: {  	v63 =	vld [tilespmem:s28+$0xFFFFFEF0];
	v62 =	vmul.f32 v41, v14;
	v17 =	vadd.f32 v25, v17;
	v18 =	vadd.f32 v27, v18  }
0xc9: {  	v25 =	vmul.f32 v42, v35;
	v27 =	vld [tilespmem:s28+$0xFFFFFF00];
	v15 =	vadd.f32 v28, v15;
	v16 =	vadd.f32 v29, v16  }
0xca: {  	v28 =	vmul.f32 v58, v35;
	v29 =	vld [tilespmem:s28+$0xFFFFFF70];
	v17 =	vadd.f32 v19, v17;
	v18 =	vadd.f32 v20, v18  }
0xcb: {  	v19 =	vmul.f32 v60, v35;
	v20 =	vld [tilespmem:s28+$0xFFFFFF80];
	v15 =	vadd.f32 v21, v15;
	v13 =	vadd.f32 v25, v13  }
0xcc: {  	v16 =	vadd.f32 v22, v16;
	v22 =	vld [tilespmem:s28+$0xFFFFFFF0];
	v12 =	vadd.f32 v28, v12;
	v21 =	vmul.f32 v31, v35  }
0xcd: {  	v25 =	vmul.f32 v63, v14;
	v28 =	vld [tilespmem:s28+$0x0];
	v11 =	vadd.f32 v19, v11;
	v13 =	vadd.f32 v61, v13  }
0xce: {  	v12 =	vadd.f32 v62, v12;
	v10 =	vadd.f32 v21, v10;
	v14 =	vmul.f32 v27, v14  }
0xcf: {  	[tilespmem:$0xB880] =	vst v17;
	v19 =	vmul.f32 v29, v9;
	v11 =	vadd.f32 v25, v11;
	v13 =	vadd.f32 v30, v13  }
0xd0: {  	[tilespmem:$0xB890] =	vst v18;
	v12 =	vadd.f32 v26, v12;
	v10 =	vadd.f32 v14, v10;
	v9 =	vmul.f32 v20, v9  }
0xd1: {  	[tilespmem:$0xB8A0] =	vst v15;
	v14 =	vmul.f32 v22, v8;
	v11 =	vadd.f32 v19, v11;
	v13 =	vadd.f32 v23, v13  }
0xd2: {  	[tilespmem:$0xB8B0] =	vst v16;
	v8 =	vmul.f32 v28, v8;
	v9 =	vadd.f32 v9, v10;
	v10 =	vadd.f32 v24, v12  }
0xd3: {  	v11 =	vadd.f32 v14, v11;
	[tilespmem:$0xB8C0] =	vst v13  }
0xd4: {  	s1 =	sshll.u32 s26, $0xA;
	p0 =	seq.s32 s26, $0x4F;
	v8 =	vadd.f32 v8, v9;
	[tilespmem:$0xB8D0] =	vst v10  }
0xd5: {  	s28 =	sshrl.u32 @!p0 s1, $0x2;
	[tilespmem:$0xB8E0] =	vst v11  }
0xd6: {  	s29 =	simm.s32 @!p0 $0x40;
	s30 =	simm.s32 @!p0 $0x7800;
	s1 =	sadd.s32 @!p0 $0x100, s28;
	[tilespmem:$0xB8F0] =	vst v8  }
0xd7: {  	[tilespmem:s30], [sflag:$0x1] =	stream.indirect.gather @!p0 [spmem:s3], $0x80, s1, s29, $0xb8;
	[tilespmem:$0x1FA80] =	vst v63  }
0xd8: {  	_ =	swait.ge [sflag:s22], $0x2000  }
0xd9: {  	[sflag:s22] =	ssyncset.done $0x0  }
0xda: {  	s29 =	simm.s32 $0x99F0;
	[sflag:s22] =	ssyncadd.s32 $0xFFFFE000  }
0xdb: {  	v10 =	vld [tilespmem:s29+$0xFFFFFF90]  }
0xdc: {  	v11 =	vld [tilespmem:s29+$0xFFFFFFA0]  }
0xdd: {  	s0 =	sadd.s32 $0xFFFFFFE0, s25;
	v21 =	vld [tilespmem:s29+$0xFFFFFFB0]  }
0xde: {  	s30 =	sadd.s32 $0x62, s0;
	v22 =	vld [tilespmem:s29+$0xFFFFFFC0]  }
0xdf: {  	v8 =	vmov s30;
	v23 =	vld [tilespmem:s29+$0xFFFFFFD0]  }
0xe0: {  	s31 =	sadd.s32 $0x63, s0;
	v8 =	vand.u32 $0xFFFFFFFE, v8;
	v24 =	vld [tilespmem:s29+$0xFFFFFFE0]  }
0xe1: {  	v9 =	vmov s31;
	v12 =	vbroadcast v8, $0x0;
	v25 =	vld [tilespmem:s29+$0xFFFFFF10]  }
0xe2: {  	v27 =	vld [tilespmem:s29+$0xFFFFFF20]  }
0xe3: {  	s30 =	sadd.s32 $0x61, s0;
	v28 =	vld [tilespmem:s29+$0xFFFFFF30]  }
0xe4: {  	v8 =	vmov s30;
	v29 =	vld [tilespmem:s29+$0xFFFFFF40]  }
0xe5: {  	s1 =	sadd.s32 $0x60, s0;
	v30 =	vld [tilespmem:s29+$0xFFFFFF50];
	v8 =	vand.u32 $0xFFFFFFFD, v8  }
0xe6: {  	v14 =	vmov s1;
	v13 =	vbroadcast v8, $0x0;
	v8 =	vld.idx.msk [tilespmem:v9+s14+$0x0], $0xffff  }
0xe7: {  	v9 =	vld.idx.msk [tilespmem:v12+s14+$0x0], $0xffff;
	v12 =	vand.u32 $0xFFFFFFFC, v14  }
0xe8: {  	v26 =	vld [tilespmem:s29+$0xFFFFFF60];
	v35 =	vbroadcast v12, $0x0  }
0xe9: {  	v31 =	vld [tilespmem:s29+$0xFFFFFE90]  }
0xea: {  	v32 =	vld [tilespmem:s29+$0xFFFFFEA0]  }
0xeb: {  	v33 =	vld [tilespmem:s29+$0xFFFFFE10]  }
0xec: {  	v17 =	vmovc v0;
	v18 =	vmovc v1;
	v15 =	vmov v2;
	v16 =	vmov v3;
	v34 =	vld [tilespmem:s29+$0xFFFFFE20];
	v19 =	vmul.f32 v10, v8  }
0xed: {  	s30 =	simm.s32 $0xFFFFFFE4;
	v20 =	vmul.f32 v11, v8;
	v11 =	vmovc v6;
	v10 =	vmovc v7;
	v14 =	vld.idx.msk [tilespmem:v13+s14+$0x0], $0xffff;
	v13 =	vmov v4;
	v12 =	vmov v5  }
.LBB2_7:
0xee: {  	p1 =	sne.s32 s30, $0xFFFFFFFC;
	v35 =	vld.idx.msk [tilespmem:v35+s14+$0x0], $0xffff;
	v21 =	vmul.f32 v21, v8;
	v22 =	vmul.f32 v22, v8  }
0xef: {  	v37 =	vmul.f32 v23, v8;
	v38 =	vmul.f32 v24, v8;
	v36 =	vld [tilespmem:s29+$0xFFFFFE30]  }
0xf0: {  	v24 =	vmul.f32 v25, v9;
	v25 =	vmul.f32 v27, v9;
	v23 =	vld [tilespmem:s29+$0xFFFFFE40]  }
0xf1: {  	v28 =	vmul.f32 v28, v9;
	v29 =	vmul.f32 v29, v9;
	v27 =	vld [tilespmem:s29+$0xFFFFFEB0]  }
0xf2: {  	v30 =	vmul.f32 v30, v9;
	v26 =	vmul.f32 v26, v9;
	v39 =	vld [tilespmem:s29+$0xFFFFFEC0]  }
0xf3: {  	v31 =	vmul.f32 v31, v14;
	v32 =	vmul.f32 v32, v14;
	v40 =	vld [tilespmem:s29+$0xFFFFFED0]  }
0xf4: {  	v33 =	vmul.f32 v33, v35;
	v34 =	vmul.f32 v34, v35;
	v41 =	vld [tilespmem:s29+$0xFFFFFEE0]  }
0xf5: {  	v36 =	vmul.f32 v36, v35;
	v23 =	vmul.f32 v23, v35;
	v42 =	vld [tilespmem:s29+$0xFFFFFE50]  }
0xf6: {  	v17 =	vadd.f32 v33, v17;
	v18 =	vadd.f32 v34, v18;
	v33 =	vld [tilespmem:s29+$0xFFFFFE60];
	v27 =	vmul.f32 v27, v14  }
0xf7: {  	v15 =	vadd.f32 v36, v15;
	v16 =	vadd.f32 v23, v16;
	v23 =	vld [tilespmem:s29+$0xFFFFFE70];
	v34 =	vmul.f32 v39, v14  }
0xf8: {  	v17 =	vadd.f32 v31, v17;
	v18 =	vadd.f32 v32, v18;
	v36 =	vld [tilespmem:s29+$0xFFFFFE80];
	v31 =	vmul.f32 v40, v14  }
0xf9: {  	v15 =	vadd.f32 v27, v15;
	v16 =	vadd.f32 v34, v16;
	v27 =	vmul.f32 v41, v14;
	v32 =	vld [tilespmem:s29+$0xFFFFFEF0]  }
0xfa: {  	v17 =	vadd.f32 v24, v17;
	v18 =	vadd.f32 v25, v18;
	v34 =	vmul.f32 v42, v35;
	v39 =	vld [tilespmem:s29+$0xFFFFFF00]  }
0xfb: {  	v15 =	vadd.f32 v28, v15;
	v24 =	vmul.f32 v33, v35;
	v16 =	vadd.f32 v29, v16;
	v25 =	vld [tilespmem:s29+$0xFFFFFF70]  }
0xfc: {  	v17 =	vadd.f32 v19, v17;
	v18 =	vadd.f32 v20, v18;
	v23 =	vmul.f32 v23, v35;
	v28 =	vld [tilespmem:s29+$0xFFFFFF80]  }
0xfd: {  	v15 =	vadd.f32 v21, v15;
	v19 =	vmul.f32 v36, v35;
	v16 =	vadd.f32 v22, v16;
	v20 =	vld [tilespmem:s29+$0xFFFFFFF0]  }
0xfe: {  	v13 =	vadd.f32 v34, v13;
	v12 =	vadd.f32 v24, v12;
	v22 =	vmul.f32 v32, v14;
	v24 =	vld [tilespmem:s29+$0x0];
	s29 =	sadd.s32 $0x200, s29  }
0xff: {  	v11 =	vadd.f32 v23, v11;
	v36 =	vld [tilespmem:s29+$0xFFFFFF90];
	v10 =	vadd.f32 v19, v10;
	v14 =	vmul.f32 v39, v14  }
0x100: {  	v13 =	vadd.f32 v31, v13;
	v12 =	vadd.f32 v27, v12;
	v39 =	vld [tilespmem:s29+$0xFFFFFFA0];
	v19 =	vmul.f32 v25, v9  }
0x101: {  	v11 =	vadd.f32 v22, v11;
	v21 =	vld [tilespmem:s29+$0xFFFFFFB0];
	v10 =	vadd.f32 v14, v10;
	v9 =	vmul.f32 v28, v9  }
0x102: {  	v13 =	vadd.f32 v30, v13;
	v12 =	vadd.f32 v26, v12;
	v22 =	vld [tilespmem:s29+$0xFFFFFFC0];
	v14 =	vmul.f32 v20, v8  }
0x103: {  	v11 =	vadd.f32 v19, v11;
	v23 =	vld [tilespmem:s29+$0xFFFFFFD0];
	v9 =	vadd.f32 v9, v10;
	v8 =	vmul.f32 v24, v8  }
0x104: {  	s1 =	sadd.s32 s30, s25;
	v13 =	vadd.f32 v37, v13;
	v12 =	vadd.f32 v38, v12;
	v24 =	vld [tilespmem:s29+$0xFFFFFFE0]  }
0x105: {  	s31 =	sadd.s32 $0x62, s1;
	s0 =	sadd.s32 $0x63, s1;
	v11 =	vadd.f32 v14, v11;
	v25 =	vld [tilespmem:s29+$0xFFFFFF10];
	v10 =	vadd.f32 v8, v9  }
0x106: {  	v8 =	vmov s31;
	v9 =	vmov s0;
	v27 =	vld [tilespmem:s29+$0xFFFFFF20]  }
0x107: {  	v8 =	vand.u32 $0xFFFFFFFE, v8;
	v28 =	vld [tilespmem:s29+$0xFFFFFF30]  }
0x108: {  	s0 =	sadd.s32 $0x61, s1;
	v14 =	vbroadcast v8, $0x0;
	v29 =	vld [tilespmem:s29+$0xFFFFFF40]  }
0x109: {  	s1 =	sadd.s32 $0x60, s1;
	v8 =	vmov s0;
	v30 =	vld [tilespmem:s29+$0xFFFFFF50]  }
0x10a: {  	v19 =	vmov s1;
	v8 =	vand.u32 $0xFFFFFFFD, v8;
	v26 =	vld [tilespmem:s29+$0xFFFFFF60]  }
0x10b: {  	v19 =	vand.u32 $0xFFFFFFFC, v19;
	v20 =	vbroadcast v8, $0x0;
	v8 =	vld.idx.msk [tilespmem:v9+s14+$0x0], $0xffff  }
0x10c: {  	v35 =	vbroadcast v19, $0x0;
	v31 =	vld [tilespmem:s29+$0xFFFFFE90]  }
.Ltmp2:
0x10d: {  	v32 =	vld [tilespmem:s29+$0xFFFFFEA0];
	(pc) =	sbr.rel @p1 .LBB2_7-.Ltmp2, $4  }
0x10e: {  	v9 =	vld.idx.msk [tilespmem:v14+s14+$0x0], $0xffff  }
0x10f: {  	v33 =	vld [tilespmem:s29+$0xFFFFFE10]  }
0x110: {  	v34 =	vld [tilespmem:s29+$0xFFFFFE20]  }
0x111: {  	s30 =	sadd.s32 $0x4, s30;
	v19 =	vmul.f32 v36, v8;
	v14 =	vld.idx.msk [tilespmem:v20+s14+$0x0], $0xffff;
	v20 =	vmul.f32 v39, v8  }
0x112: {  	_ =	sdelay $0x3  }
0x113: {  	v35 =	vld.idx.msk [tilespmem:v35+s14+$0x0], $0xffff;
	v21 =	vmul.f32 v21, v8  }
0x114: {  	v22 =	vmul.f32 v22, v8;
	v36 =	vld [tilespmem:s29+$0xFFFFFE30];
	v23 =	vmul.f32 v23, v8  }
0x115: {  	v24 =	vmul.f32 v24, v8;
	v37 =	vld [tilespmem:s29+$0xFFFFFE40];
	v25 =	vmul.f32 v25, v9  }
0x116: {  	v38 =	vld [tilespmem:s29+$0xFFFFFEB0];
	v27 =	vmul.f32 v27, v9;
	v28 =	vmul.f32 v28, v9  }
0x117: {  	v39 =	vld [tilespmem:s29+$0xFFFFFEC0];
	v29 =	vmul.f32 v29, v9;
	v30 =	vmul.f32 v30, v9  }
0x118: {  	v31 =	vmul.f32 v31, v14;
	v32 =	vmul.f32 v32, v14  }
0x119: {  	v40 =	vld [tilespmem:s29+$0xFFFFFED0];
	v33 =	vmul.f32 v33, v35;
	v34 =	vmul.f32 v34, v35  }
0x11a: {  	v41 =	vld [tilespmem:s29+$0xFFFFFEE0];
	v36 =	vmul.f32 v36, v35;
	v37 =	vmul.f32 v37, v35  }
0x11b: {  	v42 =	vld [tilespmem:s29+$0xFFFFFE50];
	v57 =	vmul.f32 v38, v14;
	v17 =	vadd.f32 v33, v17;
	v18 =	vadd.f32 v34, v18  }
0x11c: {  	v58 =	vld [tilespmem:s29+$0xFFFFFE60];
	v59 =	vmul.f32 v39, v14;
	v15 =	vadd.f32 v36, v15;
	v16 =	vadd.f32 v37, v16  }
0x11d: {  	v60 =	vld [tilespmem:s29+$0xFFFFFE70];
	v26 =	vmul.f32 v26, v9;
	v17 =	vadd.f32 v31, v17;
	v18 =	vadd.f32 v32, v18  }
0x11e: {  	v61 =	vmul.f32 v40, v14;
	v31 =	vld [tilespmem:s29+$0xFFFFFE80];
	v15 =	vadd.f32 v57, v15;
	v16 =	vadd.f32 v59, v16  }
0x11f: {  	v63 =	vld [tilespmem:s29+$0xFFFFFEF0];
	v62 =	vmul.f32 v41, v14;
	v17 =	vadd.f32 v25, v17;
	v18 =	vadd.f32 v27, v18  }
0x120: {  	v25 =	vmul.f32 v42, v35;
	v27 =	vld [tilespmem:s29+$0xFFFFFF00];
	v15 =	vadd.f32 v28, v15;
	v16 =	vadd.f32 v29, v16  }
0x121: {  	v28 =	vmul.f32 v58, v35;
	v29 =	vld [tilespmem:s29+$0xFFFFFF70];
	v17 =	vadd.f32 v19, v17;
	v18 =	vadd.f32 v20, v18  }
0x122: {  	v19 =	vmul.f32 v60, v35;
	v20 =	vld [tilespmem:s29+$0xFFFFFF80];
	v15 =	vadd.f32 v21, v15;
	v13 =	vadd.f32 v25, v13  }
0x123: {  	v16 =	vadd.f32 v22, v16;
	v22 =	vld [tilespmem:s29+$0xFFFFFFF0];
	v12 =	vadd.f32 v28, v12;
	v21 =	vmul.f32 v31, v35  }
0x124: {  	v25 =	vmul.f32 v63, v14;
	v28 =	vld [tilespmem:s29+$0x0];
	v11 =	vadd.f32 v19, v11;
	v13 =	vadd.f32 v61, v13  }
0x125: {  	v12 =	vadd.f32 v62, v12;
	v10 =	vadd.f32 v21, v10;
	v14 =	vmul.f32 v27, v14  }
0x126: {  	[tilespmem:$0xB900] =	vst v17;
	v19 =	vmul.f32 v29, v9;
	v11 =	vadd.f32 v25, v11;
	v13 =	vadd.f32 v30, v13  }
0x127: {  	[tilespmem:$0xB910] =	vst v18;
	v12 =	vadd.f32 v26, v12;
	v10 =	vadd.f32 v14, v10;
	v9 =	vmul.f32 v20, v9  }
0x128: {  	[tilespmem:$0xB920] =	vst v15;
	v14 =	vmul.f32 v22, v8;
	v11 =	vadd.f32 v19, v11;
	v13 =	vadd.f32 v23, v13  }
0x129: {  	[tilespmem:$0xB930] =	vst v16;
	v8 =	vmul.f32 v28, v8;
	v9 =	vadd.f32 v9, v10;
	v10 =	vadd.f32 v24, v12  }
0x12a: {  	v11 =	vadd.f32 v14, v11;
	[tilespmem:$0xB940] =	vst v13  }
0x12b: {  	v8 =	vadd.f32 v8, v9;
	[tilespmem:$0xB950] =	vst v10  }
0x12c: {  	[tilespmem:$0xB960] =	vst v11  }
0x12d: {  	s29 =	simm.s32 $0xA9F0;
	[tilespmem:$0xB970] =	vst v8  }
0x12e: {  	v10 =	vld [tilespmem:s29+$0xFFFFFF90]  }
0x12f: {  	v11 =	vld [tilespmem:s29+$0xFFFFFFA0]  }
0x130: {  	s0 =	sadd.s32 $0xFFFFFFE0, s25;
	v21 =	vld [tilespmem:s29+$0xFFFFFFB0]  }
0x131: {  	s1 =	sadd.s32 $0x82, s0;
	v22 =	vld [tilespmem:s29+$0xFFFFFFC0]  }
0x132: {  	v8 =	vmov s1;
	v23 =	vld [tilespmem:s29+$0xFFFFFFD0]  }
0x133: {  	s30 =	sadd.s32 $0x83, s0;
	v24 =	vld [tilespmem:s29+$0xFFFFFFE0];
	v8 =	vand.u32 $0xFFFFFFFE, v8  }
0x134: {  	v9 =	vmov s30;
	v25 =	vld [tilespmem:s29+$0xFFFFFF10];
	v12 =	vbroadcast v8, $0x0  }
0x135: {  	v27 =	vld [tilespmem:s29+$0xFFFFFF20]  }
0x136: {  	s31 =	sadd.s32 $0x81, s0;
	v28 =	vld [tilespmem:s29+$0xFFFFFF30]  }
0x137: {  	v29 =	vld [tilespmem:s29+$0xFFFFFF40];
	v8 =	vmov s31  }
0x138: {  	s0 =	sadd.s32 $0x80, s0;
	v30 =	vld [tilespmem:s29+$0xFFFFFF50];
	v8 =	vand.u32 $0xFFFFFFFD, v8  }
0x139: {  	v14 =	vmov s0;
	v13 =	vbroadcast v8, $0x0;
	v8 =	vld.idx.msk [tilespmem:v9+s14+$0x0], $0xffff  }
0x13a: {  	v9 =	vld.idx.msk [tilespmem:v12+s14+$0x0], $0xffff;
	v12 =	vand.u32 $0xFFFFFFFC, v14  }
0x13b: {  	v26 =	vld [tilespmem:s29+$0xFFFFFF60];
	v35 =	vbroadcast v12, $0x0  }
0x13c: {  	v31 =	vld [tilespmem:s29+$0xFFFFFE90]  }
0x13d: {  	v32 =	vld [tilespmem:s29+$0xFFFFFEA0]  }
0x13e: {  	v33 =	vld [tilespmem:s29+$0xFFFFFE10]  }
0x13f: {  	v17 =	vmovc v0;
	v18 =	vmovc v1;
	v15 =	vmov v2;
	v16 =	vmov v3;
	v34 =	vld [tilespmem:s29+$0xFFFFFE20];
	v19 =	vmul.f32 v10, v8  }
0x140: {  	s30 =	simm.s32 $0xFFFFFFE4;
	v20 =	vmul.f32 v11, v8;
	v11 =	vmovc v6;
	v10 =	vmovc v7;
	v14 =	vld.idx.msk [tilespmem:v13+s14+$0x0], $0xffff;
	v13 =	vmov v4;
	v12 =	vmov v5  }
.LBB2_9:
0x141: {  	p1 =	sne.s32 s30, $0xFFFFFFFC;
	v35 =	vld.idx.msk [tilespmem:v35+s14+$0x0], $0xffff;
	v21 =	vmul.f32 v21, v8;
	v22 =	vmul.f32 v22, v8  }
0x142: {  	v37 =	vmul.f32 v23, v8;
	v38 =	vmul.f32 v24, v8;
	v36 =	vld [tilespmem:s29+$0xFFFFFE30]  }
0x143: {  	v24 =	vmul.f32 v25, v9;
	v25 =	vmul.f32 v27, v9;
	v23 =	vld [tilespmem:s29+$0xFFFFFE40]  }
0x144: {  	v28 =	vmul.f32 v28, v9;
	v29 =	vmul.f32 v29, v9;
	v27 =	vld [tilespmem:s29+$0xFFFFFEB0]  }
0x145: {  	v30 =	vmul.f32 v30, v9;
	v26 =	vmul.f32 v26, v9;
	v39 =	vld [tilespmem:s29+$0xFFFFFEC0]  }
0x146: {  	v31 =	vmul.f32 v31, v14;
	v32 =	vmul.f32 v32, v14;
	v40 =	vld [tilespmem:s29+$0xFFFFFED0]  }
0x147: {  	v33 =	vmul.f32 v33, v35;
	v34 =	vmul.f32 v34, v35;
	v41 =	vld [tilespmem:s29+$0xFFFFFEE0]  }
0x148: {  	v36 =	vmul.f32 v36, v35;
	v23 =	vmul.f32 v23, v35;
	v42 =	vld [tilespmem:s29+$0xFFFFFE50]  }
0x149: {  	v17 =	vadd.f32 v33, v17;
	v18 =	vadd.f32 v34, v18;
	v33 =	vld [tilespmem:s29+$0xFFFFFE60];
	v27 =	vmul.f32 v27, v14  }
0x14a: {  	v15 =	vadd.f32 v36, v15;
	v16 =	vadd.f32 v23, v16;
	v23 =	vld [tilespmem:s29+$0xFFFFFE70];
	v34 =	vmul.f32 v39, v14  }
0x14b: {  	v17 =	vadd.f32 v31, v17;
	v18 =	vadd.f32 v32, v18;
	v36 =	vld [tilespmem:s29+$0xFFFFFE80];
	v31 =	vmul.f32 v40, v14  }
0x14c: {  	v15 =	vadd.f32 v27, v15;
	v16 =	vadd.f32 v34, v16;
	v27 =	vmul.f32 v41, v14;
	v32 =	vld [tilespmem:s29+$0xFFFFFEF0]  }
0x14d: {  	v17 =	vadd.f32 v24, v17;
	v18 =	vadd.f32 v25, v18;
	v34 =	vmul.f32 v42, v35;
	v39 =	vld [tilespmem:s29+$0xFFFFFF00]  }
0x14e: {  	v15 =	vadd.f32 v28, v15;
	v24 =	vmul.f32 v33, v35;
	v16 =	vadd.f32 v29, v16;
	v25 =	vld [tilespmem:s29+$0xFFFFFF70]  }
0x14f: {  	v17 =	vadd.f32 v19, v17;
	v18 =	vadd.f32 v20, v18;
	v23 =	vmul.f32 v23, v35;
	v28 =	vld [tilespmem:s29+$0xFFFFFF80]  }
0x150: {  	v15 =	vadd.f32 v21, v15;
	v19 =	vmul.f32 v36, v35;
	v16 =	vadd.f32 v22, v16;
	v20 =	vld [tilespmem:s29+$0xFFFFFFF0]  }
0x151: {  	v13 =	vadd.f32 v34, v13;
	v12 =	vadd.f32 v24, v12;
	v22 =	vmul.f32 v32, v14;
	v24 =	vld [tilespmem:s29+$0x0];
	s29 =	sadd.s32 $0x200, s29  }
0x152: {  	v11 =	vadd.f32 v23, v11;
	v36 =	vld [tilespmem:s29+$0xFFFFFF90];
	v10 =	vadd.f32 v19, v10;
	v14 =	vmul.f32 v39, v14  }
0x153: {  	v13 =	vadd.f32 v31, v13;
	v12 =	vadd.f32 v27, v12;
	v39 =	vld [tilespmem:s29+$0xFFFFFFA0];
	v19 =	vmul.f32 v25, v9  }
0x154: {  	v11 =	vadd.f32 v22, v11;
	v21 =	vld [tilespmem:s29+$0xFFFFFFB0];
	v10 =	vadd.f32 v14, v10;
	v9 =	vmul.f32 v28, v9  }
0x155: {  	v13 =	vadd.f32 v30, v13;
	v12 =	vadd.f32 v26, v12;
	v22 =	vld [tilespmem:s29+$0xFFFFFFC0];
	v14 =	vmul.f32 v20, v8  }
0x156: {  	v11 =	vadd.f32 v19, v11;
	v23 =	vld [tilespmem:s29+$0xFFFFFFD0];
	v9 =	vadd.f32 v9, v10;
	v8 =	vmul.f32 v24, v8  }
0x157: {  	s0 =	sadd.s32 s30, s25;
	v13 =	vadd.f32 v37, v13;
	v12 =	vadd.f32 v38, v12;
	v24 =	vld [tilespmem:s29+$0xFFFFFFE0]  }
0x158: {  	s1 =	sadd.s32 $0x82, s0;
	s31 =	sadd.s32 $0x83, s0;
	v11 =	vadd.f32 v14, v11;
	v25 =	vld [tilespmem:s29+$0xFFFFFF10];
	v10 =	vadd.f32 v8, v9  }
0x159: {  	v8 =	vmov s1;
	v9 =	vmov s31;
	v27 =	vld [tilespmem:s29+$0xFFFFFF20]  }
0x15a: {  	v8 =	vand.u32 $0xFFFFFFFE, v8;
	v28 =	vld [tilespmem:s29+$0xFFFFFF30]  }
0x15b: {  	s1 =	sadd.s32 $0x81, s0;
	v14 =	vbroadcast v8, $0x0;
	v29 =	vld [tilespmem:s29+$0xFFFFFF40]  }
0x15c: {  	s0 =	sadd.s32 $0x80, s0;
	v8 =	vmov s1;
	v30 =	vld [tilespmem:s29+$0xFFFFFF50]  }
0x15d: {  	v19 =	vmov s0;
	v8 =	vand.u32 $0xFFFFFFFD, v8;
	v26 =	vld [tilespmem:s29+$0xFFFFFF60]  }
0x15e: {  	v19 =	vand.u32 $0xFFFFFFFC, v19;
	v20 =	vbroadcast v8, $0x0;
	v8 =	vld.idx.msk [tilespmem:v9+s14+$0x0], $0xffff  }
0x15f: {  	v35 =	vbroadcast v19, $0x0;
	v31 =	vld [tilespmem:s29+$0xFFFFFE90]  }
.Ltmp3:
0x160: {  	v32 =	vld [tilespmem:s29+$0xFFFFFEA0];
	(pc) =	sbr.rel @p1 .LBB2_9-.Ltmp3, $4  }
0x161: {  	v9 =	vld.idx.msk [tilespmem:v14+s14+$0x0], $0xffff  }
0x162: {  	v33 =	vld [tilespmem:s29+$0xFFFFFE10]  }
0x163: {  	v34 =	vld [tilespmem:s29+$0xFFFFFE20]  }
0x164: {  	s30 =	sadd.s32 $0x4, s30;
	v19 =	vmul.f32 v36, v8;
	v14 =	vld.idx.msk [tilespmem:v20+s14+$0x0], $0xffff;
	v20 =	vmul.f32 v39, v8  }
0x165: {  	_ =	sdelay $0x3  }
0x166: {  	v35 =	vld.idx.msk [tilespmem:v35+s14+$0x0], $0xffff  }
0x167: {  	v36 =	vld [tilespmem:s29+$0xFFFFFE30]  }
0x168: {  	v37 =	vld [tilespmem:s29+$0xFFFFFE40]  }
0x169: {  	v21 =	vmul.f32 v21, v8;
	v38 =	vld [tilespmem:s29+$0xFFFFFEB0]  }
0x16a: {  	v22 =	vmul.f32 v22, v8;
	v23 =	vmul.f32 v23, v8;
	v42 =	vld [tilespmem:s29+$0xFFFFFE50]  }
0x16b: {  	v24 =	vmul.f32 v24, v8;
	v63 =	vld [tilespmem:s29+$0xFFFFFE60];
	v25 =	vmul.f32 v25, v9  }
0x16c: {  	v44 =	vld [tilespmem:s29+$0xFFFFFE70];
	v27 =	vmul.f32 v27, v9;
	v31 =	vmul.f32 v31, v14  }
0x16d: {  	v45 =	vld [tilespmem:s29+$0xFFFFFE80];
	v32 =	vmul.f32 v32, v14;
	v33 =	vmul.f32 v33, v35  }
0x16e: {  	v39 =	vld [tilespmem:s29+$0xFFFFFEC0];
	v34 =	vmul.f32 v34, v35;
	v36 =	vmul.f32 v36, v35  }
0x16f: {  	v40 =	vld [tilespmem:s29+$0xFFFFFED0];
	v37 =	vmul.f32 v37, v35;
	v62 =	vmul.f32 v38, v14  }
0x170: {  	v41 =	vld [tilespmem:s29+$0xFFFFFEE0];
	v49 =	vmul.f32 v42, v35;
	v51 =	vmul.f32 v63, v35  }
0x171: {  	v48 =	vld [tilespmem:s29+$0xFFFFFEF0];
	v53 =	vmul.f32 v44, v35;
	v17 =	vadd.f32 v33, v17;
	v18 =	vadd.f32 v34, v18  }
0x172: {  	v50 =	vld [tilespmem:s29+$0xFFFFFF00];
	v55 =	vmul.f32 v45, v35;
	v15 =	vadd.f32 v36, v15;
	v16 =	vadd.f32 v37, v16  }
0x173: {  	v43 =	vmul.f32 v39, v14;
	v13 =	vadd.f32 v49, v13;
	v12 =	vadd.f32 v51, v12  }
0x174: {  	v46 =	vmul.f32 v40, v14;
	v11 =	vadd.f32 v53, v11;
	v10 =	vadd.f32 v55, v10  }
0x175: {  	v47 =	vmul.f32 v41, v14;
	v17 =	vadd.f32 v31, v17;
	v18 =	vadd.f32 v32, v18  }
0x176: {  	v57 =	vmul.f32 v48, v14;
	v15 =	vadd.f32 v62, v15;
	v16 =	vadd.f32 v43, v16  }
0x177: {  	v52 =	vld [tilespmem:s29+$0xFFFFFF70];
	v59 =	vmul.f32 v50, v14;
	v13 =	vadd.f32 v46, v13;
	v12 =	vadd.f32 v47, v12  }
0x178: {  	v54 =	vld [tilespmem:s29+$0xFFFFFF80];
	v28 =	vmul.f32 v28, v9;
	v11 =	vadd.f32 v57, v11;
	v17 =	vadd.f32 v25, v17  }
0x179: {  	v56 =	vld [tilespmem:s29+$0xFFFFFFF0];
	v29 =	vmul.f32 v29, v9;
	v10 =	vadd.f32 v59, v10;
	v18 =	vadd.f32 v27, v18  }
0x17a: {  	v58 =	vld [tilespmem:s29+$0x0];
	v30 =	vmul.f32 v30, v9;
	v15 =	vadd.f32 v28, v15;
	v17 =	vadd.f32 v19, v17  }
0x17b: {  	v26 =	vmul.f32 v26, v9;
	v16 =	vadd.f32 v29, v16;
	v18 =	vadd.f32 v20, v18  }
0x17c: {  	v60 =	vmul.f32 v52, v9;
	v13 =	vadd.f32 v30, v13;
	v15 =	vadd.f32 v21, v15;
	[tilespmem:$0xB980] =	vst v17  }
0x17d: {  	v61 =	vmul.f32 v54, v9;
	v12 =	vadd.f32 v26, v12;
	v16 =	vadd.f32 v22, v16;
	[tilespmem:$0xB990] =	vst v18  }
0x17e: {  	v62 =	vmul.f32 v56, v8;
	v11 =	vadd.f32 v60, v11;
	v13 =	vadd.f32 v23, v13;
	[tilespmem:$0xB9A0] =	vst v15  }
0x17f: {  	v8 =	vmul.f32 v58, v8;
	v9 =	vadd.f32 v61, v10;
	v63 =	vadd.f32 v24, v12;
	[tilespmem:$0xB9B0] =	vst v16  }
0x180: {  	v11 =	vadd.f32 v62, v11;
	[tilespmem:$0xB9C0] =	vst v13  }
0x181: {  	v8 =	vadd.f32 v8, v9;
	[tilespmem:$0xB9D0] =	vst v63  }
0x182: {  	s0 =	sadd.s32 @!p0 $0x180, s28;
	s30 =	sshll.u32 s26, $0x9;
	[tilespmem:$0xB9E0] =	vst v11  }
0x183: {  	s1 =	simm.s32 @!p0 $0x40;
	s28 =	simm.s32 @!p0 $0x9800;
	s31 =	sadd.s32 s9, s30;
	[tilespmem:$0xB9F0] =	vst v8  }
0x184: {  	[tilespmem:s28], [sflag:$0x2] =	stream.indirect.gather @!p0 [spmem:s3], $0x80, s0, s1, $0xb8;
	[tilespmem:$0x1FA80] =	vst v63  }
0x185: {  	s1 =	sand.u32 $0x3FFC00, s31;
	s0 =	sand.u32 $0x200, s30  }
0x186: {  	s26 =	sadd.s32 $0x1, s26;
	s0 =	sor.u32 s0, s1  }
0x187: {  	p0 =	sne.s32 s26, $0x50;
	s0 =	sshrl.u32 s0, $0x3  }
.Ltmp4:
0x188: {  	s0 =	sadd.s32 s5, s0;
	(pc) =	sbr.rel @p0 .LBB2_2-.Ltmp4, $4  }
0x189: {  	[hbm4b:s0+s4] =	stream.linear.scatter [tilespmem:s23], [sflag:$0x3], $0x200, $0x38;
	[tilespmem:$0x1FA80] =	vst v63  }
0x18a: {  	_ =	swait.ge [sflag:s11], $0x200  }
0x18b: {  	[sflag:s11] =	ssyncset.done $0x0  }
0x18c: {  	s25 =	sadd.s32 $0x80, s25;
	[sflag:s11] =	ssyncadd.s32 $0xFFFFFE00  }
0x18d: {  	s24 =	sadd.s32 $0x1, s24  }
0x18e: {  	p0 =	sne.s32 s24, s10  }
.Ltmp5:
0x18f: {  	_ = 	snop;
	(pc) =	sbr.rel @p0 .LBB2_1-.Ltmp5, $1  }
0x190: {  	_ =	sdelay $0x3  }
0x191: {  	_ =	sfence.sel $0x180000  }
0x192: {  	[bflag:$0x0] =	sbarrier.arrive $0xFFFF  }
0x193: {  	_ =	strace $0x9000004A  }
0x194: {  	s0 =	stileid.u32;
	[bflag:$0x2] =	sbarrier.arrive $0xFFFF  }
0x195: {  	p0 =	sne.s32 s0, $0x0;
	s0 =	rddreg [dreg:$0x4]  }
0x196: {  	s0 =	sadd.s32 @!p0 $0x100000, s0  }
0x197: {  	[sflag:s0] =	ssyncadd.tile.s32 @!p0 $0x1;
	_ =	shalt  }
.Lfunc_end2:
_tile_overlayer_lowered:
.L_overlay_start_2:
0x198: {  	(tag) =	ssettag $0x2  }
0x199: {  	s0 =	rddreg [dreg:$0x0];
	s2 =	stileid.u32  }
0x19a: {  	s1 =	rddreg [dreg:$0x1];
	p0 =	sne.s32 s2, $0x0  }
0x19b: {  	s3 =	rddreg [dreg:$0x2];
	[bflag:$0x3] =	sbarrier.arrive $0xFFFF;
	s2 =	simm.s32 @!p0 $0x1C03  }
0x19c: {  	[timem:s3], [sflag:s2] =	dma.local @!p0 [hbm:s0], s1  }
0x19d: {  	s0 =	simm.s32 @!p0 $0x3  }
0x19e: {  	_ =	swait.ge @!p0 [sflag:s0], s1  }
0x19f: {  	s1 =	ssub.s32 @!p0 $0x0, s1;
	[sflag:s0] =	ssyncset.done @!p0 $0x0  }
0x1a0: {  	[sflag:s0] =	ssyncadd.s32 @!p0 s1  }
0x1a1: {  	[bflag:$0x3] =	sbarrier.arrive $0xFFFF  }
0x1a2: {  	_ =	shalt  }

</sc_bundles>
